<compile_context>
chip_gen: v7x
topology: tpu7x:2x2x1
jax: 0.10.2.dev20260603
libtpu: 0.0.44.dev20260713+nightly
codegen_flags: <defaults>
</compile_context>

<pallas_src>
import functools

import jax
import jax.numpy as jnp
from jax import lax
from jax.experimental import pallas as pl
from jax.experimental.pallas import tpu as pltpu
from jax.experimental.pallas import tpu_sc as plsc

BATCH = 16384
D = 64
NROWS = 1000000
NC = 2
NS = 16
NW = NC * NS
BPW = BATCH // NW
CHW = 6
CW = CHW * 128
SB = 128
NTC = NROWS // 128
TAILC = NTC - CHW
TAILROW = NTC * 128

_mesh = plsc.VectorSubcoreMesh(core_axis_name="c", subcore_axis_name="s")


@functools.partial(
    pl.kernel,
    mesh=_mesh,
    compiler_params=pltpu.CompilerParams(needs_layout_passes=False),
    out_type=(jax.ShapeDtypeStruct((BATCH, 128), jnp.float32),
              jax.ShapeDtypeStruct((BATCH, 128), jnp.float32)),
    scratch_types=[
        pltpu.VMEM((BPW + 16,), jnp.int32),
        pltpu.VMEM((BPW // SB, SB), jnp.int32),
        pltpu.VMEM((8, 8, 2 * CW), jnp.float32),
        pltpu.VMEM((D, 128), jnp.float32),
        pltpu.VMEM((SB, 128), jnp.float32),
        pltpu.SemaphoreType.DMA,
        pltpu.SemaphoreType.DMA,
        pltpu.SemaphoreType.DMA,
    ],
)
def _gather_kernel(suidx_hbm, uperm_hbm, siidx_hbm, iperm_hbm,
                   utab_hbm, itab_hbm, utail_hbm, itail_hbm,
                   uscr_hbm, iscr_hbm,
                   seg_v, perm_v, chunk_v, tail_v, rows_v, semA, semB, sem2):
    wid = lax.axis_index("s") * NC + lax.axis_index("c")
    base = wid * BPW
    dvecs = [c * 16 + lax.iota(jnp.int32, 16) for c in range(D // 16)]
    bvecs = [(c * 16 + lax.iota(jnp.int32, 16)) >> 3 for c in range(D // 16)]
    svecs = [(c * 16 + lax.iota(jnp.int32, 16)) & 7 for c in range(D // 16)]

    def process_table(sidx_hbm, perm_hbm, tab3_hbm, tail_hbm, scr_hbm):
        pltpu.sync_copy(sidx_hbm.at[pl.ds(base, BPW)],
                        seg_v.at[pl.ds(0, BPW)])
        for j in range(BPW // SB):
            pltpu.sync_copy(perm_hbm.at[pl.ds(base + j * SB, SB)],
                            perm_v.at[j])
        pltpu.sync_copy(tail_hbm, tail_v)

        def extract(p, u, cstart, half):
            slot = p & (SB - 1)
            @pl.when(u < TAILROW)
            def _():
                col = jnp.full((16,), half * CW + (u - cstart), jnp.int32)
                for c in range(D // 16):
                    rows_v[slot, pl.ds(c * 16, 16)] = plsc.load_gather(
                        chunk_v, [bvecs[c], svecs[c], col])

            @pl.when(u >= TAILROW)
            def _():
                colt = jnp.full((16,), u - TAILROW, jnp.int32)
                for c in range(D // 16):
                    rows_v[slot, pl.ds(c * 16, 16)] = plsc.load_gather(
                        tail_v, [dvecs[c], colt])

            @pl.when(slot == SB - 1)
            def _():
                pltpu.async_copy(rows_v, scr_hbm.at[perm_v.at[p >> 7]],
                                 sem2).wait()

        def fetch(win, half, sem):
            cstart = jnp.minimum(win, jnp.int32(TAILC)) * 128
            pltpu.async_copy(
                tab3_hbm.at[:, :, pl.ds(cstart, CW)],
                chunk_v.at[:, :, pl.ds(half * CW, CW)], sem)

        def drain(sem):
            pltpu.make_async_copy(
                tab3_hbm.at[:, :, pl.ds(0, CW)],
                chunk_v.at[:, :, pl.ds(0, CW)], sem).wait()

        def run_window(p, u, win, half):
            cstart = jnp.minimum(win, jnp.int32(TAILC)) * 128
            cend = cstart + CW

            def inner_body(carry):
                pp, uu = carry
                extract(pp, uu, cstart, half)
                nxt = seg_v[pl.ds(pp + 1, 16)]
                return pp + 1, nxt[0]

            def inner_cond(carry):
                pp, uu = carry
                return (pp < BPW) & ((uu < cend) | (uu >= TAILROW))

            return lax.while_loop(inner_cond, inner_body, (p, u))

        head = seg_v[pl.ds(0, 16)]
        u0 = head[0]
        u_last = seg_v[pl.ds(BPW - 16, 16)][15]
        tc_lo = jnp.minimum(u0 >> 7, jnp.int32(TAILC))
        span_hi = jnp.minimum(u_last >> 7, jnp.int32(NTC - 1))
        nchunks = jnp.maximum((span_hi - tc_lo + CHW) // CHW, 1)
        npairs = (nchunks + 1) // 2

        fetch(tc_lo, 0, semA)
        fetch(tc_lo + CHW, 1, semB)

        def pair_body(k2, carry):
            p, u = carry
            drain(semA)
            p, u = run_window(p, u, tc_lo + (2 * k2) * CHW, 0)
            fetch(tc_lo + (2 * k2 + 2) * CHW, 0, semA)
            drain(semB)
            p, u = run_window(p, u, tc_lo + (2 * k2 + 1) * CHW, 1)
            fetch(tc_lo + (2 * k2 + 3) * CHW, 1, semB)
            return p, u

        lax.fori_loop(0, npairs, pair_body, (jnp.int32(0), u0))
        drain(semA)
        drain(semB)

    process_table(suidx_hbm, uperm_hbm, utab_hbm, utail_hbm, uscr_hbm)
    process_table(siidx_hbm, iperm_hbm, itab_hbm, itail_hbm, iscr_hbm)


def _dot_body(u_ref, i_ref, o_ref):
    prod = u_ref[...] * i_ref[...]
    col = lax.broadcasted_iota(jnp.int32, prod.shape, 1)
    prod = jnp.where(col < D, prod, 0.0)
    o_ref[...] = jnp.sum(prod, axis=1)


_dot_tc = pl.pallas_call(
    _dot_body,
    grid=(8,),
    in_specs=[pl.BlockSpec((BATCH // 8, 128), lambda i: (i, 0)),
              pl.BlockSpec((BATCH // 8, 128), lambda i: (i, 0))],
    out_specs=pl.BlockSpec((BATCH // 8,), lambda i: (i,)),
    out_shape=jax.ShapeDtypeStruct((BATCH,), jnp.float32),
)


def kernel(user_indices, item_indices, user_table, item_table):
    ui = user_indices.astype(jnp.int32)
    ii = item_indices.astype(jnp.int32)
    pos = lax.iota(jnp.int32, BATCH)
    su, pu = lax.sort_key_val(ui, pos)
    si, pi = lax.sort_key_val(ii, pos)
    utab3 = user_table.T.reshape(8, 8, NROWS)
    itab3 = item_table.T.reshape(8, 8, NROWS)
    utail = jnp.pad(user_table[TAILROW:].T, ((0, 0), (0, 128 - (NROWS - TAILROW))))
    itail = jnp.pad(item_table[TAILROW:].T, ((0, 0), (0, 128 - (NROWS - TAILROW))))
    uscr, iscr = _gather_kernel(su, pu, si, pi, utab3, itab3, utail, itail)
    out = _dot_tc(uscr, iscr)
    return out.reshape(BATCH, 1)

# --- scband reference (transcript-rebuilt; emitter-appended) ---
"""Pipeline reference for scband-matrix-factorization-14113262535119 (READ-ONLY COPY).

The authoritative reference and input builder live on the scoring server;
editing this copy changes nothing except your own understanding.
"""

import jax, jax.numpy as jnp
import numpy as np

NUM_USERS = 1000000
NUM_ITEMS = 1000000
EMBED_DIM = 64
BATCH = 16384

def setup_inputs(seed: int = 0) -> dict:
    key = jax.random.key(seed)
    k1, k2, k3, k4 = jax.random.split(key, 4)
    user_indices = jax.random.randint(k1, (BATCH,), 0, NUM_USERS, dtype=jnp.int64 if jax.config.jax_enable_x64 else jnp.int32)
    item_indices = jax.random.randint(k2, (BATCH,), 0, NUM_ITEMS, dtype=jnp.int64 if jax.config.jax_enable_x64 else jnp.int32)
    user_table = jax.random.normal(k3, (NUM_USERS, EMBED_DIM), dtype=jnp.float32) * 0.01
    item_table = jax.random.normal(k4, (NUM_ITEMS, EMBED_DIM), dtype=jnp.float32) * 0.01
    return {"user_indices": user_indices, "item_indices": item_indices, "user_table": user_table, "item_table": item_table}

def reference(user_indices, item_indices, user_table, item_table):
    user_emb = jnp.take(user_table, user_indices, axis=0)
    item_emb = jnp.take(item_table, item_indices, axis=0)
    return jnp.sum(user_emb * item_emb, axis=1, keepdims=True)

if __name__ == "__main__":
    import jax
    _d = setup_inputs()
    print(jax.jit(kernel)(*tuple(_d.values())))

</pallas_src>

<mosaic_0001>
#map = affine_map<(d0, d1) -> (0)>
#map1 = affine_map<(d0, d1) -> (0, 0, 0)>
#map2 = affine_map<(d0, d1) -> (0, 0)>
module attributes {stable_mosaic.version = 14 : i64} {
  func.func @_gather_kernel(%arg0: i32, %arg1: i32, %arg2: memref<16384xi32, #tpu.memory_space<hbm>>, %arg3: memref<16384xi32, #tpu.memory_space<hbm>>, %arg4: memref<16384xi32, #tpu.memory_space<hbm>>, %arg5: memref<16384xi32, #tpu.memory_space<hbm>>, %arg6: memref<8x8x1000000xf32, #tpu.memory_space<hbm>>, %arg7: memref<8x8x1000000xf32, #tpu.memory_space<hbm>>, %arg8: memref<64x128xf32, #tpu.memory_space<hbm>>, %arg9: memref<64x128xf32, #tpu.memory_space<hbm>>, %arg10: memref<16384x128xf32, #tpu.memory_space<hbm>>, %arg11: memref<16384x128xf32, #tpu.memory_space<hbm>>, %arg12: memref<528xi32, #tpu.memory_space<vmem>>, %arg13: memref<4x128xi32, #tpu.memory_space<vmem>>, %arg14: memref<8x8x1536xf32, #tpu.memory_space<vmem>>, %arg15: memref<64x128xf32, #tpu.memory_space<vmem>>, %arg16: memref<128x128xf32, #tpu.memory_space<vmem>>, %arg17: memref<!tpu.dma_semaphore, #tpu.memory_space<semaphore_mem>>, %arg18: memref<!tpu.dma_semaphore, #tpu.memory_space<semaphore_mem>>, %arg19: memref<!tpu.dma_semaphore, #tpu.memory_space<semaphore_mem>>) attributes {dimension_semantics = [#tpu.dimension_semantics<core_parallel>, #tpu.dimension_semantics<subcore_parallel>], iteration_bounds = array<i64: 2, 16>, scalar_prefetch = 0 : i64, scratch_operands = 8 : i64, tpu.core_type = #tpu.core_type<sc_vector_subcore>, window_params = [{transform_indices = #map}, {transform_indices = #map}, {transform_indices = #map}, {transform_indices = #map}, {transform_indices = #map1}, {transform_indices = #map1}, {transform_indices = #map2}, {transform_indices = #map2}, {transform_indices = #map2}, {transform_indices = #map2}]} {
    %mul3A = arith.constant 2 : i32
    %mul3A_0 = arith.muli %arg1, %mul3A : i32
    %add3A = arith.addi %mul3A_0, %arg0 : i32
    %mul3A_1 = arith.constant 512 : i32
    %mul3A_2 = arith.muli %add3A, %mul3A_1 : i32
    %iota3A = tpu.iota {dimensions = array<i32: 0>} : vector<16xi32>
    %add3A_3 = arith.constant 0 : i32
    %add3A_4 = vector.broadcast %add3A_3 : i32 to vector<16xi32>
    %add3A_5 = arith.addi %add3A_4, %iota3A : vector<16xi32>
    %iota3A_6 = tpu.iota {dimensions = array<i32: 0>} : vector<16xi32>
    %add3A_7 = arith.constant 16 : i32
    %add3A_8 = vector.broadcast %add3A_7 : i32 to vector<16xi32>
    %add3A_9 = arith.addi %add3A_8, %iota3A_6 : vector<16xi32>
    %iota3A_10 = tpu.iota {dimensions = array<i32: 0>} : vector<16xi32>
    %add3A_11 = arith.constant 32 : i32
    %add3A_12 = vector.broadcast %add3A_11 : i32 to vector<16xi32>
    %add3A_13 = arith.addi %add3A_12, %iota3A_10 : vector<16xi32>
    %iota3A_14 = tpu.iota {dimensions = array<i32: 0>} : vector<16xi32>
    %add3A_15 = arith.constant 48 : i32
    %add3A_16 = vector.broadcast %add3A_15 : i32 to vector<16xi32>
    %add3A_17 = arith.addi %add3A_16, %iota3A_14 : vector<16xi32>
    %iota3A_18 = tpu.iota {dimensions = array<i32: 0>} : vector<16xi32>
    %add3A_19 = arith.constant 0 : i32
    %add3A_20 = vector.broadcast %add3A_19 : i32 to vector<16xi32>
    %add3A_21 = arith.addi %add3A_20, %iota3A_18 : vector<16xi32>
    %shift_right_arithmetic3A = arith.constant 3 : i32
    %shift_right_arithmetic3A_22 = vector.broadcast %shift_right_arithmetic3A : i32 to vector<16xi32>
    %shift_right_arithmetic3A_23 = arith.shrsi %add3A_21, %shift_right_arithmetic3A_22 : vector<16xi32>
    %iota3A_24 = tpu.iota {dimensions = array<i32: 0>} : vector<16xi32>
    %add3A_25 = arith.constant 16 : i32
    %add3A_26 = vector.broadcast %add3A_25 : i32 to vector<16xi32>
    %add3A_27 = arith.addi %add3A_26, %iota3A_24 : vector<16xi32>
    %shift_right_arithmetic3A_28 = arith.constant 3 : i32
    %shift_right_arithmetic3A_29 = vector.broadcast %shift_right_arithmetic3A_28 : i32 to vector<16xi32>
    %shift_right_arithmetic3A_30 = arith.shrsi %add3A_27, %shift_right_arithmetic3A_29 : vector<16xi32>
    %iota3A_31 = tpu.iota {dimensions = array<i32: 0>} : vector<16xi32>
    %add3A_32 = arith.constant 32 : i32
    %add3A_33 = vector.broadcast %add3A_32 : i32 to vector<16xi32>
    %add3A_34 = arith.addi %add3A_33, %iota3A_31 : vector<16xi32>
    %shift_right_arithmetic3A_35 = arith.constant 3 : i32
    %shift_right_arithmetic3A_36 = vector.broadcast %shift_right_arithmetic3A_35 : i32 to vector<16xi32>
    %shift_right_arithmetic3A_37 = arith.shrsi %add3A_34, %shift_right_arithmetic3A_36 : vector<16xi32>
    %iota3A_38 = tpu.iota {dimensions = array<i32: 0>} : vector<16xi32>
    %add3A_39 = arith.constant 48 : i32
    %add3A_40 = vector.broadcast %add3A_39 : i32 to vector<16xi32>
    %add3A_41 = arith.addi %add3A_40, %iota3A_38 : vector<16xi32>
    %shift_right_arithmetic3A_42 = arith.constant 3 : i32
    %shift_right_arithmetic3A_43 = vector.broadcast %shift_right_arithmetic3A_42 : i32 to vector<16xi32>
    %shift_right_arithmetic3A_44 = arith.shrsi %add3A_41, %shift_right_arithmetic3A_43 : vector<16xi32>
    %iota3A_45 = tpu.iota {dimensions = array<i32: 0>} : vector<16xi32>
    %add3A_46 = arith.constant 0 : i32
    %add3A_47 = vector.broadcast %add3A_46 : i32 to vector<16xi32>
    %add3A_48 = arith.addi %add3A_47, %iota3A_45 : vector<16xi32>
    %and3A = arith.constant 7 : i32
    %and3A_49 = vector.broadcast %and3A : i32 to vector<16xi32>
    %and3A_50 = arith.andi %add3A_48, %and3A_49 : vector<16xi32>
    %iota3A_51 = tpu.iota {dimensions = array<i32: 0>} : vector<16xi32>
    %add3A_52 = arith.constant 16 : i32
    %add3A_53 = vector.broadcast %add3A_52 : i32 to vector<16xi32>
    %add3A_54 = arith.addi %add3A_53, %iota3A_51 : vector<16xi32>
    %and3A_55 = arith.constant 7 : i32
    %and3A_56 = vector.broadcast %and3A_55 : i32 to vector<16xi32>
    %and3A_57 = arith.andi %add3A_54, %and3A_56 : vector<16xi32>
    %iota3A_58 = tpu.iota {dimensions = array<i32: 0>} : vector<16xi32>
    %add3A_59 = arith.constant 32 : i32
    %add3A_60 = vector.broadcast %add3A_59 : i32 to vector<16xi32>
    %add3A_61 = arith.addi %add3A_60, %iota3A_58 : vector<16xi32>
    %and3A_62 = arith.constant 7 : i32
    %and3A_63 = vector.broadcast %and3A_62 : i32 to vector<16xi32>
    %and3A_64 = arith.andi %add3A_61, %and3A_63 : vector<16xi32>
    %iota3A_65 = tpu.iota {dimensions = array<i32: 0>} : vector<16xi32>
    %add3A_66 = arith.constant 48 : i32
    %add3A_67 = vector.broadcast %add3A_66 : i32 to vector<16xi32>
    %add3A_68 = arith.addi %add3A_67, %iota3A_65 : vector<16xi32>
    %and3A_69 = arith.constant 7 : i32
    %and3A_70 = vector.broadcast %and3A_69 : i32 to vector<16xi32>
    %and3A_71 = arith.andi %add3A_68, %and3A_70 : vector<16xi32>
    "tpu.region"() ({
      %run_scoped3A_386 = tpu.sem_alloc : memref<!tpu.dma_semaphore, #tpu.memory_space<semaphore_mem>>
      %dma_start3A_387 = arith.constant 0 : i32
      %dma_start3A_388 = tpu.memref_slice %arg12[%dma_start3A_387] : memref<528xi32, #tpu.memory_space<vmem>> -> memref<512xi32, #tpu.memory_space<vmem>>
      %dma_start3A_389 = tpu.memref_slice %arg2[%mul3A_2] : memref<16384xi32, #tpu.memory_space<hbm>> -> memref<512xi32, #tpu.memory_space<hbm>>
      %dma_start3A_390 = arith.constant 0 : i32
      %dma_start3A_391 = tpu.memref_slice %arg12[%dma_start3A_390] : memref<528xi32, #tpu.memory_space<vmem>> -> memref<512xi32, #tpu.memory_space<vmem>>
      %dma_start3A_392 = tpu.memref_slice %arg2[%mul3A_2] : memref<16384xi32, #tpu.memory_space<hbm>> -> memref<512xi32, #tpu.memory_space<hbm>>
      tpu.enqueue_dma source(%dma_start3A_392 : memref<512xi32, #tpu.memory_space<hbm>>) target(%dma_start3A_391 : memref<512xi32, #tpu.memory_space<vmem>>) target_semaphore(%run_scoped3A_386 : memref<!tpu.dma_semaphore, #tpu.memory_space<semaphore_mem>>)
      %dma_wait3A_393 = arith.constant 0 : i32
      %dma_wait3A_394 = tpu.memref_slice %arg12[%dma_wait3A_393] : memref<528xi32, #tpu.memory_space<vmem>> -> memref<512xi32, #tpu.memory_space<vmem>>
      %dma_wait3A_395 = tpu.memref_slice %arg2[%mul3A_2] : memref<16384xi32, #tpu.memory_space<hbm>> -> memref<512xi32, #tpu.memory_space<hbm>>
      %dma_wait3A_396 = arith.constant 0 : i32
      %dma_wait3A_397 = tpu.memref_slice %arg12[%dma_wait3A_396] : memref<528xi32, #tpu.memory_space<vmem>> -> memref<512xi32, #tpu.memory_space<vmem>>
      %dma_wait3A_398 = tpu.memref_slice %arg2[%mul3A_2] : memref<16384xi32, #tpu.memory_space<hbm>> -> memref<512xi32, #tpu.memory_space<hbm>>
      tpu.wait_dma2 semaphore(%run_scoped3A_386 : memref<!tpu.dma_semaphore, #tpu.memory_space<semaphore_mem>>) src(%dma_wait3A_398 : memref<512xi32, #tpu.memory_space<hbm>>) dst(%dma_wait3A_397 : memref<512xi32, #tpu.memory_space<vmem>>)
      tpu.yield
    }) : () -> ()
    %add3A_72 = arith.constant 0 : i32
    %add3A_73 = arith.addi %mul3A_2, %add3A_72 : i32
    %run_scoped3A = arith.constant 0 : i32
    "tpu.region"() ({
      %run_scoped3A_386 = tpu.sem_alloc : memref<!tpu.dma_semaphore, #tpu.memory_space<semaphore_mem>>
      %dma_start3A_387 = arith.constant 0 : i32
      %dma_start3A_388 = tpu.memref_slice %arg13[%run_scoped3A, %dma_start3A_387] : memref<4x128xi32, #tpu.memory_space<vmem>> -> memref<1x128xi32, #tpu.memory_space<vmem>>
      %dma_start3A_389 = tpu.memref_squeeze %dma_start3A_388 : memref<1x128xi32, #tpu.memory_space<vmem>> -> memref<128xi32, #tpu.memory_space<vmem>>
      %dma_start3A_390 = tpu.memref_slice %arg3[%add3A_73] : memref<16384xi32, #tpu.memory_space<hbm>> -> memref<128xi32, #tpu.memory_space<hbm>>
      %dma_start3A_391 = arith.constant 0 : i32
      %dma_start3A_392 = tpu.memref_slice %arg13[%run_scoped3A, %dma_start3A_391] : memref<4x128xi32, #tpu.memory_space<vmem>> -> memref<1x128xi32, #tpu.memory_space<vmem>>
      %dma_start3A_393 = tpu.memref_squeeze %dma_start3A_392 : memref<1x128xi32, #tpu.memory_space<vmem>> -> memref<128xi32, #tpu.memory_space<vmem>>
      %dma_start3A_394 = tpu.memref_slice %arg3[%add3A_73] : memref<16384xi32, #tpu.memory_space<hbm>> -> memref<128xi32, #tpu.memory_space<hbm>>
      tpu.enqueue_dma source(%dma_start3A_394 : memref<128xi32, #tpu.memory_space<hbm>>) target(%dma_start3A_393 : memref<128xi32, #tpu.memory_space<vmem>>) target_semaphore(%run_scoped3A_386 : memref<!tpu.dma_semaphore, #tpu.memory_space<semaphore_mem>>)
      %dma_wait3A_395 = arith.constant 0 : i32
      %dma_wait3A_396 = tpu.memref_slice %arg13[%run_scoped3A, %dma_wait3A_395] : memref<4x128xi32, #tpu.memory_space<vmem>> -> memref<1x128xi32, #tpu.memory_space<vmem>>
      %dma_wait3A_397 = tpu.memref_squeeze %dma_wait3A_396 : memref<1x128xi32, #tpu.memory_space<vmem>> -> memref<128xi32, #tpu.memory_space<vmem>>
      %dma_wait3A_398 = tpu.memref_slice %arg3[%add3A_73] : memref<16384xi32, #tpu.memory_space<hbm>> -> memref<128xi32, #tpu.memory_space<hbm>>
      %dma_wait3A_399 = arith.constant 0 : i32
      %dma_wait3A_400 = tpu.memref_slice %arg13[%run_scoped3A, %dma_wait3A_399] : memref<4x128xi32, #tpu.memory_space<vmem>> -> memref<1x128xi32, #tpu.memory_space<vmem>>
      %dma_wait3A_401 = tpu.memref_squeeze %dma_wait3A_400 : memref<1x128xi32, #tpu.memory_space<vmem>> -> memref<128xi32, #tpu.memory_space<vmem>>
      %dma_wait3A_402 = tpu.memref_slice %arg3[%add3A_73] : memref<16384xi32, #tpu.memory_space<hbm>> -> memref<128xi32, #tpu.memory_space<hbm>>
      tpu.wait_dma2 semaphore(%run_scoped3A_386 : memref<!tpu.dma_semaphore, #tpu.memory_space<semaphore_mem>>) src(%dma_wait3A_402 : memref<128xi32, #tpu.memory_space<hbm>>) dst(%dma_wait3A_401 : memref<128xi32, #tpu.memory_space<vmem>>)
      tpu.yield
    }) : () -> ()
    %add3A_74 = arith.constant 128 : i32
    %add3A_75 = arith.addi %mul3A_2, %add3A_74 : i32
    %run_scoped3A_76 = arith.constant 1 : i32
    "tpu.region"() ({
      %run_scoped3A_386 = tpu.sem_alloc : memref<!tpu.dma_semaphore, #tpu.memory_space<semaphore_mem>>
      %dma_start3A_387 = arith.constant 0 : i32
      %dma_start3A_388 = tpu.memref_slice %arg13[%run_scoped3A_76, %dma_start3A_387] : memref<4x128xi32, #tpu.memory_space<vmem>> -> memref<1x128xi32, #tpu.memory_space<vmem>>
      %dma_start3A_389 = tpu.memref_squeeze %dma_start3A_388 : memref<1x128xi32, #tpu.memory_space<vmem>> -> memref<128xi32, #tpu.memory_space<vmem>>
      %dma_start3A_390 = tpu.memref_slice %arg3[%add3A_75] : memref<16384xi32, #tpu.memory_space<hbm>> -> memref<128xi32, #tpu.memory_space<hbm>>
      %dma_start3A_391 = arith.constant 0 : i32
      %dma_start3A_392 = tpu.memref_slice %arg13[%run_scoped3A_76, %dma_start3A_391] : memref<4x128xi32, #tpu.memory_space<vmem>> -> memref<1x128xi32, #tpu.memory_space<vmem>>
      %dma_start3A_393 = tpu.memref_squeeze %dma_start3A_392 : memref<1x128xi32, #tpu.memory_space<vmem>> -> memref<128xi32, #tpu.memory_space<vmem>>
      %dma_start3A_394 = tpu.memref_slice %arg3[%add3A_75] : memref<16384xi32, #tpu.memory_space<hbm>> -> memref<128xi32, #tpu.memory_space<hbm>>
      tpu.enqueue_dma source(%dma_start3A_394 : memref<128xi32, #tpu.memory_space<hbm>>) target(%dma_start3A_393 : memref<128xi32, #tpu.memory_space<vmem>>) target_semaphore(%run_scoped3A_386 : memref<!tpu.dma_semaphore, #tpu.memory_space<semaphore_mem>>)
      %dma_wait3A_395 = arith.constant 0 : i32
      %dma_wait3A_396 = tpu.memref_slice %arg13[%run_scoped3A_76, %dma_wait3A_395] : memref<4x128xi32, #tpu.memory_space<vmem>> -> memref<1x128xi32, #tpu.memory_space<vmem>>
      %dma_wait3A_397 = tpu.memref_squeeze %dma_wait3A_396 : memref<1x128xi32, #tpu.memory_space<vmem>> -> memref<128xi32, #tpu.memory_space<vmem>>
      %dma_wait3A_398 = tpu.memref_slice %arg3[%add3A_75] : memref<16384xi32, #tpu.memory_space<hbm>> -> memref<128xi32, #tpu.memory_space<hbm>>
      %dma_wait3A_399 = arith.constant 0 : i32
      %dma_wait3A_400 = tpu.memref_slice %arg13[%run_scoped3A_76, %dma_wait3A_399] : memref<4x128xi32, #tpu.memory_space<vmem>> -> memref<1x128xi32, #tpu.memory_space<vmem>>
      %dma_wait3A_401 = tpu.memref_squeeze %dma_wait3A_400 : memref<1x128xi32, #tpu.memory_space<vmem>> -> memref<128xi32, #tpu.memory_space<vmem>>
      %dma_wait3A_402 = tpu.memref_slice %arg3[%add3A_75] : memref<16384xi32, #tpu.memory_space<hbm>> -> memref<128xi32, #tpu.memory_space<hbm>>
      tpu.wait_dma2 semaphore(%run_scoped3A_386 : memref<!tpu.dma_semaphore, #tpu.memory_space<semaphore_mem>>) src(%dma_wait3A_402 : memref<128xi32, #tpu.memory_space<hbm>>) dst(%dma_wait3A_401 : memref<128xi32, #tpu.memory_space<vmem>>)
      tpu.yield
    }) : () -> ()
    %add3A_77 = arith.constant 256 : i32
    %add3A_78 = arith.addi %mul3A_2, %add3A_77 : i32
    %run_scoped3A_79 = arith.constant 2 : i32
    "tpu.region"() ({
      %run_scoped3A_386 = tpu.sem_alloc : memref<!tpu.dma_semaphore, #tpu.memory_space<semaphore_mem>>
      %dma_start3A_387 = arith.constant 0 : i32
      %dma_start3A_388 = tpu.memref_slice %arg13[%run_scoped3A_79, %dma_start3A_387] : memref<4x128xi32, #tpu.memory_space<vmem>> -> memref<1x128xi32, #tpu.memory_space<vmem>>
      %dma_start3A_389 = tpu.memref_squeeze %dma_start3A_388 : memref<1x128xi32, #tpu.memory_space<vmem>> -> memref<128xi32, #tpu.memory_space<vmem>>
      %dma_start3A_390 = tpu.memref_slice %arg3[%add3A_78] : memref<16384xi32, #tpu.memory_space<hbm>> -> memref<128xi32, #tpu.memory_space<hbm>>
      %dma_start3A_391 = arith.constant 0 : i32
      %dma_start3A_392 = tpu.memref_slice %arg13[%run_scoped3A_79, %dma_start3A_391] : memref<4x128xi32, #tpu.memory_space<vmem>> -> memref<1x128xi32, #tpu.memory_space<vmem>>
      %dma_start3A_393 = tpu.memref_squeeze %dma_start3A_392 : memref<1x128xi32, #tpu.memory_space<vmem>> -> memref<128xi32, #tpu.memory_space<vmem>>
      %dma_start3A_394 = tpu.memref_slice %arg3[%add3A_78] : memref<16384xi32, #tpu.memory_space<hbm>> -> memref<128xi32, #tpu.memory_space<hbm>>
      tpu.enqueue_dma source(%dma_start3A_394 : memref<128xi32, #tpu.memory_space<hbm>>) target(%dma_start3A_393 : memref<128xi32, #tpu.memory_space<vmem>>) target_semaphore(%run_scoped3A_386 : memref<!tpu.dma_semaphore, #tpu.memory_space<semaphore_mem>>)
      %dma_wait3A_395 = arith.constant 0 : i32
      %dma_wait3A_396 = tpu.memref_slice %arg13[%run_scoped3A_79, %dma_wait3A_395] : memref<4x128xi32, #tpu.memory_space<vmem>> -> memref<1x128xi32, #tpu.memory_space<vmem>>
      %dma_wait3A_397 = tpu.memref_squeeze %dma_wait3A_396 : memref<1x128xi32, #tpu.memory_space<vmem>> -> memref<128xi32, #tpu.memory_space<vmem>>
      %dma_wait3A_398 = tpu.memref_slice %arg3[%add3A_78] : memref<16384xi32, #tpu.memory_space<hbm>> -> memref<128xi32, #tpu.memory_space<hbm>>
      %dma_wait3A_399 = arith.constant 0 : i32
      %dma_wait3A_400 = tpu.memref_slice %arg13[%run_scoped3A_79, %dma_wait3A_399] : memref<4x128xi32, #tpu.memory_space<vmem>> -> memref<1x128xi32, #tpu.memory_space<vmem>>
      %dma_wait3A_401 = tpu.memref_squeeze %dma_wait3A_400 : memref<1x128xi32, #tpu.memory_space<vmem>> -> memref<128xi32, #tpu.memory_space<vmem>>
      %dma_wait3A_402 = tpu.memref_slice %arg3[%add3A_78] : memref<16384xi32, #tpu.memory_space<hbm>> -> memref<128xi32, #tpu.memory_space<hbm>>
      tpu.wait_dma2 semaphore(%run_scoped3A_386 : memref<!tpu.dma_semaphore, #tpu.memory_space<semaphore_mem>>) src(%dma_wait3A_402 : memref<128xi32, #tpu.memory_space<hbm>>) dst(%dma_wait3A_401 : memref<128xi32, #tpu.memory_space<vmem>>)
      tpu.yield
    }) : () -> ()
    %add3A_80 = arith.constant 384 : i32
    %add3A_81 = arith.addi %mul3A_2, %add3A_80 : i32
    %run_scoped3A_82 = arith.constant 3 : i32
    "tpu.region"() ({
      %run_scoped3A_386 = tpu.sem_alloc : memref<!tpu.dma_semaphore, #tpu.memory_space<semaphore_mem>>
      %dma_start3A_387 = arith.constant 0 : i32
      %dma_start3A_388 = tpu.memref_slice %arg13[%run_scoped3A_82, %dma_start3A_387] : memref<4x128xi32, #tpu.memory_space<vmem>> -> memref<1x128xi32, #tpu.memory_space<vmem>>
      %dma_start3A_389 = tpu.memref_squeeze %dma_start3A_388 : memref<1x128xi32, #tpu.memory_space<vmem>> -> memref<128xi32, #tpu.memory_space<vmem>>
      %dma_start3A_390 = tpu.memref_slice %arg3[%add3A_81] : memref<16384xi32, #tpu.memory_space<hbm>> -> memref<128xi32, #tpu.memory_space<hbm>>
      %dma_start3A_391 = arith.constant 0 : i32
      %dma_start3A_392 = tpu.memref_slice %arg13[%run_scoped3A_82, %dma_start3A_391] : memref<4x128xi32, #tpu.memory_space<vmem>> -> memref<1x128xi32, #tpu.memory_space<vmem>>
      %dma_start3A_393 = tpu.memref_squeeze %dma_start3A_392 : memref<1x128xi32, #tpu.memory_space<vmem>> -> memref<128xi32, #tpu.memory_space<vmem>>
      %dma_start3A_394 = tpu.memref_slice %arg3[%add3A_81] : memref<16384xi32, #tpu.memory_space<hbm>> -> memref<128xi32, #tpu.memory_space<hbm>>
      tpu.enqueue_dma source(%dma_start3A_394 : memref<128xi32, #tpu.memory_space<hbm>>) target(%dma_start3A_393 : memref<128xi32, #tpu.memory_space<vmem>>) target_semaphore(%run_scoped3A_386 : memref<!tpu.dma_semaphore, #tpu.memory_space<semaphore_mem>>)
      %dma_wait3A_395 = arith.constant 0 : i32
      %dma_wait3A_396 = tpu.memref_slice %arg13[%run_scoped3A_82, %dma_wait3A_395] : memref<4x128xi32, #tpu.memory_space<vmem>> -> memref<1x128xi32, #tpu.memory_space<vmem>>
      %dma_wait3A_397 = tpu.memref_squeeze %dma_wait3A_396 : memref<1x128xi32, #tpu.memory_space<vmem>> -> memref<128xi32, #tpu.memory_space<vmem>>
      %dma_wait3A_398 = tpu.memref_slice %arg3[%add3A_81] : memref<16384xi32, #tpu.memory_space<hbm>> -> memref<128xi32, #tpu.memory_space<hbm>>
      %dma_wait3A_399 = arith.constant 0 : i32
      %dma_wait3A_400 = tpu.memref_slice %arg13[%run_scoped3A_82, %dma_wait3A_399] : memref<4x128xi32, #tpu.memory_space<vmem>> -> memref<1x128xi32, #tpu.memory_space<vmem>>
      %dma_wait3A_401 = tpu.memref_squeeze %dma_wait3A_400 : memref<1x128xi32, #tpu.memory_space<vmem>> -> memref<128xi32, #tpu.memory_space<vmem>>
      %dma_wait3A_402 = tpu.memref_slice %arg3[%add3A_81] : memref<16384xi32, #tpu.memory_space<hbm>> -> memref<128xi32, #tpu.memory_space<hbm>>
      tpu.wait_dma2 semaphore(%run_scoped3A_386 : memref<!tpu.dma_semaphore, #tpu.memory_space<semaphore_mem>>) src(%dma_wait3A_402 : memref<128xi32, #tpu.memory_space<hbm>>) dst(%dma_wait3A_401 : memref<128xi32, #tpu.memory_space<vmem>>)
      tpu.yield
    }) : () -> ()
    "tpu.region"() ({
      %run_scoped3A_386 = tpu.sem_alloc : memref<!tpu.dma_semaphore, #tpu.memory_space<semaphore_mem>>
      tpu.enqueue_dma source(%arg8 : memref<64x128xf32, #tpu.memory_space<hbm>>) target(%arg15 : memref<64x128xf32, #tpu.memory_space<vmem>>) target_semaphore(%run_scoped3A_386 : memref<!tpu.dma_semaphore, #tpu.memory_space<semaphore_mem>>)
      tpu.wait_dma2 semaphore(%run_scoped3A_386 : memref<!tpu.dma_semaphore, #tpu.memory_space<semaphore_mem>>) src(%arg8 : memref<64x128xf32, #tpu.memory_space<hbm>>) dst(%arg15 : memref<64x128xf32, #tpu.memory_space<vmem>>)
      tpu.yield
    }) : () -> ()
    %get3A = arith.constant 0 : index
    %get3A_83 = tpu.vector_load %arg12[%get3A] {strides = array<i32>} : memref<528xi32, #tpu.memory_space<vmem>>, vector<16xi32>,
    %slice3A = vector.extract_strided_slice %get3A_83 {offsets = [0], sizes = [1], strides = [1]} : vector<16xi32> to vector<1xi32>
    %squeeze3A = vector.extract %slice3A[0] : i32 from vector<1xi32>
    %get3A_84 = arith.constant 496 : index
    %get3A_85 = tpu.vector_load %arg12[%get3A_84] {strides = array<i32>} : memref<528xi32, #tpu.memory_space<vmem>>, vector<16xi32>,
    %slice3A_86 = vector.extract_strided_slice %get3A_85 {offsets = [15], sizes = [1], strides = [1]} : vector<16xi32> to vector<1xi32>
    %squeeze3A_87 = vector.extract %slice3A_86[0] : i32 from vector<1xi32>
    %shift_right_arithmetic3A_88 = arith.constant 7 : i32
    %shift_right_arithmetic3A_89 = arith.shrsi %squeeze3A, %shift_right_arithmetic3A_88 : i32
    %min3A = arith.constant 7806 : i32
    %min3A_90 = arith.minsi %shift_right_arithmetic3A_89, %min3A : i32
    %shift_right_arithmetic3A_91 = arith.constant 7 : i32
    %shift_right_arithmetic3A_92 = arith.shrsi %squeeze3A_87, %shift_right_arithmetic3A_91 : i32
    %min3A_93 = arith.constant 7811 : i32
    %min3A_94 = arith.minsi %shift_right_arithmetic3A_92, %min3A_93 : i32
    %sub3A = arith.subi %min3A_94, %min3A_90 : i32
    %add3A_95 = arith.constant 6 : i32
    %add3A_96 = arith.addi %sub3A, %add3A_95 : i32
    %jit3A = arith.constant 6 : i32
    %div3A = arith.divsi %add3A_96, %jit3A : i32
    %sign3A = arith.constant 0 : i32
    %sign3A_97 = arith.cmpi sgt, %add3A_96, %sign3A : i32
    %sign3A_98 = arith.extui %sign3A_97 : i1 to i32
    %sign3A_99 = arith.constant 0 : i32
    %sign3A_100 = arith.cmpi slt, %add3A_96, %sign3A_99 : i32
    %sign3A_101 = arith.extui %sign3A_100 : i1 to i32
    %sign3A_102 = arith.subi %sign3A_98, %sign3A_101 : i32
    %sign3A_103 = arith.constant 0 : i32
    %sign3A_104 = arith.cmpi sgt, %jit3A, %sign3A_103 : i32
    %sign3A_105 = arith.extui %sign3A_104 : i1 to i32
    %sign3A_106 = arith.constant 0 : i32
    %sign3A_107 = arith.cmpi slt, %jit3A, %sign3A_106 : i32
    %sign3A_108 = arith.extui %sign3A_107 : i1 to i32
    %sign3A_109 = arith.subi %sign3A_105, %sign3A_108 : i32
    %ne3A = arith.cmpi ne, %sign3A_102, %sign3A_109 : i32
    %rem3A = arith.remsi %add3A_96, %jit3A : i32
    %ne3A_110 = arith.constant 0 : i32
    %ne3A_111 = arith.cmpi ne, %rem3A, %ne3A_110 : i32
    %and3A_112 = arith.andi %ne3A, %ne3A_111 : i1
    %sub3A_113 = arith.constant 1 : i32
    %sub3A_114 = arith.subi %div3A, %sub3A_113 : i32
    %select_n3A = arith.select %and3A_112, %sub3A_114, %div3A : i32
    %max3A = arith.constant 1 : i32
    %max3A_115 = arith.maxsi %select_n3A, %max3A : i32
    %add3A_116 = arith.constant 1 : i32
    %add3A_117 = arith.addi %max3A_115, %add3A_116 : i32
    %jit3A_118 = arith.constant 2 : i32
    %div3A_119 = arith.divsi %add3A_117, %jit3A_118 : i32
    %sign3A_120 = arith.constant 0 : i32
    %sign3A_121 = arith.cmpi sgt, %add3A_117, %sign3A_120 : i32
    %sign3A_122 = arith.extui %sign3A_121 : i1 to i32
    %sign3A_123 = arith.constant 0 : i32
    %sign3A_124 = arith.cmpi slt, %add3A_117, %sign3A_123 : i32
    %sign3A_125 = arith.extui %sign3A_124 : i1 to i32
    %sign3A_126 = arith.subi %sign3A_122, %sign3A_125 : i32
    %sign3A_127 = arith.constant 0 : i32
    %sign3A_128 = arith.cmpi sgt, %jit3A_118, %sign3A_127 : i32
    %sign3A_129 = arith.extui %sign3A_128 : i1 to i32
    %sign3A_130 = arith.constant 0 : i32
    %sign3A_131 = arith.cmpi slt, %jit3A_118, %sign3A_130 : i32
    %sign3A_132 = arith.extui %sign3A_131 : i1 to i32
    %sign3A_133 = arith.subi %sign3A_129, %sign3A_132 : i32
    %ne3A_134 = arith.cmpi ne, %sign3A_126, %sign3A_133 : i32
    %rem3A_135 = arith.remsi %add3A_117, %jit3A_118 : i32
    %ne3A_136 = arith.constant 0 : i32
    %ne3A_137 = arith.cmpi ne, %rem3A_135, %ne3A_136 : i32
    %and3A_138 = arith.andi %ne3A_134, %ne3A_137 : i1
    %sub3A_139 = arith.constant 1 : i32
    %sub3A_140 = arith.subi %div3A_119, %sub3A_139 : i32
    %select_n3A_141 = arith.select %and3A_138, %sub3A_140, %div3A_119 : i32
    %min3A_142 = arith.constant 7806 : i32
    %min3A_143 = arith.minsi %min3A_90, %min3A_142 : i32
    %mul3A_144 = arith.constant 128 : i32
    %mul3A_145 = arith.muli %min3A_143, %mul3A_144 : i32
    %dma_start3A = arith.constant 0 : i32
    %dma_start3A_146 = arith.constant 0 : i32
    %dma_start3A_147 = arith.constant 0 : i32
    %dma_start3A_148 = tpu.memref_slice %arg14[%dma_start3A, %dma_start3A_146, %dma_start3A_147] : memref<8x8x1536xf32, #tpu.memory_space<vmem>> -> memref<8x8x768xf32, #tpu.memory_space<vmem>>
    %dma_start3A_149 = arith.constant 0 : i32
    %dma_start3A_150 = arith.constant 0 : i32
    %dma_start3A_151 = tpu.memref_slice %arg6[%dma_start3A_149, %dma_start3A_150, %mul3A_145] : memref<8x8x1000000xf32, #tpu.memory_space<hbm>> -> memref<8x8x768xf32, #tpu.memory_space<hbm>>
    %dma_start3A_152 = arith.constant 0 : i32
    %dma_start3A_153 = arith.constant 0 : i32
    %dma_start3A_154 = arith.constant 0 : i32
    %dma_start3A_155 = tpu.memref_slice %arg14[%dma_start3A_152, %dma_start3A_153, %dma_start3A_154] : memref<8x8x1536xf32, #tpu.memory_space<vmem>> -> memref<8x8x768xf32, #tpu.memory_space<vmem>>
    %dma_start3A_156 = arith.constant 0 : i32
    %dma_start3A_157 = arith.constant 0 : i32
    %dma_start3A_158 = tpu.memref_slice %arg6[%dma_start3A_156, %dma_start3A_157, %mul3A_145] : memref<8x8x1000000xf32, #tpu.memory_space<hbm>> -> memref<8x8x768xf32, #tpu.memory_space<hbm>>
    tpu.enqueue_dma source(%dma_start3A_158 : memref<8x8x768xf32, #tpu.memory_space<hbm>>) target(%dma_start3A_155 : memref<8x8x768xf32, #tpu.memory_space<vmem>>) target_semaphore(%arg17 : memref<!tpu.dma_semaphore, #tpu.memory_space<semaphore_mem>>)
    %add3A_159 = arith.constant 6 : i32
    %add3A_160 = arith.addi %min3A_90, %add3A_159 : i32
    %min3A_161 = arith.constant 7806 : i32
    %min3A_162 = arith.minsi %add3A_160, %min3A_161 : i32
    %mul3A_163 = arith.constant 128 : i32
    %mul3A_164 = arith.muli %min3A_162, %mul3A_163 : i32
    %dma_start3A_165 = arith.constant 0 : i32
    %dma_start3A_166 = arith.constant 0 : i32
    %dma_start3A_167 = arith.constant 768 : i32
    %dma_start3A_168 = tpu.memref_slice %arg14[%dma_start3A_165, %dma_start3A_166, %dma_start3A_167] : memref<8x8x1536xf32, #tpu.memory_space<vmem>> -> memref<8x8x768xf32, #tpu.memory_space<vmem>>
    %dma_start3A_169 = arith.constant 0 : i32
    %dma_start3A_170 = arith.constant 0 : i32
    %dma_start3A_171 = tpu.memref_slice %arg6[%dma_start3A_169, %dma_start3A_170, %mul3A_164] : memref<8x8x1000000xf32, #tpu.memory_space<hbm>> -> memref<8x8x768xf32, #tpu.memory_space<hbm>>
    %dma_start3A_172 = arith.constant 0 : i32
    %dma_start3A_173 = arith.constant 0 : i32
    %dma_start3A_174 = arith.constant 768 : i32
    %dma_start3A_175 = tpu.memref_slice %arg14[%dma_start3A_172, %dma_start3A_173, %dma_start3A_174] : memref<8x8x1536xf32, #tpu.memory_space<vmem>> -> memref<8x8x768xf32, #tpu.memory_space<vmem>>
    %dma_start3A_176 = arith.constant 0 : i32
    %dma_start3A_177 = arith.constant 0 : i32
    %dma_start3A_178 = tpu.memref_slice %arg6[%dma_start3A_176, %dma_start3A_177, %mul3A_164] : memref<8x8x1000000xf32, #tpu.memory_space<hbm>> -> memref<8x8x768xf32, #tpu.memory_space<hbm>>
    tpu.enqueue_dma source(%dma_start3A_178 : memref<8x8x768xf32, #tpu.memory_space<hbm>>) target(%dma_start3A_175 : memref<8x8x768xf32, #tpu.memory_space<vmem>>) target_semaphore(%arg18 : memref<!tpu.dma_semaphore, #tpu.memory_space<semaphore_mem>>)
    %while3A = arith.constant 0 : i32
    %while3A_179 = arith.constant 0 : i32
    %while3A_180 = arith.subi %select_n3A_141, %while3A : i32
    %while3A_181 = arith.addi %while3A, %while3A_180 : i32
    %while3A_182 = arith.constant 1 : i32
    %while3A_183 = arith.divsi %while3A_180, %while3A_182 : i32
    %while3A_184 = arith.muli %while3A_183, %while3A_182 : i32
    %while3A_185 = arith.addi %while3A, %while3A_184 : i32
    %while3A_186 = arith.constant 1 : i32
    %while3A_187:2 = scf.for %while3A_386 = %while3A to %while3A_185 step %while3A_186 iter_args(%while3A_387 = %while3A_179, %while3A_388 = %squeeze3A) -> (i32, i32)  : i32 {
      %dma_wait3A_389 = arith.constant 0 : i32
      %dma_wait3A_390 = arith.constant 0 : i32
      %dma_wait3A_391 = arith.constant 0 : i32
      %dma_wait3A_392 = tpu.memref_slice %arg14[%dma_wait3A_389, %dma_wait3A_390, %dma_wait3A_391] : memref<8x8x1536xf32, #tpu.memory_space<vmem>> -> memref<8x8x768xf32, #tpu.memory_space<vmem>>
      %dma_wait3A_393 = arith.constant 0 : i32
      %dma_wait3A_394 = arith.constant 0 : i32
      %dma_wait3A_395 = arith.constant 0 : i32
      %dma_wait3A_396 = tpu.memref_slice %arg6[%dma_wait3A_393, %dma_wait3A_394, %dma_wait3A_395] : memref<8x8x1000000xf32, #tpu.memory_space<hbm>> -> memref<8x8x768xf32, #tpu.memory_space<hbm>>
      %dma_wait3A_397 = arith.constant 0 : i32
      %dma_wait3A_398 = arith.constant 0 : i32
      %dma_wait3A_399 = arith.constant 0 : i32
      %dma_wait3A_400 = tpu.memref_slice %arg14[%dma_wait3A_397, %dma_wait3A_398, %dma_wait3A_399] : memref<8x8x1536xf32, #tpu.memory_space<vmem>> -> memref<8x8x768xf32, #tpu.memory_space<vmem>>
      %dma_wait3A_401 = arith.constant 0 : i32
      %dma_wait3A_402 = arith.constant 0 : i32
      %dma_wait3A_403 = arith.constant 0 : i32
      %dma_wait3A_404 = tpu.memref_slice %arg6[%dma_wait3A_401, %dma_wait3A_402, %dma_wait3A_403] : memref<8x8x1000000xf32, #tpu.memory_space<hbm>> -> memref<8x8x768xf32, #tpu.memory_space<hbm>>
      tpu.wait_dma2 semaphore(%arg17 : memref<!tpu.dma_semaphore, #tpu.memory_space<semaphore_mem>>) src(%dma_wait3A_404 : memref<8x8x768xf32, #tpu.memory_space<hbm>>) dst(%dma_wait3A_400 : memref<8x8x768xf32, #tpu.memory_space<vmem>>)
      %mul3A_405 = arith.constant 2 : i32
      %mul3A_406 = arith.muli %mul3A_405, %while3A_386 : i32
      %mul3A_407 = arith.constant 6 : i32
      %mul3A_408 = arith.muli %mul3A_406, %mul3A_407 : i32
      %add3A_409 = arith.addi %min3A_90, %mul3A_408 : i32
      %min3A_410 = arith.constant 7806 : i32
      %min3A_411 = arith.minsi %add3A_409, %min3A_410 : i32
      %mul3A_412 = arith.constant 128 : i32
      %mul3A_413 = arith.muli %min3A_411, %mul3A_412 : i32
      %add3A_414 = arith.constant 768 : i32
      %add3A_415 = arith.addi %mul3A_413, %add3A_414 : i32
      %while3A_416:2 = scf.while (%while3A_497 = %while3A_387, %while3A_498 = %while3A_388) : (i32, i32) -> (i32, i32) {
        %lt3A = arith.constant 512 : i32
        %lt3A_499 = arith.cmpi slt, %while3A_497, %lt3A : i32
        %lt3A_500 = arith.cmpi slt, %while3A_498, %add3A_415 : i32
        %ge3A = arith.constant 999936 : i32
        %ge3A_501 = arith.cmpi sge, %while3A_498, %ge3A : i32
        %or3A = arith.ori %lt3A_500, %ge3A_501 : i1
        %and3A_502 = arith.andi %lt3A_499, %or3A : i1
        scf.condition(%and3A_502) %while3A_497, %while3A_498 : i32, i32
      } do {
      ^bb0(%while3A_497: i32, %while3A_498: i32):
        %and3A_499 = arith.constant 127 : i32
        %and3A_500 = arith.andi %while3A_497, %and3A_499 : i32
        %lt3A = arith.constant 999936 : i32
        %lt3A_501 = arith.cmpi slt, %while3A_498, %lt3A : i32
        %convert_element_type3A = arith.extui %lt3A_501 : i1 to i32
        %cond3A = arith.constant 0 : i32
        %cond3A_502 = arith.cmpi ne, %convert_element_type3A, %cond3A : i32
        scf.if %cond3A_502 {
          %sub3A_519 = arith.subi %while3A_498, %mul3A_413 : i32
          %add3A_520 = arith.constant 0 : i32
          %add3A_521 = arith.addi %add3A_520, %sub3A_519 : i32
          %broadcast_in_dim3A = vector.broadcast %add3A_521 : i32 to vector<16xi32>
          %gather3A = tpu.vector_load_idx %arg14[%shift_right_arithmetic3A_23, %and3A_50, %broadcast_in_dim3A] : memref<8x8x1536xf32, #tpu.memory_space<vmem>>[vector<16xi32>, vector<16xi32>, vector<16xi32>], vector<16xf32>,
          %swap3A = arith.index_cast %and3A_500 : i32 to index
          %swap3A_522 = arith.constant 0 : index
          %swap3A_523 = tpu.vector_load %arg16[%swap3A, %swap3A_522] {strides = array<i32>} : memref<128x128xf32, #tpu.memory_space<vmem>>, vector<16xf32>,
          tpu.vector_store %arg16[%swap3A, %swap3A_522], %gather3A {strides = array<i32>} : memref<128x128xf32, #tpu.memory_space<vmem>>, vector<16xf32>,
          %gather3A_524 = tpu.vector_load_idx %arg14[%shift_right_arithmetic3A_30, %and3A_57, %broadcast_in_dim3A] : memref<8x8x1536xf32, #tpu.memory_space<vmem>>[vector<16xi32>, vector<16xi32>, vector<16xi32>], vector<16xf32>,
          %swap3A_525 = arith.index_cast %and3A_500 : i32 to index
          %swap3A_526 = arith.constant 16 : index
          %swap3A_527 = tpu.vector_load %arg16[%swap3A_525, %swap3A_526] {strides = array<i32>} : memref<128x128xf32, #tpu.memory_space<vmem>>, vector<16xf32>,
          tpu.vector_store %arg16[%swap3A_525, %swap3A_526], %gather3A_524 {strides = array<i32>} : memref<128x128xf32, #tpu.memory_space<vmem>>, vector<16xf32>,
          %gather3A_528 = tpu.vector_load_idx %arg14[%shift_right_arithmetic3A_37, %and3A_64, %broadcast_in_dim3A] : memref<8x8x1536xf32, #tpu.memory_space<vmem>>[vector<16xi32>, vector<16xi32>, vector<16xi32>], vector<16xf32>,
          %swap3A_529 = arith.index_cast %and3A_500 : i32 to index
          %swap3A_530 = arith.constant 32 : index
          %swap3A_531 = tpu.vector_load %arg16[%swap3A_529, %swap3A_530] {strides = array<i32>} : memref<128x128xf32, #tpu.memory_space<vmem>>, vector<16xf32>,
          tpu.vector_store %arg16[%swap3A_529, %swap3A_530], %gather3A_528 {strides = array<i32>} : memref<128x128xf32, #tpu.memory_space<vmem>>, vector<16xf32>,
          %gather3A_532 = tpu.vector_load_idx %arg14[%shift_right_arithmetic3A_44, %and3A_71, %broadcast_in_dim3A] : memref<8x8x1536xf32, #tpu.memory_space<vmem>>[vector<16xi32>, vector<16xi32>, vector<16xi32>], vector<16xf32>,
          %swap3A_533 = arith.index_cast %and3A_500 : i32 to index
          %swap3A_534 = arith.constant 48 : index
          %swap3A_535 = tpu.vector_load %arg16[%swap3A_533, %swap3A_534] {strides = array<i32>} : memref<128x128xf32, #tpu.memory_space<vmem>>, vector<16xf32>,
          tpu.vector_store %arg16[%swap3A_533, %swap3A_534], %gather3A_532 {strides = array<i32>} : memref<128x128xf32, #tpu.memory_space<vmem>>, vector<16xf32>,
        } else {
        }
        %ge3A = arith.constant 999936 : i32
        %ge3A_503 = arith.cmpi sge, %while3A_498, %ge3A : i32
        %convert_element_type3A_504 = arith.extui %ge3A_503 : i1 to i32
        %cond3A_505 = arith.constant 0 : i32
        %cond3A_506 = arith.cmpi ne, %convert_element_type3A_504, %cond3A_505 : i32
        scf.if %cond3A_506 {
          %sub3A_519 = arith.constant 999936 : i32
          %sub3A_520 = arith.subi %while3A_498, %sub3A_519 : i32
          %broadcast_in_dim3A = vector.broadcast %sub3A_520 : i32 to vector<16xi32>
          %gather3A = tpu.vector_load_idx %arg15[%add3A_5, %broadcast_in_dim3A] : memref<64x128xf32, #tpu.memory_space<vmem>>[vector<16xi32>, vector<16xi32>], vector<16xf32>,
          %swap3A = arith.index_cast %and3A_500 : i32 to index
          %swap3A_521 = arith.constant 0 : index
          %swap3A_522 = tpu.vector_load %arg16[%swap3A, %swap3A_521] {strides = array<i32>} : memref<128x128xf32, #tpu.memory_space<vmem>>, vector<16xf32>,
          tpu.vector_store %arg16[%swap3A, %swap3A_521], %gather3A {strides = array<i32>} : memref<128x128xf32, #tpu.memory_space<vmem>>, vector<16xf32>,
          %gather3A_523 = tpu.vector_load_idx %arg15[%add3A_9, %broadcast_in_dim3A] : memref<64x128xf32, #tpu.memory_space<vmem>>[vector<16xi32>, vector<16xi32>], vector<16xf32>,
          %swap3A_524 = arith.index_cast %and3A_500 : i32 to index
          %swap3A_525 = arith.constant 16 : index
          %swap3A_526 = tpu.vector_load %arg16[%swap3A_524, %swap3A_525] {strides = array<i32>} : memref<128x128xf32, #tpu.memory_space<vmem>>, vector<16xf32>,
          tpu.vector_store %arg16[%swap3A_524, %swap3A_525], %gather3A_523 {strides = array<i32>} : memref<128x128xf32, #tpu.memory_space<vmem>>, vector<16xf32>,
          %gather3A_527 = tpu.vector_load_idx %arg15[%add3A_13, %broadcast_in_dim3A] : memref<64x128xf32, #tpu.memory_space<vmem>>[vector<16xi32>, vector<16xi32>], vector<16xf32>,
          %swap3A_528 = arith.index_cast %and3A_500 : i32 to index
          %swap3A_529 = arith.constant 32 : index
          %swap3A_530 = tpu.vector_load %arg16[%swap3A_528, %swap3A_529] {strides = array<i32>} : memref<128x128xf32, #tpu.memory_space<vmem>>, vector<16xf32>,
          tpu.vector_store %arg16[%swap3A_528, %swap3A_529], %gather3A_527 {strides = array<i32>} : memref<128x128xf32, #tpu.memory_space<vmem>>, vector<16xf32>,
          %gather3A_531 = tpu.vector_load_idx %arg15[%add3A_17, %broadcast_in_dim3A] : memref<64x128xf32, #tpu.memory_space<vmem>>[vector<16xi32>, vector<16xi32>], vector<16xf32>,
          %swap3A_532 = arith.index_cast %and3A_500 : i32 to index
          %swap3A_533 = arith.constant 48 : index
          %swap3A_534 = tpu.vector_load %arg16[%swap3A_532, %swap3A_533] {strides = array<i32>} : memref<128x128xf32, #tpu.memory_space<vmem>>, vector<16xf32>,
          tpu.vector_store %arg16[%swap3A_532, %swap3A_533], %gather3A_531 {strides = array<i32>} : memref<128x128xf32, #tpu.memory_space<vmem>>, vector<16xf32>,
        } else {
        }
        %eq3A = arith.constant 127 : i32
        %eq3A_507 = arith.cmpi eq, %and3A_500, %eq3A : i32
        %convert_element_type3A_508 = arith.extui %eq3A_507 : i1 to i32
        %cond3A_509 = arith.constant 0 : i32
        %cond3A_510 = arith.cmpi ne, %convert_element_type3A_508, %cond3A_509 : i32
        scf.if %cond3A_510 {
          %shift_right_arithmetic3A_519 = arith.constant 7 : i32
          %shift_right_arithmetic3A_520 = arith.shrsi %while3A_497, %shift_right_arithmetic3A_519 : i32
          %dma_start3A_521 = arith.constant 0 : i32
          %dma_start3A_522 = tpu.memref_slice %arg13[%shift_right_arithmetic3A_520, %dma_start3A_521] : memref<4x128xi32, #tpu.memory_space<vmem>> -> memref<1x128xi32, #tpu.memory_space<vmem>>
          %dma_start3A_523 = tpu.memref_squeeze %dma_start3A_522 : memref<1x128xi32, #tpu.memory_space<vmem>> -> memref<128xi32, #tpu.memory_space<vmem>>
          %dma_start3A_524 = arith.constant 0 : i32
          %dma_start3A_525 = arith.constant 0 : i32
          %dma_start3A_526 = tpu.memref_slice %arg10[%dma_start3A_524, %dma_start3A_525] : memref<16384x128xf32, #tpu.memory_space<hbm>> -> memref<16384x128xf32, #tpu.memory_space<hbm>>
          tpu.enqueue_indirect_dma source(%arg16 : memref<128x128xf32, #tpu.memory_space<vmem>>) target(%dma_start3A_526 : memref<16384x128xf32, #tpu.memory_space<hbm>>) offsets(%dma_start3A_523 : memref<128xi32, #tpu.memory_space<vmem>>) semaphore(%arg19 : memref<!tpu.dma_semaphore, #tpu.memory_space<semaphore_mem>>)
          %dma_wait3A_527 = arith.constant 0 : i32
          %dma_wait3A_528 = tpu.memref_slice %arg13[%shift_right_arithmetic3A_520, %dma_wait3A_527] : memref<4x128xi32, #tpu.memory_space<vmem>> -> memref<1x128xi32, #tpu.memory_space<vmem>>
          %dma_wait3A_529 = tpu.memref_squeeze %dma_wait3A_528 : memref<1x128xi32, #tpu.memory_space<vmem>> -> memref<128xi32, #tpu.memory_space<vmem>>
          %dma_wait3A_530 = arith.constant 0 : i32
          %dma_wait3A_531 = arith.constant 0 : i32
          %dma_wait3A_532 = tpu.memref_slice %arg10[%dma_wait3A_530, %dma_wait3A_531] : memref<16384x128xf32, #tpu.memory_space<hbm>> -> memref<16384x128xf32, #tpu.memory_space<hbm>>
          tpu.wait_indirect_dma semaphore(%arg19 : memref<!tpu.dma_semaphore, #tpu.memory_space<semaphore_mem>>) src(%arg16 : memref<128x128xf32, #tpu.memory_space<vmem>>) dst(%dma_wait3A_532 : memref<16384x128xf32, #tpu.memory_space<hbm>>)
        } else {
        }
        %add3A_511 = arith.constant 1 : i32
        %add3A_512 = arith.addi %while3A_497, %add3A_511 : i32
        %get3A_513 = arith.index_cast %add3A_512 : i32 to index
        %get3A_514 = tpu.vector_load %arg12[%get3A_513] {strides = array<i32>} : memref<528xi32, #tpu.memory_space<vmem>>, vector<16xi32>,
        %add3A_515 = arith.constant 1 : i32
        %add3A_516 = arith.addi %while3A_497, %add3A_515 : i32
        %slice3A_517 = vector.extract_strided_slice %get3A_514 {offsets = [0], sizes = [1], strides = [1]} : vector<16xi32> to vector<1xi32>
        %squeeze3A_518 = vector.extract %slice3A_517[0] : i32 from vector<1xi32>
        scf.yield %add3A_516, %squeeze3A_518 : i32, i32
      }
      %mul3A_417 = arith.constant 2 : i32
      %mul3A_418 = arith.muli %mul3A_417, %while3A_386 : i32
      %add3A_419 = arith.constant 2 : i32
      %add3A_420 = arith.addi %mul3A_418, %add3A_419 : i32
      %mul3A_421 = arith.constant 6 : i32
      %mul3A_422 = arith.muli %add3A_420, %mul3A_421 : i32
      %add3A_423 = arith.addi %min3A_90, %mul3A_422 : i32
      %min3A_424 = arith.constant 7806 : i32
      %min3A_425 = arith.minsi %add3A_423, %min3A_424 : i32
      %mul3A_426 = arith.constant 128 : i32
      %mul3A_427 = arith.muli %min3A_425, %mul3A_426 : i32
      %dma_start3A_428 = arith.constant 0 : i32
      %dma_start3A_429 = arith.constant 0 : i32
      %dma_start3A_430 = arith.constant 0 : i32
      %dma_start3A_431 = tpu.memref_slice %arg14[%dma_start3A_428, %dma_start3A_429, %dma_start3A_430] : memref<8x8x1536xf32, #tpu.memory_space<vmem>> -> memref<8x8x768xf32, #tpu.memory_space<vmem>>
      %dma_start3A_432 = arith.constant 0 : i32
      %dma_start3A_433 = arith.constant 0 : i32
      %dma_start3A_434 = tpu.memref_slice %arg6[%dma_start3A_432, %dma_start3A_433, %mul3A_427] : memref<8x8x1000000xf32, #tpu.memory_space<hbm>> -> memref<8x8x768xf32, #tpu.memory_space<hbm>>
      %dma_start3A_435 = arith.constant 0 : i32
      %dma_start3A_436 = arith.constant 0 : i32
      %dma_start3A_437 = arith.constant 0 : i32
      %dma_start3A_438 = tpu.memref_slice %arg14[%dma_start3A_435, %dma_start3A_436, %dma_start3A_437] : memref<8x8x1536xf32, #tpu.memory_space<vmem>> -> memref<8x8x768xf32, #tpu.memory_space<vmem>>
      %dma_start3A_439 = arith.constant 0 : i32
      %dma_start3A_440 = arith.constant 0 : i32
      %dma_start3A_441 = tpu.memref_slice %arg6[%dma_start3A_439, %dma_start3A_440, %mul3A_427] : memref<8x8x1000000xf32, #tpu.memory_space<hbm>> -> memref<8x8x768xf32, #tpu.memory_space<hbm>>
      tpu.enqueue_dma source(%dma_start3A_441 : memref<8x8x768xf32, #tpu.memory_space<hbm>>) target(%dma_start3A_438 : memref<8x8x768xf32, #tpu.memory_space<vmem>>) target_semaphore(%arg17 : memref<!tpu.dma_semaphore, #tpu.memory_space<semaphore_mem>>)
      %dma_wait3A_442 = arith.constant 0 : i32
      %dma_wait3A_443 = arith.constant 0 : i32
      %dma_wait3A_444 = arith.constant 0 : i32
      %dma_wait3A_445 = tpu.memref_slice %arg14[%dma_wait3A_442, %dma_wait3A_443, %dma_wait3A_444] : memref<8x8x1536xf32, #tpu.memory_space<vmem>> -> memref<8x8x768xf32, #tpu.memory_space<vmem>>
      %dma_wait3A_446 = arith.constant 0 : i32
      %dma_wait3A_447 = arith.constant 0 : i32
      %dma_wait3A_448 = arith.constant 0 : i32
      %dma_wait3A_449 = tpu.memref_slice %arg6[%dma_wait3A_446, %dma_wait3A_447, %dma_wait3A_448] : memref<8x8x1000000xf32, #tpu.memory_space<hbm>> -> memref<8x8x768xf32, #tpu.memory_space<hbm>>
      %dma_wait3A_450 = arith.constant 0 : i32
      %dma_wait3A_451 = arith.constant 0 : i32
      %dma_wait3A_452 = arith.constant 0 : i32
      %dma_wait3A_453 = tpu.memref_slice %arg14[%dma_wait3A_450, %dma_wait3A_451, %dma_wait3A_452] : memref<8x8x1536xf32, #tpu.memory_space<vmem>> -> memref<8x8x768xf32, #tpu.memory_space<vmem>>
      %dma_wait3A_454 = arith.constant 0 : i32
      %dma_wait3A_455 = arith.constant 0 : i32
      %dma_wait3A_456 = arith.constant 0 : i32
      %dma_wait3A_457 = tpu.memref_slice %arg6[%dma_wait3A_454, %dma_wait3A_455, %dma_wait3A_456] : memref<8x8x1000000xf32, #tpu.memory_space<hbm>> -> memref<8x8x768xf32, #tpu.memory_space<hbm>>
      tpu.wait_dma2 semaphore(%arg18 : memref<!tpu.dma_semaphore, #tpu.memory_space<semaphore_mem>>) src(%dma_wait3A_457 : memref<8x8x768xf32, #tpu.memory_space<hbm>>) dst(%dma_wait3A_453 : memref<8x8x768xf32, #tpu.memory_space<vmem>>)
      %mul3A_458 = arith.constant 2 : i32
      %mul3A_459 = arith.muli %mul3A_458, %while3A_386 : i32
      %add3A_460 = arith.constant 1 : i32
      %add3A_461 = arith.addi %mul3A_459, %add3A_460 : i32
      %mul3A_462 = arith.constant 6 : i32
      %mul3A_463 = arith.muli %add3A_461, %mul3A_462 : i32
      %add3A_464 = arith.addi %min3A_90, %mul3A_463 : i32
      %min3A_465 = arith.constant 7806 : i32
      %min3A_466 = arith.minsi %add3A_464, %min3A_465 : i32
      %mul3A_467 = arith.constant 128 : i32
      %mul3A_468 = arith.muli %min3A_466, %mul3A_467 : i32
      %add3A_469 = arith.constant 768 : i32
      %add3A_470 = arith.addi %mul3A_468, %add3A_469 : i32
      %while3A_471:2 = scf.while (%while3A_497 = %while3A_416#0, %while3A_498 = %while3A_416#1) : (i32, i32) -> (i32, i32) {
        %lt3A = arith.constant 512 : i32
        %lt3A_499 = arith.cmpi slt, %while3A_497, %lt3A : i32
        %lt3A_500 = arith.cmpi slt, %while3A_498, %add3A_470 : i32
        %ge3A = arith.constant 999936 : i32
        %ge3A_501 = arith.cmpi sge, %while3A_498, %ge3A : i32
        %or3A = arith.ori %lt3A_500, %ge3A_501 : i1
        %and3A_502 = arith.andi %lt3A_499, %or3A : i1
        scf.condition(%and3A_502) %while3A_497, %while3A_498 : i32, i32
      } do {
      ^bb0(%while3A_497: i32, %while3A_498: i32):
        %and3A_499 = arith.constant 127 : i32
        %and3A_500 = arith.andi %while3A_497, %and3A_499 : i32
        %lt3A = arith.constant 999936 : i32
        %lt3A_501 = arith.cmpi slt, %while3A_498, %lt3A : i32
        %convert_element_type3A = arith.extui %lt3A_501 : i1 to i32
        %cond3A = arith.constant 0 : i32
        %cond3A_502 = arith.cmpi ne, %convert_element_type3A, %cond3A : i32
        scf.if %cond3A_502 {
          %sub3A_519 = arith.subi %while3A_498, %mul3A_468 : i32
          %add3A_520 = arith.constant 768 : i32
          %add3A_521 = arith.addi %add3A_520, %sub3A_519 : i32
          %broadcast_in_dim3A = vector.broadcast %add3A_521 : i32 to vector<16xi32>
          %gather3A = tpu.vector_load_idx %arg14[%shift_right_arithmetic3A_23, %and3A_50, %broadcast_in_dim3A] : memref<8x8x1536xf32, #tpu.memory_space<vmem>>[vector<16xi32>, vector<16xi32>, vector<16xi32>], vector<16xf32>,
          %swap3A = arith.index_cast %and3A_500 : i32 to index
          %swap3A_522 = arith.constant 0 : index
          %swap3A_523 = tpu.vector_load %arg16[%swap3A, %swap3A_522] {strides = array<i32>} : memref<128x128xf32, #tpu.memory_space<vmem>>, vector<16xf32>,
          tpu.vector_store %arg16[%swap3A, %swap3A_522], %gather3A {strides = array<i32>} : memref<128x128xf32, #tpu.memory_space<vmem>>, vector<16xf32>,
          %gather3A_524 = tpu.vector_load_idx %arg14[%shift_right_arithmetic3A_30, %and3A_57, %broadcast_in_dim3A] : memref<8x8x1536xf32, #tpu.memory_space<vmem>>[vector<16xi32>, vector<16xi32>, vector<16xi32>], vector<16xf32>,
          %swap3A_525 = arith.index_cast %and3A_500 : i32 to index
          %swap3A_526 = arith.constant 16 : index
          %swap3A_527 = tpu.vector_load %arg16[%swap3A_525, %swap3A_526] {strides = array<i32>} : memref<128x128xf32, #tpu.memory_space<vmem>>, vector<16xf32>,
          tpu.vector_store %arg16[%swap3A_525, %swap3A_526], %gather3A_524 {strides = array<i32>} : memref<128x128xf32, #tpu.memory_space<vmem>>, vector<16xf32>,
          %gather3A_528 = tpu.vector_load_idx %arg14[%shift_right_arithmetic3A_37, %and3A_64, %broadcast_in_dim3A] : memref<8x8x1536xf32, #tpu.memory_space<vmem>>[vector<16xi32>, vector<16xi32>, vector<16xi32>], vector<16xf32>,
          %swap3A_529 = arith.index_cast %and3A_500 : i32 to index
          %swap3A_530 = arith.constant 32 : index
          %swap3A_531 = tpu.vector_load %arg16[%swap3A_529, %swap3A_530] {strides = array<i32>} : memref<128x128xf32, #tpu.memory_space<vmem>>, vector<16xf32>,
          tpu.vector_store %arg16[%swap3A_529, %swap3A_530], %gather3A_528 {strides = array<i32>} : memref<128x128xf32, #tpu.memory_space<vmem>>, vector<16xf32>,
          %gather3A_532 = tpu.vector_load_idx %arg14[%shift_right_arithmetic3A_44, %and3A_71, %broadcast_in_dim3A] : memref<8x8x1536xf32, #tpu.memory_space<vmem>>[vector<16xi32>, vector<16xi32>, vector<16xi32>], vector<16xf32>,
          %swap3A_533 = arith.index_cast %and3A_500 : i32 to index
          %swap3A_534 = arith.constant 48 : index
          %swap3A_535 = tpu.vector_load %arg16[%swap3A_533, %swap3A_534] {strides = array<i32>} : memref<128x128xf32, #tpu.memory_space<vmem>>, vector<16xf32>,
          tpu.vector_store %arg16[%swap3A_533, %swap3A_534], %gather3A_532 {strides = array<i32>} : memref<128x128xf32, #tpu.memory_space<vmem>>, vector<16xf32>,
        } else {
        }
        %ge3A = arith.constant 999936 : i32
        %ge3A_503 = arith.cmpi sge, %while3A_498, %ge3A : i32
        %convert_element_type3A_504 = arith.extui %ge3A_503 : i1 to i32
        %cond3A_505 = arith.constant 0 : i32
        %cond3A_506 = arith.cmpi ne, %convert_element_type3A_504, %cond3A_505 : i32
        scf.if %cond3A_506 {
          %sub3A_519 = arith.constant 999936 : i32
          %sub3A_520 = arith.subi %while3A_498, %sub3A_519 : i32
          %broadcast_in_dim3A = vector.broadcast %sub3A_520 : i32 to vector<16xi32>
          %gather3A = tpu.vector_load_idx %arg15[%add3A_5, %broadcast_in_dim3A] : memref<64x128xf32, #tpu.memory_space<vmem>>[vector<16xi32>, vector<16xi32>], vector<16xf32>,
          %swap3A = arith.index_cast %and3A_500 : i32 to index
          %swap3A_521 = arith.constant 0 : index
          %swap3A_522 = tpu.vector_load %arg16[%swap3A, %swap3A_521] {strides = array<i32>} : memref<128x128xf32, #tpu.memory_space<vmem>>, vector<16xf32>,
          tpu.vector_store %arg16[%swap3A, %swap3A_521], %gather3A {strides = array<i32>} : memref<128x128xf32, #tpu.memory_space<vmem>>, vector<16xf32>,
          %gather3A_523 = tpu.vector_load_idx %arg15[%add3A_9, %broadcast_in_dim3A] : memref<64x128xf32, #tpu.memory_space<vmem>>[vector<16xi32>, vector<16xi32>], vector<16xf32>,
          %swap3A_524 = arith.index_cast %and3A_500 : i32 to index
          %swap3A_525 = arith.constant 16 : index
          %swap3A_526 = tpu.vector_load %arg16[%swap3A_524, %swap3A_525] {strides = array<i32>} : memref<128x128xf32, #tpu.memory_space<vmem>>, vector<16xf32>,
          tpu.vector_store %arg16[%swap3A_524, %swap3A_525], %gather3A_523 {strides = array<i32>} : memref<128x128xf32, #tpu.memory_space<vmem>>, vector<16xf32>,
          %gather3A_527 = tpu.vector_load_idx %arg15[%add3A_13, %broadcast_in_dim3A] : memref<64x128xf32, #tpu.memory_space<vmem>>[vector<16xi32>, vector<16xi32>], vector<16xf32>,
          %swap3A_528 = arith.index_cast %and3A_500 : i32 to index
          %swap3A_529 = arith.constant 32 : index
          %swap3A_530 = tpu.vector_load %arg16[%swap3A_528, %swap3A_529] {strides = array<i32>} : memref<128x128xf32, #tpu.memory_space<vmem>>, vector<16xf32>,
          tpu.vector_store %arg16[%swap3A_528, %swap3A_529], %gather3A_527 {strides = array<i32>} : memref<128x128xf32, #tpu.memory_space<vmem>>, vector<16xf32>,
          %gather3A_531 = tpu.vector_load_idx %arg15[%add3A_17, %broadcast_in_dim3A] : memref<64x128xf32, #tpu.memory_space<vmem>>[vector<16xi32>, vector<16xi32>], vector<16xf32>,
          %swap3A_532 = arith.index_cast %and3A_500 : i32 to index
          %swap3A_533 = arith.constant 48 : index
          %swap3A_534 = tpu.vector_load %arg16[%swap3A_532, %swap3A_533] {strides = array<i32>} : memref<128x128xf32, #tpu.memory_space<vmem>>, vector<16xf32>,
          tpu.vector_store %arg16[%swap3A_532, %swap3A_533], %gather3A_531 {strides = array<i32>} : memref<128x128xf32, #tpu.memory_space<vmem>>, vector<16xf32>,
        } else {
        }
        %eq3A = arith.constant 127 : i32
        %eq3A_507 = arith.cmpi eq, %and3A_500, %eq3A : i32
        %convert_element_type3A_508 = arith.extui %eq3A_507 : i1 to i32
        %cond3A_509 = arith.constant 0 : i32
        %cond3A_510 = arith.cmpi ne, %convert_element_type3A_508, %cond3A_509 : i32
        scf.if %cond3A_510 {
          %shift_right_arithmetic3A_519 = arith.constant 7 : i32
          %shift_right_arithmetic3A_520 = arith.shrsi %while3A_497, %shift_right_arithmetic3A_519 : i32
          %dma_start3A_521 = arith.constant 0 : i32
          %dma_start3A_522 = tpu.memref_slice %arg13[%shift_right_arithmetic3A_520, %dma_start3A_521] : memref<4x128xi32, #tpu.memory_space<vmem>> -> memref<1x128xi32, #tpu.memory_space<vmem>>
          %dma_start3A_523 = tpu.memref_squeeze %dma_start3A_522 : memref<1x128xi32, #tpu.memory_space<vmem>> -> memref<128xi32, #tpu.memory_space<vmem>>
          %dma_start3A_524 = arith.constant 0 : i32
          %dma_start3A_525 = arith.constant 0 : i32
          %dma_start3A_526 = tpu.memref_slice %arg10[%dma_start3A_524, %dma_start3A_525] : memref<16384x128xf32, #tpu.memory_space<hbm>> -> memref<16384x128xf32, #tpu.memory_space<hbm>>
          tpu.enqueue_indirect_dma source(%arg16 : memref<128x128xf32, #tpu.memory_space<vmem>>) target(%dma_start3A_526 : memref<16384x128xf32, #tpu.memory_space<hbm>>) offsets(%dma_start3A_523 : memref<128xi32, #tpu.memory_space<vmem>>) semaphore(%arg19 : memref<!tpu.dma_semaphore, #tpu.memory_space<semaphore_mem>>)
          %dma_wait3A_527 = arith.constant 0 : i32
          %dma_wait3A_528 = tpu.memref_slice %arg13[%shift_right_arithmetic3A_520, %dma_wait3A_527] : memref<4x128xi32, #tpu.memory_space<vmem>> -> memref<1x128xi32, #tpu.memory_space<vmem>>
          %dma_wait3A_529 = tpu.memref_squeeze %dma_wait3A_528 : memref<1x128xi32, #tpu.memory_space<vmem>> -> memref<128xi32, #tpu.memory_space<vmem>>
          %dma_wait3A_530 = arith.constant 0 : i32
          %dma_wait3A_531 = arith.constant 0 : i32
          %dma_wait3A_532 = tpu.memref_slice %arg10[%dma_wait3A_530, %dma_wait3A_531] : memref<16384x128xf32, #tpu.memory_space<hbm>> -> memref<16384x128xf32, #tpu.memory_space<hbm>>
          tpu.wait_indirect_dma semaphore(%arg19 : memref<!tpu.dma_semaphore, #tpu.memory_space<semaphore_mem>>) src(%arg16 : memref<128x128xf32, #tpu.memory_space<vmem>>) dst(%dma_wait3A_532 : memref<16384x128xf32, #tpu.memory_space<hbm>>)
        } else {
        }
        %add3A_511 = arith.constant 1 : i32
        %add3A_512 = arith.addi %while3A_497, %add3A_511 : i32
        %get3A_513 = arith.index_cast %add3A_512 : i32 to index
        %get3A_514 = tpu.vector_load %arg12[%get3A_513] {strides = array<i32>} : memref<528xi32, #tpu.memory_space<vmem>>, vector<16xi32>,
        %add3A_515 = arith.constant 1 : i32
        %add3A_516 = arith.addi %while3A_497, %add3A_515 : i32
        %slice3A_517 = vector.extract_strided_slice %get3A_514 {offsets = [0], sizes = [1], strides = [1]} : vector<16xi32> to vector<1xi32>
        %squeeze3A_518 = vector.extract %slice3A_517[0] : i32 from vector<1xi32>
        scf.yield %add3A_516, %squeeze3A_518 : i32, i32
      }
      %mul3A_472 = arith.constant 2 : i32
      %mul3A_473 = arith.muli %mul3A_472, %while3A_386 : i32
      %add3A_474 = arith.constant 3 : i32
      %add3A_475 = arith.addi %mul3A_473, %add3A_474 : i32
      %mul3A_476 = arith.constant 6 : i32
      %mul3A_477 = arith.muli %add3A_475, %mul3A_476 : i32
      %add3A_478 = arith.addi %min3A_90, %mul3A_477 : i32
      %min3A_479 = arith.constant 7806 : i32
      %min3A_480 = arith.minsi %add3A_478, %min3A_479 : i32
      %mul3A_481 = arith.constant 128 : i32
      %mul3A_482 = arith.muli %min3A_480, %mul3A_481 : i32
      %dma_start3A_483 = arith.constant 0 : i32
      %dma_start3A_484 = arith.constant 0 : i32
      %dma_start3A_485 = arith.constant 768 : i32
      %dma_start3A_486 = tpu.memref_slice %arg14[%dma_start3A_483, %dma_start3A_484, %dma_start3A_485] : memref<8x8x1536xf32, #tpu.memory_space<vmem>> -> memref<8x8x768xf32, #tpu.memory_space<vmem>>
      %dma_start3A_487 = arith.constant 0 : i32
      %dma_start3A_488 = arith.constant 0 : i32
      %dma_start3A_489 = tpu.memref_slice %arg6[%dma_start3A_487, %dma_start3A_488, %mul3A_482] : memref<8x8x1000000xf32, #tpu.memory_space<hbm>> -> memref<8x8x768xf32, #tpu.memory_space<hbm>>
      %dma_start3A_490 = arith.constant 0 : i32
      %dma_start3A_491 = arith.constant 0 : i32
      %dma_start3A_492 = arith.constant 768 : i32
      %dma_start3A_493 = tpu.memref_slice %arg14[%dma_start3A_490, %dma_start3A_491, %dma_start3A_492] : memref<8x8x1536xf32, #tpu.memory_space<vmem>> -> memref<8x8x768xf32, #tpu.memory_space<vmem>>
      %dma_start3A_494 = arith.constant 0 : i32
      %dma_start3A_495 = arith.constant 0 : i32
      %dma_start3A_496 = tpu.memref_slice %arg6[%dma_start3A_494, %dma_start3A_495, %mul3A_482] : memref<8x8x1000000xf32, #tpu.memory_space<hbm>> -> memref<8x8x768xf32, #tpu.memory_space<hbm>>
      tpu.enqueue_dma source(%dma_start3A_496 : memref<8x8x768xf32, #tpu.memory_space<hbm>>) target(%dma_start3A_493 : memref<8x8x768xf32, #tpu.memory_space<vmem>>) target_semaphore(%arg18 : memref<!tpu.dma_semaphore, #tpu.memory_space<semaphore_mem>>)
      scf.yield %while3A_471#0, %while3A_471#1 : i32, i32
    }
    %while3A_188 = arith.constant 1 : i32
    %while3A_189:2 = scf.for %while3A_386 = %while3A_185 to %while3A_181 step %while3A_188 iter_args(%while3A_387 = %while3A_187#0, %while3A_388 = %while3A_187#1) -> (i32, i32)  : i32 {
      %dma_wait3A_389 = arith.constant 0 : i32
      %dma_wait3A_390 = arith.constant 0 : i32
      %dma_wait3A_391 = arith.constant 0 : i32
      %dma_wait3A_392 = tpu.memref_slice %arg14[%dma_wait3A_389, %dma_wait3A_390, %dma_wait3A_391] : memref<8x8x1536xf32, #tpu.memory_space<vmem>> -> memref<8x8x768xf32, #tpu.memory_space<vmem>>
      %dma_wait3A_393 = arith.constant 0 : i32
      %dma_wait3A_394 = arith.constant 0 : i32
      %dma_wait3A_395 = arith.constant 0 : i32
      %dma_wait3A_396 = tpu.memref_slice %arg6[%dma_wait3A_393, %dma_wait3A_394, %dma_wait3A_395] : memref<8x8x1000000xf32, #tpu.memory_space<hbm>> -> memref<8x8x768xf32, #tpu.memory_space<hbm>>
      %dma_wait3A_397 = arith.constant 0 : i32
      %dma_wait3A_398 = arith.constant 0 : i32
      %dma_wait3A_399 = arith.constant 0 : i32
      %dma_wait3A_400 = tpu.memref_slice %arg14[%dma_wait3A_397, %dma_wait3A_398, %dma_wait3A_399] : memref<8x8x1536xf32, #tpu.memory_space<vmem>> -> memref<8x8x768xf32, #tpu.memory_space<vmem>>
      %dma_wait3A_401 = arith.constant 0 : i32
      %dma_wait3A_402 = arith.constant 0 : i32
      %dma_wait3A_403 = arith.constant 0 : i32
      %dma_wait3A_404 = tpu.memref_slice %arg6[%dma_wait3A_401, %dma_wait3A_402, %dma_wait3A_403] : memref<8x8x1000000xf32, #tpu.memory_space<hbm>> -> memref<8x8x768xf32, #tpu.memory_space<hbm>>
      tpu.wait_dma2 semaphore(%arg17 : memref<!tpu.dma_semaphore, #tpu.memory_space<semaphore_mem>>) src(%dma_wait3A_404 : memref<8x8x768xf32, #tpu.memory_space<hbm>>) dst(%dma_wait3A_400 : memref<8x8x768xf32, #tpu.memory_space<vmem>>)
      %mul3A_405 = arith.constant 2 : i32
      %mul3A_406 = arith.muli %mul3A_405, %while3A_386 : i32
      %mul3A_407 = arith.constant 6 : i32
      %mul3A_408 = arith.muli %mul3A_406, %mul3A_407 : i32
      %add3A_409 = arith.addi %min3A_90, %mul3A_408 : i32
      %min3A_410 = arith.constant 7806 : i32
      %min3A_411 = arith.minsi %add3A_409, %min3A_410 : i32
      %mul3A_412 = arith.constant 128 : i32
      %mul3A_413 = arith.muli %min3A_411, %mul3A_412 : i32
      %add3A_414 = arith.constant 768 : i32
      %add3A_415 = arith.addi %mul3A_413, %add3A_414 : i32
      %while3A_416:2 = scf.while (%while3A_497 = %while3A_387, %while3A_498 = %while3A_388) : (i32, i32) -> (i32, i32) {
        %lt3A = arith.constant 512 : i32
        %lt3A_499 = arith.cmpi slt, %while3A_497, %lt3A : i32
        %lt3A_500 = arith.cmpi slt, %while3A_498, %add3A_415 : i32
        %ge3A = arith.constant 999936 : i32
        %ge3A_501 = arith.cmpi sge, %while3A_498, %ge3A : i32
        %or3A = arith.ori %lt3A_500, %ge3A_501 : i1
        %and3A_502 = arith.andi %lt3A_499, %or3A : i1
        scf.condition(%and3A_502) %while3A_497, %while3A_498 : i32, i32
      } do {
      ^bb0(%while3A_497: i32, %while3A_498: i32):
        %and3A_499 = arith.constant 127 : i32
        %and3A_500 = arith.andi %while3A_497, %and3A_499 : i32
        %lt3A = arith.constant 999936 : i32
        %lt3A_501 = arith.cmpi slt, %while3A_498, %lt3A : i32
        %convert_element_type3A = arith.extui %lt3A_501 : i1 to i32
        %cond3A = arith.constant 0 : i32
        %cond3A_502 = arith.cmpi ne, %convert_element_type3A, %cond3A : i32
        scf.if %cond3A_502 {
          %sub3A_519 = arith.subi %while3A_498, %mul3A_413 : i32
          %add3A_520 = arith.constant 0 : i32
          %add3A_521 = arith.addi %add3A_520, %sub3A_519 : i32
          %broadcast_in_dim3A = vector.broadcast %add3A_521 : i32 to vector<16xi32>
          %gather3A = tpu.vector_load_idx %arg14[%shift_right_arithmetic3A_23, %and3A_50, %broadcast_in_dim3A] : memref<8x8x1536xf32, #tpu.memory_space<vmem>>[vector<16xi32>, vector<16xi32>, vector<16xi32>], vector<16xf32>,
          %swap3A = arith.index_cast %and3A_500 : i32 to index
          %swap3A_522 = arith.constant 0 : index
          %swap3A_523 = tpu.vector_load %arg16[%swap3A, %swap3A_522] {strides = array<i32>} : memref<128x128xf32, #tpu.memory_space<vmem>>, vector<16xf32>,
          tpu.vector_store %arg16[%swap3A, %swap3A_522], %gather3A {strides = array<i32>} : memref<128x128xf32, #tpu.memory_space<vmem>>, vector<16xf32>,
          %gather3A_524 = tpu.vector_load_idx %arg14[%shift_right_arithmetic3A_30, %and3A_57, %broadcast_in_dim3A] : memref<8x8x1536xf32, #tpu.memory_space<vmem>>[vector<16xi32>, vector<16xi32>, vector<16xi32>], vector<16xf32>,
          %swap3A_525 = arith.index_cast %and3A_500 : i32 to index
          %swap3A_526 = arith.constant 16 : index
          %swap3A_527 = tpu.vector_load %arg16[%swap3A_525, %swap3A_526] {strides = array<i32>} : memref<128x128xf32, #tpu.memory_space<vmem>>, vector<16xf32>,
          tpu.vector_store %arg16[%swap3A_525, %swap3A_526], %gather3A_524 {strides = array<i32>} : memref<128x128xf32, #tpu.memory_space<vmem>>, vector<16xf32>,
          %gather3A_528 = tpu.vector_load_idx %arg14[%shift_right_arithmetic3A_37, %and3A_64, %broadcast_in_dim3A] : memref<8x8x1536xf32, #tpu.memory_space<vmem>>[vector<16xi32>, vector<16xi32>, vector<16xi32>], vector<16xf32>,
          %swap3A_529 = arith.index_cast %and3A_500 : i32 to index
          %swap3A_530 = arith.constant 32 : index
          %swap3A_531 = tpu.vector_load %arg16[%swap3A_529, %swap3A_530] {strides = array<i32>} : memref<128x128xf32, #tpu.memory_space<vmem>>, vector<16xf32>,
          tpu.vector_store %arg16[%swap3A_529, %swap3A_530], %gather3A_528 {strides = array<i32>} : memref<128x128xf32, #tpu.memory_space<vmem>>, vector<16xf32>,
          %gather3A_532 = tpu.vector_load_idx %arg14[%shift_right_arithmetic3A_44, %and3A_71, %broadcast_in_dim3A] : memref<8x8x1536xf32, #tpu.memory_space<vmem>>[vector<16xi32>, vector<16xi32>, vector<16xi32>], vector<16xf32>,
          %swap3A_533 = arith.index_cast %and3A_500 : i32 to index
          %swap3A_534 = arith.constant 48 : index
          %swap3A_535 = tpu.vector_load %arg16[%swap3A_533, %swap3A_534] {strides = array<i32>} : memref<128x128xf32, #tpu.memory_space<vmem>>, vector<16xf32>,
          tpu.vector_store %arg16[%swap3A_533, %swap3A_534], %gather3A_532 {strides = array<i32>} : memref<128x128xf32, #tpu.memory_space<vmem>>, vector<16xf32>,
        } else {
        }
        %ge3A = arith.constant 999936 : i32
        %ge3A_503 = arith.cmpi sge, %while3A_498, %ge3A : i32
        %convert_element_type3A_504 = arith.extui %ge3A_503 : i1 to i32
        %cond3A_505 = arith.constant 0 : i32
        %cond3A_506 = arith.cmpi ne, %convert_element_type3A_504, %cond3A_505 : i32
        scf.if %cond3A_506 {
          %sub3A_519 = arith.constant 999936 : i32
          %sub3A_520 = arith.subi %while3A_498, %sub3A_519 : i32
          %broadcast_in_dim3A = vector.broadcast %sub3A_520 : i32 to vector<16xi32>
          %gather3A = tpu.vector_load_idx %arg15[%add3A_5, %broadcast_in_dim3A] : memref<64x128xf32, #tpu.memory_space<vmem>>[vector<16xi32>, vector<16xi32>], vector<16xf32>,
          %swap3A = arith.index_cast %and3A_500 : i32 to index
          %swap3A_521 = arith.constant 0 : index
          %swap3A_522 = tpu.vector_load %arg16[%swap3A, %swap3A_521] {strides = array<i32>} : memref<128x128xf32, #tpu.memory_space<vmem>>, vector<16xf32>,
          tpu.vector_store %arg16[%swap3A, %swap3A_521], %gather3A {strides = array<i32>} : memref<128x128xf32, #tpu.memory_space<vmem>>, vector<16xf32>,
          %gather3A_523 = tpu.vector_load_idx %arg15[%add3A_9, %broadcast_in_dim3A] : memref<64x128xf32, #tpu.memory_space<vmem>>[vector<16xi32>, vector<16xi32>], vector<16xf32>,
          %swap3A_524 = arith.index_cast %and3A_500 : i32 to index
          %swap3A_525 = arith.constant 16 : index
          %swap3A_526 = tpu.vector_load %arg16[%swap3A_524, %swap3A_525] {strides = array<i32>} : memref<128x128xf32, #tpu.memory_space<vmem>>, vector<16xf32>,
          tpu.vector_store %arg16[%swap3A_524, %swap3A_525], %gather3A_523 {strides = array<i32>} : memref<128x128xf32, #tpu.memory_space<vmem>>, vector<16xf32>,
          %gather3A_527 = tpu.vector_load_idx %arg15[%add3A_13, %broadcast_in_dim3A] : memref<64x128xf32, #tpu.memory_space<vmem>>[vector<16xi32>, vector<16xi32>], vector<16xf32>,
          %swap3A_528 = arith.index_cast %and3A_500 : i32 to index
          %swap3A_529 = arith.constant 32 : index
          %swap3A_530 = tpu.vector_load %arg16[%swap3A_528, %swap3A_529] {strides = array<i32>} : memref<128x128xf32, #tpu.memory_space<vmem>>, vector<16xf32>,
          tpu.vector_store %arg16[%swap3A_528, %swap3A_529], %gather3A_527 {strides = array<i32>} : memref<128x128xf32, #tpu.memory_space<vmem>>, vector<16xf32>,
          %gather3A_531 = tpu.vector_load_idx %arg15[%add3A_17, %broadcast_in_dim3A] : memref<64x128xf32, #tpu.memory_space<vmem>>[vector<16xi32>, vector<16xi32>], vector<16xf32>,
          %swap3A_532 = arith.index_cast %and3A_500 : i32 to index
          %swap3A_533 = arith.constant 48 : index
          %swap3A_534 = tpu.vector_load %arg16[%swap3A_532, %swap3A_533] {strides = array<i32>} : memref<128x128xf32, #tpu.memory_space<vmem>>, vector<16xf32>,
          tpu.vector_store %arg16[%swap3A_532, %swap3A_533], %gather3A_531 {strides = array<i32>} : memref<128x128xf32, #tpu.memory_space<vmem>>, vector<16xf32>,
        } else {
        }
        %eq3A = arith.constant 127 : i32
        %eq3A_507 = arith.cmpi eq, %and3A_500, %eq3A : i32
        %convert_element_type3A_508 = arith.extui %eq3A_507 : i1 to i32
        %cond3A_509 = arith.constant 0 : i32
        %cond3A_510 = arith.cmpi ne, %convert_element_type3A_508, %cond3A_509 : i32
        scf.if %cond3A_510 {
          %shift_right_arithmetic3A_519 = arith.constant 7 : i32
          %shift_right_arithmetic3A_520 = arith.shrsi %while3A_497, %shift_right_arithmetic3A_519 : i32
          %dma_start3A_521 = arith.constant 0 : i32
          %dma_start3A_522 = tpu.memref_slice %arg13[%shift_right_arithmetic3A_520, %dma_start3A_521] : memref<4x128xi32, #tpu.memory_space<vmem>> -> memref<1x128xi32, #tpu.memory_space<vmem>>
          %dma_start3A_523 = tpu.memref_squeeze %dma_start3A_522 : memref<1x128xi32, #tpu.memory_space<vmem>> -> memref<128xi32, #tpu.memory_space<vmem>>
          %dma_start3A_524 = arith.constant 0 : i32
          %dma_start3A_525 = arith.constant 0 : i32
          %dma_start3A_526 = tpu.memref_slice %arg10[%dma_start3A_524, %dma_start3A_525] : memref<16384x128xf32, #tpu.memory_space<hbm>> -> memref<16384x128xf32, #tpu.memory_space<hbm>>
          tpu.enqueue_indirect_dma source(%arg16 : memref<128x128xf32, #tpu.memory_space<vmem>>) target(%dma_start3A_526 : memref<16384x128xf32, #tpu.memory_space<hbm>>) offsets(%dma_start3A_523 : memref<128xi32, #tpu.memory_space<vmem>>) semaphore(%arg19 : memref<!tpu.dma_semaphore, #tpu.memory_space<semaphore_mem>>)
          %dma_wait3A_527 = arith.constant 0 : i32
          %dma_wait3A_528 = tpu.memref_slice %arg13[%shift_right_arithmetic3A_520, %dma_wait3A_527] : memref<4x128xi32, #tpu.memory_space<vmem>> -> memref<1x128xi32, #tpu.memory_space<vmem>>
          %dma_wait3A_529 = tpu.memref_squeeze %dma_wait3A_528 : memref<1x128xi32, #tpu.memory_space<vmem>> -> memref<128xi32, #tpu.memory_space<vmem>>
          %dma_wait3A_530 = arith.constant 0 : i32
          %dma_wait3A_531 = arith.constant 0 : i32
          %dma_wait3A_532 = tpu.memref_slice %arg10[%dma_wait3A_530, %dma_wait3A_531] : memref<16384x128xf32, #tpu.memory_space<hbm>> -> memref<16384x128xf32, #tpu.memory_space<hbm>>
          tpu.wait_indirect_dma semaphore(%arg19 : memref<!tpu.dma_semaphore, #tpu.memory_space<semaphore_mem>>) src(%arg16 : memref<128x128xf32, #tpu.memory_space<vmem>>) dst(%dma_wait3A_532 : memref<16384x128xf32, #tpu.memory_space<hbm>>)
        } else {
        }
        %add3A_511 = arith.constant 1 : i32
        %add3A_512 = arith.addi %while3A_497, %add3A_511 : i32
        %get3A_513 = arith.index_cast %add3A_512 : i32 to index
        %get3A_514 = tpu.vector_load %arg12[%get3A_513] {strides = array<i32>} : memref<528xi32, #tpu.memory_space<vmem>>, vector<16xi32>,
        %add3A_515 = arith.constant 1 : i32
        %add3A_516 = arith.addi %while3A_497, %add3A_515 : i32
        %slice3A_517 = vector.extract_strided_slice %get3A_514 {offsets = [0], sizes = [1], strides = [1]} : vector<16xi32> to vector<1xi32>
        %squeeze3A_518 = vector.extract %slice3A_517[0] : i32 from vector<1xi32>
        scf.yield %add3A_516, %squeeze3A_518 : i32, i32
      }
      %mul3A_417 = arith.constant 2 : i32
      %mul3A_418 = arith.muli %mul3A_417, %while3A_386 : i32
      %add3A_419 = arith.constant 2 : i32
      %add3A_420 = arith.addi %mul3A_418, %add3A_419 : i32
      %mul3A_421 = arith.constant 6 : i32
      %mul3A_422 = arith.muli %add3A_420, %mul3A_421 : i32
      %add3A_423 = arith.addi %min3A_90, %mul3A_422 : i32
      %min3A_424 = arith.constant 7806 : i32
      %min3A_425 = arith.minsi %add3A_423, %min3A_424 : i32
      %mul3A_426 = arith.constant 128 : i32
      %mul3A_427 = arith.muli %min3A_425, %mul3A_426 : i32
      %dma_start3A_428 = arith.constant 0 : i32
      %dma_start3A_429 = arith.constant 0 : i32
      %dma_start3A_430 = arith.constant 0 : i32
      %dma_start3A_431 = tpu.memref_slice %arg14[%dma_start3A_428, %dma_start3A_429, %dma_start3A_430] : memref<8x8x1536xf32, #tpu.memory_space<vmem>> -> memref<8x8x768xf32, #tpu.memory_space<vmem>>
      %dma_start3A_432 = arith.constant 0 : i32
      %dma_start3A_433 = arith.constant 0 : i32
      %dma_start3A_434 = tpu.memref_slice %arg6[%dma_start3A_432, %dma_start3A_433, %mul3A_427] : memref<8x8x1000000xf32, #tpu.memory_space<hbm>> -> memref<8x8x768xf32, #tpu.memory_space<hbm>>
      %dma_start3A_435 = arith.constant 0 : i32
      %dma_start3A_436 = arith.constant 0 : i32
      %dma_start3A_437 = arith.constant 0 : i32
      %dma_start3A_438 = tpu.memref_slice %arg14[%dma_start3A_435, %dma_start3A_436, %dma_start3A_437] : memref<8x8x1536xf32, #tpu.memory_space<vmem>> -> memref<8x8x768xf32, #tpu.memory_space<vmem>>
      %dma_start3A_439 = arith.constant 0 : i32
      %dma_start3A_440 = arith.constant 0 : i32
      %dma_start3A_441 = tpu.memref_slice %arg6[%dma_start3A_439, %dma_start3A_440, %mul3A_427] : memref<8x8x1000000xf32, #tpu.memory_space<hbm>> -> memref<8x8x768xf32, #tpu.memory_space<hbm>>
      tpu.enqueue_dma source(%dma_start3A_441 : memref<8x8x768xf32, #tpu.memory_space<hbm>>) target(%dma_start3A_438 : memref<8x8x768xf32, #tpu.memory_space<vmem>>) target_semaphore(%arg17 : memref<!tpu.dma_semaphore, #tpu.memory_space<semaphore_mem>>)
      %dma_wait3A_442 = arith.constant 0 : i32
      %dma_wait3A_443 = arith.constant 0 : i32
      %dma_wait3A_444 = arith.constant 0 : i32
      %dma_wait3A_445 = tpu.memref_slice %arg14[%dma_wait3A_442, %dma_wait3A_443, %dma_wait3A_444] : memref<8x8x1536xf32, #tpu.memory_space<vmem>> -> memref<8x8x768xf32, #tpu.memory_space<vmem>>
      %dma_wait3A_446 = arith.constant 0 : i32
      %dma_wait3A_447 = arith.constant 0 : i32
      %dma_wait3A_448 = arith.constant 0 : i32
      %dma_wait3A_449 = tpu.memref_slice %arg6[%dma_wait3A_446, %dma_wait3A_447, %dma_wait3A_448] : memref<8x8x1000000xf32, #tpu.memory_space<hbm>> -> memref<8x8x768xf32, #tpu.memory_space<hbm>>
      %dma_wait3A_450 = arith.constant 0 : i32
      %dma_wait3A_451 = arith.constant 0 : i32
      %dma_wait3A_452 = arith.constant 0 : i32
      %dma_wait3A_453 = tpu.memref_slice %arg14[%dma_wait3A_450, %dma_wait3A_451, %dma_wait3A_452] : memref<8x8x1536xf32, #tpu.memory_space<vmem>> -> memref<8x8x768xf32, #tpu.memory_space<vmem>>
      %dma_wait3A_454 = arith.constant 0 : i32
      %dma_wait3A_455 = arith.constant 0 : i32
      %dma_wait3A_456 = arith.constant 0 : i32
      %dma_wait3A_457 = tpu.memref_slice %arg6[%dma_wait3A_454, %dma_wait3A_455, %dma_wait3A_456] : memref<8x8x1000000xf32, #tpu.memory_space<hbm>> -> memref<8x8x768xf32, #tpu.memory_space<hbm>>
      tpu.wait_dma2 semaphore(%arg18 : memref<!tpu.dma_semaphore, #tpu.memory_space<semaphore_mem>>) src(%dma_wait3A_457 : memref<8x8x768xf32, #tpu.memory_space<hbm>>) dst(%dma_wait3A_453 : memref<8x8x768xf32, #tpu.memory_space<vmem>>)
      %mul3A_458 = arith.constant 2 : i32
      %mul3A_459 = arith.muli %mul3A_458, %while3A_386 : i32
      %add3A_460 = arith.constant 1 : i32
      %add3A_461 = arith.addi %mul3A_459, %add3A_460 : i32
      %mul3A_462 = arith.constant 6 : i32
      %mul3A_463 = arith.muli %add3A_461, %mul3A_462 : i32
      %add3A_464 = arith.addi %min3A_90, %mul3A_463 : i32
      %min3A_465 = arith.constant 7806 : i32
      %min3A_466 = arith.minsi %add3A_464, %min3A_465 : i32
      %mul3A_467 = arith.constant 128 : i32
      %mul3A_468 = arith.muli %min3A_466, %mul3A_467 : i32
      %add3A_469 = arith.constant 768 : i32
      %add3A_470 = arith.addi %mul3A_468, %add3A_469 : i32
      %while3A_471:2 = scf.while (%while3A_497 = %while3A_416#0, %while3A_498 = %while3A_416#1) : (i32, i32) -> (i32, i32) {
        %lt3A = arith.constant 512 : i32
        %lt3A_499 = arith.cmpi slt, %while3A_497, %lt3A : i32
        %lt3A_500 = arith.cmpi slt, %while3A_498, %add3A_470 : i32
        %ge3A = arith.constant 999936 : i32
        %ge3A_501 = arith.cmpi sge, %while3A_498, %ge3A : i32
        %or3A = arith.ori %lt3A_500, %ge3A_501 : i1
        %and3A_502 = arith.andi %lt3A_499, %or3A : i1
        scf.condition(%and3A_502) %while3A_497, %while3A_498 : i32, i32
      } do {
      ^bb0(%while3A_497: i32, %while3A_498: i32):
        %and3A_499 = arith.constant 127 : i32
        %and3A_500 = arith.andi %while3A_497, %and3A_499 : i32
        %lt3A = arith.constant 999936 : i32
        %lt3A_501 = arith.cmpi slt, %while3A_498, %lt3A : i32
        %convert_element_type3A = arith.extui %lt3A_501 : i1 to i32
        %cond3A = arith.constant 0 : i32
        %cond3A_502 = arith.cmpi ne, %convert_element_type3A, %cond3A : i32
        scf.if %cond3A_502 {
          %sub3A_519 = arith.subi %while3A_498, %mul3A_468 : i32
          %add3A_520 = arith.constant 768 : i32
          %add3A_521 = arith.addi %add3A_520, %sub3A_519 : i32
          %broadcast_in_dim3A = vector.broadcast %add3A_521 : i32 to vector<16xi32>
          %gather3A = tpu.vector_load_idx %arg14[%shift_right_arithmetic3A_23, %and3A_50, %broadcast_in_dim3A] : memref<8x8x1536xf32, #tpu.memory_space<vmem>>[vector<16xi32>, vector<16xi32>, vector<16xi32>], vector<16xf32>,
          %swap3A = arith.index_cast %and3A_500 : i32 to index
          %swap3A_522 = arith.constant 0 : index
          %swap3A_523 = tpu.vector_load %arg16[%swap3A, %swap3A_522] {strides = array<i32>} : memref<128x128xf32, #tpu.memory_space<vmem>>, vector<16xf32>,
          tpu.vector_store %arg16[%swap3A, %swap3A_522], %gather3A {strides = array<i32>} : memref<128x128xf32, #tpu.memory_space<vmem>>, vector<16xf32>,
          %gather3A_524 = tpu.vector_load_idx %arg14[%shift_right_arithmetic3A_30, %and3A_57, %broadcast_in_dim3A] : memref<8x8x1536xf32, #tpu.memory_space<vmem>>[vector<16xi32>, vector<16xi32>, vector<16xi32>], vector<16xf32>,
          %swap3A_525 = arith.index_cast %and3A_500 : i32 to index
          %swap3A_526 = arith.constant 16 : index
          %swap3A_527 = tpu.vector_load %arg16[%swap3A_525, %swap3A_526] {strides = array<i32>} : memref<128x128xf32, #tpu.memory_space<vmem>>, vector<16xf32>,
          tpu.vector_store %arg16[%swap3A_525, %swap3A_526], %gather3A_524 {strides = array<i32>} : memref<128x128xf32, #tpu.memory_space<vmem>>, vector<16xf32>,
          %gather3A_528 = tpu.vector_load_idx %arg14[%shift_right_arithmetic3A_37, %and3A_64, %broadcast_in_dim3A] : memref<8x8x1536xf32, #tpu.memory_space<vmem>>[vector<16xi32>, vector<16xi32>, vector<16xi32>], vector<16xf32>,
          %swap3A_529 = arith.index_cast %and3A_500 : i32 to index
          %swap3A_530 = arith.constant 32 : index
          %swap3A_531 = tpu.vector_load %arg16[%swap3A_529, %swap3A_530] {strides = array<i32>} : memref<128x128xf32, #tpu.memory_space<vmem>>, vector<16xf32>,
          tpu.vector_store %arg16[%swap3A_529, %swap3A_530], %gather3A_528 {strides = array<i32>} : memref<128x128xf32, #tpu.memory_space<vmem>>, vector<16xf32>,
          %gather3A_532 = tpu.vector_load_idx %arg14[%shift_right_arithmetic3A_44, %and3A_71, %broadcast_in_dim3A] : memref<8x8x1536xf32, #tpu.memory_space<vmem>>[vector<16xi32>, vector<16xi32>, vector<16xi32>], vector<16xf32>,
          %swap3A_533 = arith.index_cast %and3A_500 : i32 to index
          %swap3A_534 = arith.constant 48 : index
          %swap3A_535 = tpu.vector_load %arg16[%swap3A_533, %swap3A_534] {strides = array<i32>} : memref<128x128xf32, #tpu.memory_space<vmem>>, vector<16xf32>,
          tpu.vector_store %arg16[%swap3A_533, %swap3A_534], %gather3A_532 {strides = array<i32>} : memref<128x128xf32, #tpu.memory_space<vmem>>, vector<16xf32>,
        } else {
        }
        %ge3A = arith.constant 999936 : i32
        %ge3A_503 = arith.cmpi sge, %while3A_498, %ge3A : i32
        %convert_element_type3A_504 = arith.extui %ge3A_503 : i1 to i32
        %cond3A_505 = arith.constant 0 : i32
        %cond3A_506 = arith.cmpi ne, %convert_element_type3A_504, %cond3A_505 : i32
        scf.if %cond3A_506 {
          %sub3A_519 = arith.constant 999936 : i32
          %sub3A_520 = arith.subi %while3A_498, %sub3A_519 : i32
          %broadcast_in_dim3A = vector.broadcast %sub3A_520 : i32 to vector<16xi32>
          %gather3A = tpu.vector_load_idx %arg15[%add3A_5, %broadcast_in_dim3A] : memref<64x128xf32, #tpu.memory_space<vmem>>[vector<16xi32>, vector<16xi32>], vector<16xf32>,
          %swap3A = arith.index_cast %and3A_500 : i32 to index
          %swap3A_521 = arith.constant 0 : index
          %swap3A_522 = tpu.vector_load %arg16[%swap3A, %swap3A_521] {strides = array<i32>} : memref<128x128xf32, #tpu.memory_space<vmem>>, vector<16xf32>,
          tpu.vector_store %arg16[%swap3A, %swap3A_521], %gather3A {strides = array<i32>} : memref<128x128xf32, #tpu.memory_space<vmem>>, vector<16xf32>,
          %gather3A_523 = tpu.vector_load_idx %arg15[%add3A_9, %broadcast_in_dim3A] : memref<64x128xf32, #tpu.memory_space<vmem>>[vector<16xi32>, vector<16xi32>], vector<16xf32>,
          %swap3A_524 = arith.index_cast %and3A_500 : i32 to index
          %swap3A_525 = arith.constant 16 : index
          %swap3A_526 = tpu.vector_load %arg16[%swap3A_524, %swap3A_525] {strides = array<i32>} : memref<128x128xf32, #tpu.memory_space<vmem>>, vector<16xf32>,
          tpu.vector_store %arg16[%swap3A_524, %swap3A_525], %gather3A_523 {strides = array<i32>} : memref<128x128xf32, #tpu.memory_space<vmem>>, vector<16xf32>,
          %gather3A_527 = tpu.vector_load_idx %arg15[%add3A_13, %broadcast_in_dim3A] : memref<64x128xf32, #tpu.memory_space<vmem>>[vector<16xi32>, vector<16xi32>], vector<16xf32>,
          %swap3A_528 = arith.index_cast %and3A_500 : i32 to index
          %swap3A_529 = arith.constant 32 : index
          %swap3A_530 = tpu.vector_load %arg16[%swap3A_528, %swap3A_529] {strides = array<i32>} : memref<128x128xf32, #tpu.memory_space<vmem>>, vector<16xf32>,
          tpu.vector_store %arg16[%swap3A_528, %swap3A_529], %gather3A_527 {strides = array<i32>} : memref<128x128xf32, #tpu.memory_space<vmem>>, vector<16xf32>,
          %gather3A_531 = tpu.vector_load_idx %arg15[%add3A_17, %broadcast_in_dim3A] : memref<64x128xf32, #tpu.memory_space<vmem>>[vector<16xi32>, vector<16xi32>], vector<16xf32>,
          %swap3A_532 = arith.index_cast %and3A_500 : i32 to index
          %swap3A_533 = arith.constant 48 : index
          %swap3A_534 = tpu.vector_load %arg16[%swap3A_532, %swap3A_533] {strides = array<i32>} : memref<128x128xf32, #tpu.memory_space<vmem>>, vector<16xf32>,
          tpu.vector_store %arg16[%swap3A_532, %swap3A_533], %gather3A_531 {strides = array<i32>} : memref<128x128xf32, #tpu.memory_space<vmem>>, vector<16xf32>,
        } else {
        }
        %eq3A = arith.constant 127 : i32
        %eq3A_507 = arith.cmpi eq, %and3A_500, %eq3A : i32
        %convert_element_type3A_508 = arith.extui %eq3A_507 : i1 to i32
        %cond3A_509 = arith.constant 0 : i32
        %cond3A_510 = arith.cmpi ne, %convert_element_type3A_508, %cond3A_509 : i32
        scf.if %cond3A_510 {
          %shift_right_arithmetic3A_519 = arith.constant 7 : i32
          %shift_right_arithmetic3A_520 = arith.shrsi %while3A_497, %shift_right_arithmetic3A_519 : i32
          %dma_start3A_521 = arith.constant 0 : i32
          %dma_start3A_522 = tpu.memref_slice %arg13[%shift_right_arithmetic3A_520, %dma_start3A_521] : memref<4x128xi32, #tpu.memory_space<vmem>> -> memref<1x128xi32, #tpu.memory_space<vmem>>
          %dma_start3A_523 = tpu.memref_squeeze %dma_start3A_522 : memref<1x128xi32, #tpu.memory_space<vmem>> -> memref<128xi32, #tpu.memory_space<vmem>>
          %dma_start3A_524 = arith.constant 0 : i32
          %dma_start3A_525 = arith.constant 0 : i32
          %dma_start3A_526 = tpu.memref_slice %arg10[%dma_start3A_524, %dma_start3A_525] : memref<16384x128xf32, #tpu.memory_space<hbm>> -> memref<16384x128xf32, #tpu.memory_space<hbm>>
          tpu.enqueue_indirect_dma source(%arg16 : memref<128x128xf32, #tpu.memory_space<vmem>>) target(%dma_start3A_526 : memref<16384x128xf32, #tpu.memory_space<hbm>>) offsets(%dma_start3A_523 : memref<128xi32, #tpu.memory_space<vmem>>) semaphore(%arg19 : memref<!tpu.dma_semaphore, #tpu.memory_space<semaphore_mem>>)
          %dma_wait3A_527 = arith.constant 0 : i32
          %dma_wait3A_528 = tpu.memref_slice %arg13[%shift_right_arithmetic3A_520, %dma_wait3A_527] : memref<4x128xi32, #tpu.memory_space<vmem>> -> memref<1x128xi32, #tpu.memory_space<vmem>>
          %dma_wait3A_529 = tpu.memref_squeeze %dma_wait3A_528 : memref<1x128xi32, #tpu.memory_space<vmem>> -> memref<128xi32, #tpu.memory_space<vmem>>
          %dma_wait3A_530 = arith.constant 0 : i32
          %dma_wait3A_531 = arith.constant 0 : i32
          %dma_wait3A_532 = tpu.memref_slice %arg10[%dma_wait3A_530, %dma_wait3A_531] : memref<16384x128xf32, #tpu.memory_space<hbm>> -> memref<16384x128xf32, #tpu.memory_space<hbm>>
          tpu.wait_indirect_dma semaphore(%arg19 : memref<!tpu.dma_semaphore, #tpu.memory_space<semaphore_mem>>) src(%arg16 : memref<128x128xf32, #tpu.memory_space<vmem>>) dst(%dma_wait3A_532 : memref<16384x128xf32, #tpu.memory_space<hbm>>)
        } else {
        }
        %add3A_511 = arith.constant 1 : i32
        %add3A_512 = arith.addi %while3A_497, %add3A_511 : i32
        %get3A_513 = arith.index_cast %add3A_512 : i32 to index
        %get3A_514 = tpu.vector_load %arg12[%get3A_513] {strides = array<i32>} : memref<528xi32, #tpu.memory_space<vmem>>, vector<16xi32>,
        %add3A_515 = arith.constant 1 : i32
        %add3A_516 = arith.addi %while3A_497, %add3A_515 : i32
        %slice3A_517 = vector.extract_strided_slice %get3A_514 {offsets = [0], sizes = [1], strides = [1]} : vector<16xi32> to vector<1xi32>
        %squeeze3A_518 = vector.extract %slice3A_517[0] : i32 from vector<1xi32>
        scf.yield %add3A_516, %squeeze3A_518 : i32, i32
      }
      %mul3A_472 = arith.constant 2 : i32
      %mul3A_473 = arith.muli %mul3A_472, %while3A_386 : i32
      %add3A_474 = arith.constant 3 : i32
      %add3A_475 = arith.addi %mul3A_473, %add3A_474 : i32
      %mul3A_476 = arith.constant 6 : i32
      %mul3A_477 = arith.muli %add3A_475, %mul3A_476 : i32
      %add3A_478 = arith.addi %min3A_90, %mul3A_477 : i32
      %min3A_479 = arith.constant 7806 : i32
      %min3A_480 = arith.minsi %add3A_478, %min3A_479 : i32
      %mul3A_481 = arith.constant 128 : i32
      %mul3A_482 = arith.muli %min3A_480, %mul3A_481 : i32
      %dma_start3A_483 = arith.constant 0 : i32
      %dma_start3A_484 = arith.constant 0 : i32
      %dma_start3A_485 = arith.constant 768 : i32
      %dma_start3A_486 = tpu.memref_slice %arg14[%dma_start3A_483, %dma_start3A_484, %dma_start3A_485] : memref<8x8x1536xf32, #tpu.memory_space<vmem>> -> memref<8x8x768xf32, #tpu.memory_space<vmem>>
      %dma_start3A_487 = arith.constant 0 : i32
      %dma_start3A_488 = arith.constant 0 : i32
      %dma_start3A_489 = tpu.memref_slice %arg6[%dma_start3A_487, %dma_start3A_488, %mul3A_482] : memref<8x8x1000000xf32, #tpu.memory_space<hbm>> -> memref<8x8x768xf32, #tpu.memory_space<hbm>>
      %dma_start3A_490 = arith.constant 0 : i32
      %dma_start3A_491 = arith.constant 0 : i32
      %dma_start3A_492 = arith.constant 768 : i32
      %dma_start3A_493 = tpu.memref_slice %arg14[%dma_start3A_490, %dma_start3A_491, %dma_start3A_492] : memref<8x8x1536xf32, #tpu.memory_space<vmem>> -> memref<8x8x768xf32, #tpu.memory_space<vmem>>
      %dma_start3A_494 = arith.constant 0 : i32
      %dma_start3A_495 = arith.constant 0 : i32
      %dma_start3A_496 = tpu.memref_slice %arg6[%dma_start3A_494, %dma_start3A_495, %mul3A_482] : memref<8x8x1000000xf32, #tpu.memory_space<hbm>> -> memref<8x8x768xf32, #tpu.memory_space<hbm>>
      tpu.enqueue_dma source(%dma_start3A_496 : memref<8x8x768xf32, #tpu.memory_space<hbm>>) target(%dma_start3A_493 : memref<8x8x768xf32, #tpu.memory_space<vmem>>) target_semaphore(%arg18 : memref<!tpu.dma_semaphore, #tpu.memory_space<semaphore_mem>>)
      scf.yield %while3A_471#0, %while3A_471#1 : i32, i32
    }
    %dma_wait3A = arith.constant 0 : i32
    %dma_wait3A_190 = arith.constant 0 : i32
    %dma_wait3A_191 = arith.constant 0 : i32
    %dma_wait3A_192 = tpu.memref_slice %arg14[%dma_wait3A, %dma_wait3A_190, %dma_wait3A_191] : memref<8x8x1536xf32, #tpu.memory_space<vmem>> -> memref<8x8x768xf32, #tpu.memory_space<vmem>>
    %dma_wait3A_193 = arith.constant 0 : i32
    %dma_wait3A_194 = arith.constant 0 : i32
    %dma_wait3A_195 = arith.constant 0 : i32
    %dma_wait3A_196 = tpu.memref_slice %arg6[%dma_wait3A_193, %dma_wait3A_194, %dma_wait3A_195] : memref<8x8x1000000xf32, #tpu.memory_space<hbm>> -> memref<8x8x768xf32, #tpu.memory_space<hbm>>
    %dma_wait3A_197 = arith.constant 0 : i32
    %dma_wait3A_198 = arith.constant 0 : i32
    %dma_wait3A_199 = arith.constant 0 : i32
    %dma_wait3A_200 = tpu.memref_slice %arg14[%dma_wait3A_197, %dma_wait3A_198, %dma_wait3A_199] : memref<8x8x1536xf32, #tpu.memory_space<vmem>> -> memref<8x8x768xf32, #tpu.memory_space<vmem>>
    %dma_wait3A_201 = arith.constant 0 : i32
    %dma_wait3A_202 = arith.constant 0 : i32
    %dma_wait3A_203 = arith.constant 0 : i32
    %dma_wait3A_204 = tpu.memref_slice %arg6[%dma_wait3A_201, %dma_wait3A_202, %dma_wait3A_203] : memref<8x8x1000000xf32, #tpu.memory_space<hbm>> -> memref<8x8x768xf32, #tpu.memory_space<hbm>>
    tpu.wait_dma2 semaphore(%arg17 : memref<!tpu.dma_semaphore, #tpu.memory_space<semaphore_mem>>) src(%dma_wait3A_204 : memref<8x8x768xf32, #tpu.memory_space<hbm>>) dst(%dma_wait3A_200 : memref<8x8x768xf32, #tpu.memory_space<vmem>>)
    %dma_wait3A_205 = arith.constant 0 : i32
    %dma_wait3A_206 = arith.constant 0 : i32
    %dma_wait3A_207 = arith.constant 0 : i32
    %dma_wait3A_208 = tpu.memref_slice %arg14[%dma_wait3A_205, %dma_wait3A_206, %dma_wait3A_207] : memref<8x8x1536xf32, #tpu.memory_space<vmem>> -> memref<8x8x768xf32, #tpu.memory_space<vmem>>
    %dma_wait3A_209 = arith.constant 0 : i32
    %dma_wait3A_210 = arith.constant 0 : i32
    %dma_wait3A_211 = arith.constant 0 : i32
    %dma_wait3A_212 = tpu.memref_slice %arg6[%dma_wait3A_209, %dma_wait3A_210, %dma_wait3A_211] : memref<8x8x1000000xf32, #tpu.memory_space<hbm>> -> memref<8x8x768xf32, #tpu.memory_space<hbm>>
    %dma_wait3A_213 = arith.constant 0 : i32
    %dma_wait3A_214 = arith.constant 0 : i32
    %dma_wait3A_215 = arith.constant 0 : i32
    %dma_wait3A_216 = tpu.memref_slice %arg14[%dma_wait3A_213, %dma_wait3A_214, %dma_wait3A_215] : memref<8x8x1536xf32, #tpu.memory_space<vmem>> -> memref<8x8x768xf32, #tpu.memory_space<vmem>>
    %dma_wait3A_217 = arith.constant 0 : i32
    %dma_wait3A_218 = arith.constant 0 : i32
    %dma_wait3A_219 = arith.constant 0 : i32
    %dma_wait3A_220 = tpu.memref_slice %arg6[%dma_wait3A_217, %dma_wait3A_218, %dma_wait3A_219] : memref<8x8x1000000xf32, #tpu.memory_space<hbm>> -> memref<8x8x768xf32, #tpu.memory_space<hbm>>
    tpu.wait_dma2 semaphore(%arg18 : memref<!tpu.dma_semaphore, #tpu.memory_space<semaphore_mem>>) src(%dma_wait3A_220 : memref<8x8x768xf32, #tpu.memory_space<hbm>>) dst(%dma_wait3A_216 : memref<8x8x768xf32, #tpu.memory_space<vmem>>)
    "tpu.region"() ({
      %run_scoped3A_386 = tpu.sem_alloc : memref<!tpu.dma_semaphore, #tpu.memory_space<semaphore_mem>>
      %dma_start3A_387 = arith.constant 0 : i32
      %dma_start3A_388 = tpu.memref_slice %arg12[%dma_start3A_387] : memref<528xi32, #tpu.memory_space<vmem>> -> memref<512xi32, #tpu.memory_space<vmem>>
      %dma_start3A_389 = tpu.memref_slice %arg4[%mul3A_2] : memref<16384xi32, #tpu.memory_space<hbm>> -> memref<512xi32, #tpu.memory_space<hbm>>
      %dma_start3A_390 = arith.constant 0 : i32
      %dma_start3A_391 = tpu.memref_slice %arg12[%dma_start3A_390] : memref<528xi32, #tpu.memory_space<vmem>> -> memref<512xi32, #tpu.memory_space<vmem>>
      %dma_start3A_392 = tpu.memref_slice %arg4[%mul3A_2] : memref<16384xi32, #tpu.memory_space<hbm>> -> memref<512xi32, #tpu.memory_space<hbm>>
      tpu.enqueue_dma source(%dma_start3A_392 : memref<512xi32, #tpu.memory_space<hbm>>) target(%dma_start3A_391 : memref<512xi32, #tpu.memory_space<vmem>>) target_semaphore(%run_scoped3A_386 : memref<!tpu.dma_semaphore, #tpu.memory_space<semaphore_mem>>)
      %dma_wait3A_393 = arith.constant 0 : i32
      %dma_wait3A_394 = tpu.memref_slice %arg12[%dma_wait3A_393] : memref<528xi32, #tpu.memory_space<vmem>> -> memref<512xi32, #tpu.memory_space<vmem>>
      %dma_wait3A_395 = tpu.memref_slice %arg4[%mul3A_2] : memref<16384xi32, #tpu.memory_space<hbm>> -> memref<512xi32, #tpu.memory_space<hbm>>
      %dma_wait3A_396 = arith.constant 0 : i32
      %dma_wait3A_397 = tpu.memref_slice %arg12[%dma_wait3A_396] : memref<528xi32, #tpu.memory_space<vmem>> -> memref<512xi32, #tpu.memory_space<vmem>>
      %dma_wait3A_398 = tpu.memref_slice %arg4[%mul3A_2] : memref<16384xi32, #tpu.memory_space<hbm>> -> memref<512xi32, #tpu.memory_space<hbm>>
      tpu.wait_dma2 semaphore(%run_scoped3A_386 : memref<!tpu.dma_semaphore, #tpu.memory_space<semaphore_mem>>) src(%dma_wait3A_398 : memref<512xi32, #tpu.memory_space<hbm>>) dst(%dma_wait3A_397 : memref<512xi32, #tpu.memory_space<vmem>>)
      tpu.yield
    }) : () -> ()
    %add3A_221 = arith.constant 0 : i32
    %add3A_222 = arith.addi %mul3A_2, %add3A_221 : i32
    %run_scoped3A_223 = arith.constant 0 : i32
    "tpu.region"() ({
      %run_scoped3A_386 = tpu.sem_alloc : memref<!tpu.dma_semaphore, #tpu.memory_space<semaphore_mem>>
      %dma_start3A_387 = arith.constant 0 : i32
      %dma_start3A_388 = tpu.memref_slice %arg13[%run_scoped3A_223, %dma_start3A_387] : memref<4x128xi32, #tpu.memory_space<vmem>> -> memref<1x128xi32, #tpu.memory_space<vmem>>
      %dma_start3A_389 = tpu.memref_squeeze %dma_start3A_388 : memref<1x128xi32, #tpu.memory_space<vmem>> -> memref<128xi32, #tpu.memory_space<vmem>>
      %dma_start3A_390 = tpu.memref_slice %arg5[%add3A_222] : memref<16384xi32, #tpu.memory_space<hbm>> -> memref<128xi32, #tpu.memory_space<hbm>>
      %dma_start3A_391 = arith.constant 0 : i32
      %dma_start3A_392 = tpu.memref_slice %arg13[%run_scoped3A_223, %dma_start3A_391] : memref<4x128xi32, #tpu.memory_space<vmem>> -> memref<1x128xi32, #tpu.memory_space<vmem>>
      %dma_start3A_393 = tpu.memref_squeeze %dma_start3A_392 : memref<1x128xi32, #tpu.memory_space<vmem>> -> memref<128xi32, #tpu.memory_space<vmem>>
      %dma_start3A_394 = tpu.memref_slice %arg5[%add3A_222] : memref<16384xi32, #tpu.memory_space<hbm>> -> memref<128xi32, #tpu.memory_space<hbm>>
      tpu.enqueue_dma source(%dma_start3A_394 : memref<128xi32, #tpu.memory_space<hbm>>) target(%dma_start3A_393 : memref<128xi32, #tpu.memory_space<vmem>>) target_semaphore(%run_scoped3A_386 : memref<!tpu.dma_semaphore, #tpu.memory_space<semaphore_mem>>)
      %dma_wait3A_395 = arith.constant 0 : i32
      %dma_wait3A_396 = tpu.memref_slice %arg13[%run_scoped3A_223, %dma_wait3A_395] : memref<4x128xi32, #tpu.memory_space<vmem>> -> memref<1x128xi32, #tpu.memory_space<vmem>>
      %dma_wait3A_397 = tpu.memref_squeeze %dma_wait3A_396 : memref<1x128xi32, #tpu.memory_space<vmem>> -> memref<128xi32, #tpu.memory_space<vmem>>
      %dma_wait3A_398 = tpu.memref_slice %arg5[%add3A_222] : memref<16384xi32, #tpu.memory_space<hbm>> -> memref<128xi32, #tpu.memory_space<hbm>>
      %dma_wait3A_399 = arith.constant 0 : i32
      %dma_wait3A_400 = tpu.memref_slice %arg13[%run_scoped3A_223, %dma_wait3A_399] : memref<4x128xi32, #tpu.memory_space<vmem>> -> memref<1x128xi32, #tpu.memory_space<vmem>>
      %dma_wait3A_401 = tpu.memref_squeeze %dma_wait3A_400 : memref<1x128xi32, #tpu.memory_space<vmem>> -> memref<128xi32, #tpu.memory_space<vmem>>
      %dma_wait3A_402 = tpu.memref_slice %arg5[%add3A_222] : memref<16384xi32, #tpu.memory_space<hbm>> -> memref<128xi32, #tpu.memory_space<hbm>>
      tpu.wait_dma2 semaphore(%run_scoped3A_386 : memref<!tpu.dma_semaphore, #tpu.memory_space<semaphore_mem>>) src(%dma_wait3A_402 : memref<128xi32, #tpu.memory_space<hbm>>) dst(%dma_wait3A_401 : memref<128xi32, #tpu.memory_space<vmem>>)
      tpu.yield
    }) : () -> ()
    %add3A_224 = arith.constant 128 : i32
    %add3A_225 = arith.addi %mul3A_2, %add3A_224 : i32
    %run_scoped3A_226 = arith.constant 1 : i32
    "tpu.region"() ({
      %run_scoped3A_386 = tpu.sem_alloc : memref<!tpu.dma_semaphore, #tpu.memory_space<semaphore_mem>>
      %dma_start3A_387 = arith.constant 0 : i32
      %dma_start3A_388 = tpu.memref_slice %arg13[%run_scoped3A_226, %dma_start3A_387] : memref<4x128xi32, #tpu.memory_space<vmem>> -> memref<1x128xi32, #tpu.memory_space<vmem>>
      %dma_start3A_389 = tpu.memref_squeeze %dma_start3A_388 : memref<1x128xi32, #tpu.memory_space<vmem>> -> memref<128xi32, #tpu.memory_space<vmem>>
      %dma_start3A_390 = tpu.memref_slice %arg5[%add3A_225] : memref<16384xi32, #tpu.memory_space<hbm>> -> memref<128xi32, #tpu.memory_space<hbm>>
      %dma_start3A_391 = arith.constant 0 : i32
      %dma_start3A_392 = tpu.memref_slice %arg13[%run_scoped3A_226, %dma_start3A_391] : memref<4x128xi32, #tpu.memory_space<vmem>> -> memref<1x128xi32, #tpu.memory_space<vmem>>
      %dma_start3A_393 = tpu.memref_squeeze %dma_start3A_392 : memref<1x128xi32, #tpu.memory_space<vmem>> -> memref<128xi32, #tpu.memory_space<vmem>>
      %dma_start3A_394 = tpu.memref_slice %arg5[%add3A_225] : memref<16384xi32, #tpu.memory_space<hbm>> -> memref<128xi32, #tpu.memory_space<hbm>>
      tpu.enqueue_dma source(%dma_start3A_394 : memref<128xi32, #tpu.memory_space<hbm>>) target(%dma_start3A_393 : memref<128xi32, #tpu.memory_space<vmem>>) target_semaphore(%run_scoped3A_386 : memref<!tpu.dma_semaphore, #tpu.memory_space<semaphore_mem>>)
      %dma_wait3A_395 = arith.constant 0 : i32
      %dma_wait3A_396 = tpu.memref_slice %arg13[%run_scoped3A_226, %dma_wait3A_395] : memref<4x128xi32, #tpu.memory_space<vmem>> -> memref<1x128xi32, #tpu.memory_space<vmem>>
      %dma_wait3A_397 = tpu.memref_squeeze %dma_wait3A_396 : memref<1x128xi32, #tpu.memory_space<vmem>> -> memref<128xi32, #tpu.memory_space<vmem>>
      %dma_wait3A_398 = tpu.memref_slice %arg5[%add3A_225] : memref<16384xi32, #tpu.memory_space<hbm>> -> memref<128xi32, #tpu.memory_space<hbm>>
      %dma_wait3A_399 = arith.constant 0 : i32
      %dma_wait3A_400 = tpu.memref_slice %arg13[%run_scoped3A_226, %dma_wait3A_399] : memref<4x128xi32, #tpu.memory_space<vmem>> -> memref<1x128xi32, #tpu.memory_space<vmem>>
      %dma_wait3A_401 = tpu.memref_squeeze %dma_wait3A_400 : memref<1x128xi32, #tpu.memory_space<vmem>> -> memref<128xi32, #tpu.memory_space<vmem>>
      %dma_wait3A_402 = tpu.memref_slice %arg5[%add3A_225] : memref<16384xi32, #tpu.memory_space<hbm>> -> memref<128xi32, #tpu.memory_space<hbm>>
      tpu.wait_dma2 semaphore(%run_scoped3A_386 : memref<!tpu.dma_semaphore, #tpu.memory_space<semaphore_mem>>) src(%dma_wait3A_402 : memref<128xi32, #tpu.memory_space<hbm>>) dst(%dma_wait3A_401 : memref<128xi32, #tpu.memory_space<vmem>>)
      tpu.yield
    }) : () -> ()
    %add3A_227 = arith.constant 256 : i32
    %add3A_228 = arith.addi %mul3A_2, %add3A_227 : i32
    %run_scoped3A_229 = arith.constant 2 : i32
    "tpu.region"() ({
      %run_scoped3A_386 = tpu.sem_alloc : memref<!tpu.dma_semaphore, #tpu.memory_space<semaphore_mem>>
      %dma_start3A_387 = arith.constant 0 : i32
      %dma_start3A_388 = tpu.memref_slice %arg13[%run_scoped3A_229, %dma_start3A_387] : memref<4x128xi32, #tpu.memory_space<vmem>> -> memref<1x128xi32, #tpu.memory_space<vmem>>
      %dma_start3A_389 = tpu.memref_squeeze %dma_start3A_388 : memref<1x128xi32, #tpu.memory_space<vmem>> -> memref<128xi32, #tpu.memory_space<vmem>>
      %dma_start3A_390 = tpu.memref_slice %arg5[%add3A_228] : memref<16384xi32, #tpu.memory_space<hbm>> -> memref<128xi32, #tpu.memory_space<hbm>>
      %dma_start3A_391 = arith.constant 0 : i32
      %dma_start3A_392 = tpu.memref_slice %arg13[%run_scoped3A_229, %dma_start3A_391] : memref<4x128xi32, #tpu.memory_space<vmem>> -> memref<1x128xi32, #tpu.memory_space<vmem>>
      %dma_start3A_393 = tpu.memref_squeeze %dma_start3A_392 : memref<1x128xi32, #tpu.memory_space<vmem>> -> memref<128xi32, #tpu.memory_space<vmem>>
      %dma_start3A_394 = tpu.memref_slice %arg5[%add3A_228] : memref<16384xi32, #tpu.memory_space<hbm>> -> memref<128xi32, #tpu.memory_space<hbm>>
      tpu.enqueue_dma source(%dma_start3A_394 : memref<128xi32, #tpu.memory_space<hbm>>) target(%dma_start3A_393 : memref<128xi32, #tpu.memory_space<vmem>>) target_semaphore(%run_scoped3A_386 : memref<!tpu.dma_semaphore, #tpu.memory_space<semaphore_mem>>)
      %dma_wait3A_395 = arith.constant 0 : i32
      %dma_wait3A_396 = tpu.memref_slice %arg13[%run_scoped3A_229, %dma_wait3A_395] : memref<4x128xi32, #tpu.memory_space<vmem>> -> memref<1x128xi32, #tpu.memory_space<vmem>>
      %dma_wait3A_397 = tpu.memref_squeeze %dma_wait3A_396 : memref<1x128xi32, #tpu.memory_space<vmem>> -> memref<128xi32, #tpu.memory_space<vmem>>
      %dma_wait3A_398 = tpu.memref_slice %arg5[%add3A_228] : memref<16384xi32, #tpu.memory_space<hbm>> -> memref<128xi32, #tpu.memory_space<hbm>>
      %dma_wait3A_399 = arith.constant 0 : i32
      %dma_wait3A_400 = tpu.memref_slice %arg13[%run_scoped3A_229, %dma_wait3A_399] : memref<4x128xi32, #tpu.memory_space<vmem>> -> memref<1x128xi32, #tpu.memory_space<vmem>>
      %dma_wait3A_401 = tpu.memref_squeeze %dma_wait3A_400 : memref<1x128xi32, #tpu.memory_space<vmem>> -> memref<128xi32, #tpu.memory_space<vmem>>
      %dma_wait3A_402 = tpu.memref_slice %arg5[%add3A_228] : memref<16384xi32, #tpu.memory_space<hbm>> -> memref<128xi32, #tpu.memory_space<hbm>>
      tpu.wait_dma2 semaphore(%run_scoped3A_386 : memref<!tpu.dma_semaphore, #tpu.memory_space<semaphore_mem>>) src(%dma_wait3A_402 : memref<128xi32, #tpu.memory_space<hbm>>) dst(%dma_wait3A_401 : memref<128xi32, #tpu.memory_space<vmem>>)
      tpu.yield
    }) : () -> ()
    %add3A_230 = arith.constant 384 : i32
    %add3A_231 = arith.addi %mul3A_2, %add3A_230 : i32
    %run_scoped3A_232 = arith.constant 3 : i32
    "tpu.region"() ({
      %run_scoped3A_386 = tpu.sem_alloc : memref<!tpu.dma_semaphore, #tpu.memory_space<semaphore_mem>>
      %dma_start3A_387 = arith.constant 0 : i32
      %dma_start3A_388 = tpu.memref_slice %arg13[%run_scoped3A_232, %dma_start3A_387] : memref<4x128xi32, #tpu.memory_space<vmem>> -> memref<1x128xi32, #tpu.memory_space<vmem>>
      %dma_start3A_389 = tpu.memref_squeeze %dma_start3A_388 : memref<1x128xi32, #tpu.memory_space<vmem>> -> memref<128xi32, #tpu.memory_space<vmem>>
      %dma_start3A_390 = tpu.memref_slice %arg5[%add3A_231] : memref<16384xi32, #tpu.memory_space<hbm>> -> memref<128xi32, #tpu.memory_space<hbm>>
      %dma_start3A_391 = arith.constant 0 : i32
      %dma_start3A_392 = tpu.memref_slice %arg13[%run_scoped3A_232, %dma_start3A_391] : memref<4x128xi32, #tpu.memory_space<vmem>> -> memref<1x128xi32, #tpu.memory_space<vmem>>
      %dma_start3A_393 = tpu.memref_squeeze %dma_start3A_392 : memref<1x128xi32, #tpu.memory_space<vmem>> -> memref<128xi32, #tpu.memory_space<vmem>>
      %dma_start3A_394 = tpu.memref_slice %arg5[%add3A_231] : memref<16384xi32, #tpu.memory_space<hbm>> -> memref<128xi32, #tpu.memory_space<hbm>>
      tpu.enqueue_dma source(%dma_start3A_394 : memref<128xi32, #tpu.memory_space<hbm>>) target(%dma_start3A_393 : memref<128xi32, #tpu.memory_space<vmem>>) target_semaphore(%run_scoped3A_386 : memref<!tpu.dma_semaphore, #tpu.memory_space<semaphore_mem>>)
      %dma_wait3A_395 = arith.constant 0 : i32
      %dma_wait3A_396 = tpu.memref_slice %arg13[%run_scoped3A_232, %dma_wait3A_395] : memref<4x128xi32, #tpu.memory_space<vmem>> -> memref<1x128xi32, #tpu.memory_space<vmem>>
      %dma_wait3A_397 = tpu.memref_squeeze %dma_wait3A_396 : memref<1x128xi32, #tpu.memory_space<vmem>> -> memref<128xi32, #tpu.memory_space<vmem>>
      %dma_wait3A_398 = tpu.memref_slice %arg5[%add3A_231] : memref<16384xi32, #tpu.memory_space<hbm>> -> memref<128xi32, #tpu.memory_space<hbm>>
      %dma_wait3A_399 = arith.constant 0 : i32
      %dma_wait3A_400 = tpu.memref_slice %arg13[%run_scoped3A_232, %dma_wait3A_399] : memref<4x128xi32, #tpu.memory_space<vmem>> -> memref<1x128xi32, #tpu.memory_space<vmem>>
      %dma_wait3A_401 = tpu.memref_squeeze %dma_wait3A_400 : memref<1x128xi32, #tpu.memory_space<vmem>> -> memref<128xi32, #tpu.memory_space<vmem>>
      %dma_wait3A_402 = tpu.memref_slice %arg5[%add3A_231] : memref<16384xi32, #tpu.memory_space<hbm>> -> memref<128xi32, #tpu.memory_space<hbm>>
      tpu.wait_dma2 semaphore(%run_scoped3A_386 : memref<!tpu.dma_semaphore, #tpu.memory_space<semaphore_mem>>) src(%dma_wait3A_402 : memref<128xi32, #tpu.memory_space<hbm>>) dst(%dma_wait3A_401 : memref<128xi32, #tpu.memory_space<vmem>>)
      tpu.yield
    }) : () -> ()
    "tpu.region"() ({
      %run_scoped3A_386 = tpu.sem_alloc : memref<!tpu.dma_semaphore, #tpu.memory_space<semaphore_mem>>
      tpu.enqueue_dma source(%arg9 : memref<64x128xf32, #tpu.memory_space<hbm>>) target(%arg15 : memref<64x128xf32, #tpu.memory_space<vmem>>) target_semaphore(%run_scoped3A_386 : memref<!tpu.dma_semaphore, #tpu.memory_space<semaphore_mem>>)
      tpu.wait_dma2 semaphore(%run_scoped3A_386 : memref<!tpu.dma_semaphore, #tpu.memory_space<semaphore_mem>>) src(%arg9 : memref<64x128xf32, #tpu.memory_space<hbm>>) dst(%arg15 : memref<64x128xf32, #tpu.memory_space<vmem>>)
      tpu.yield
    }) : () -> ()
    %get3A_233 = arith.constant 0 : index
    %get3A_234 = tpu.vector_load %arg12[%get3A_233] {strides = array<i32>} : memref<528xi32, #tpu.memory_space<vmem>>, vector<16xi32>,
    %slice3A_235 = vector.extract_strided_slice %get3A_234 {offsets = [0], sizes = [1], strides = [1]} : vector<16xi32> to vector<1xi32>
    %squeeze3A_236 = vector.extract %slice3A_235[0] : i32 from vector<1xi32>
    %get3A_237 = arith.constant 496 : index
    %get3A_238 = tpu.vector_load %arg12[%get3A_237] {strides = array<i32>} : memref<528xi32, #tpu.memory_space<vmem>>, vector<16xi32>,
    %slice3A_239 = vector.extract_strided_slice %get3A_238 {offsets = [15], sizes = [1], strides = [1]} : vector<16xi32> to vector<1xi32>
    %squeeze3A_240 = vector.extract %slice3A_239[0] : i32 from vector<1xi32>
    %shift_right_arithmetic3A_241 = arith.constant 7 : i32
    %shift_right_arithmetic3A_242 = arith.shrsi %squeeze3A_236, %shift_right_arithmetic3A_241 : i32
    %min3A_243 = arith.constant 7806 : i32
    %min3A_244 = arith.minsi %shift_right_arithmetic3A_242, %min3A_243 : i32
    %shift_right_arithmetic3A_245 = arith.constant 7 : i32
    %shift_right_arithmetic3A_246 = arith.shrsi %squeeze3A_240, %shift_right_arithmetic3A_245 : i32
    %min3A_247 = arith.constant 7811 : i32
    %min3A_248 = arith.minsi %shift_right_arithmetic3A_246, %min3A_247 : i32
    %sub3A_249 = arith.subi %min3A_248, %min3A_244 : i32
    %add3A_250 = arith.constant 6 : i32
    %add3A_251 = arith.addi %sub3A_249, %add3A_250 : i32
    %jit3A_252 = arith.constant 6 : i32
    %div3A_253 = arith.divsi %add3A_251, %jit3A_252 : i32
    %sign3A_254 = arith.constant 0 : i32
    %sign3A_255 = arith.cmpi sgt, %add3A_251, %sign3A_254 : i32
    %sign3A_256 = arith.extui %sign3A_255 : i1 to i32
    %sign3A_257 = arith.constant 0 : i32
    %sign3A_258 = arith.cmpi slt, %add3A_251, %sign3A_257 : i32
    %sign3A_259 = arith.extui %sign3A_258 : i1 to i32
    %sign3A_260 = arith.subi %sign3A_256, %sign3A_259 : i32
    %sign3A_261 = arith.constant 0 : i32
    %sign3A_262 = arith.cmpi sgt, %jit3A_252, %sign3A_261 : i32
    %sign3A_263 = arith.extui %sign3A_262 : i1 to i32
    %sign3A_264 = arith.constant 0 : i32
    %sign3A_265 = arith.cmpi slt, %jit3A_252, %sign3A_264 : i32
    %sign3A_266 = arith.extui %sign3A_265 : i1 to i32
    %sign3A_267 = arith.subi %sign3A_263, %sign3A_266 : i32
    %ne3A_268 = arith.cmpi ne, %sign3A_260, %sign3A_267 : i32
    %rem3A_269 = arith.remsi %add3A_251, %jit3A_252 : i32
    %ne3A_270 = arith.constant 0 : i32
    %ne3A_271 = arith.cmpi ne, %rem3A_269, %ne3A_270 : i32
    %and3A_272 = arith.andi %ne3A_268, %ne3A_271 : i1
    %sub3A_273 = arith.constant 1 : i32
    %sub3A_274 = arith.subi %div3A_253, %sub3A_273 : i32
    %select_n3A_275 = arith.select %and3A_272, %sub3A_274, %div3A_253 : i32
    %max3A_276 = arith.constant 1 : i32
    %max3A_277 = arith.maxsi %select_n3A_275, %max3A_276 : i32
    %add3A_278 = arith.constant 1 : i32
    %add3A_279 = arith.addi %max3A_277, %add3A_278 : i32
    %jit3A_280 = arith.constant 2 : i32
    %div3A_281 = arith.divsi %add3A_279, %jit3A_280 : i32
    %sign3A_282 = arith.constant 0 : i32
    %sign3A_283 = arith.cmpi sgt, %add3A_279, %sign3A_282 : i32
    %sign3A_284 = arith.extui %sign3A_283 : i1 to i32
    %sign3A_285 = arith.constant 0 : i32
    %sign3A_286 = arith.cmpi slt, %add3A_279, %sign3A_285 : i32
    %sign3A_287 = arith.extui %sign3A_286 : i1 to i32
    %sign3A_288 = arith.subi %sign3A_284, %sign3A_287 : i32
    %sign3A_289 = arith.constant 0 : i32
    %sign3A_290 = arith.cmpi sgt, %jit3A_280, %sign3A_289 : i32
    %sign3A_291 = arith.extui %sign3A_290 : i1 to i32
    %sign3A_292 = arith.constant 0 : i32
    %sign3A_293 = arith.cmpi slt, %jit3A_280, %sign3A_292 : i32
    %sign3A_294 = arith.extui %sign3A_293 : i1 to i32
    %sign3A_295 = arith.subi %sign3A_291, %sign3A_294 : i32
    %ne3A_296 = arith.cmpi ne, %sign3A_288, %sign3A_295 : i32
    %rem3A_297 = arith.remsi %add3A_279, %jit3A_280 : i32
    %ne3A_298 = arith.constant 0 : i32
    %ne3A_299 = arith.cmpi ne, %rem3A_297, %ne3A_298 : i32
    %and3A_300 = arith.andi %ne3A_296, %ne3A_299 : i1
    %sub3A_301 = arith.constant 1 : i32
    %sub3A_302 = arith.subi %div3A_281, %sub3A_301 : i32
    %select_n3A_303 = arith.select %and3A_300, %sub3A_302, %div3A_281 : i32
    %min3A_304 = arith.constant 7806 : i32
    %min3A_305 = arith.minsi %min3A_244, %min3A_304 : i32
    %mul3A_306 = arith.constant 128 : i32
    %mul3A_307 = arith.muli %min3A_305, %mul3A_306 : i32
    %dma_start3A_308 = arith.constant 0 : i32
    %dma_start3A_309 = arith.constant 0 : i32
    %dma_start3A_310 = arith.constant 0 : i32
    %dma_start3A_311 = tpu.memref_slice %arg14[%dma_start3A_308, %dma_start3A_309, %dma_start3A_310] : memref<8x8x1536xf32, #tpu.memory_space<vmem>> -> memref<8x8x768xf32, #tpu.memory_space<vmem>>
    %dma_start3A_312 = arith.constant 0 : i32
    %dma_start3A_313 = arith.constant 0 : i32
    %dma_start3A_314 = tpu.memref_slice %arg7[%dma_start3A_312, %dma_start3A_313, %mul3A_307] : memref<8x8x1000000xf32, #tpu.memory_space<hbm>> -> memref<8x8x768xf32, #tpu.memory_space<hbm>>
    %dma_start3A_315 = arith.constant 0 : i32
    %dma_start3A_316 = arith.constant 0 : i32
    %dma_start3A_317 = arith.constant 0 : i32
    %dma_start3A_318 = tpu.memref_slice %arg14[%dma_start3A_315, %dma_start3A_316, %dma_start3A_317] : memref<8x8x1536xf32, #tpu.memory_space<vmem>> -> memref<8x8x768xf32, #tpu.memory_space<vmem>>
    %dma_start3A_319 = arith.constant 0 : i32
    %dma_start3A_320 = arith.constant 0 : i32
    %dma_start3A_321 = tpu.memref_slice %arg7[%dma_start3A_319, %dma_start3A_320, %mul3A_307] : memref<8x8x1000000xf32, #tpu.memory_space<hbm>> -> memref<8x8x768xf32, #tpu.memory_space<hbm>>
    tpu.enqueue_dma source(%dma_start3A_321 : memref<8x8x768xf32, #tpu.memory_space<hbm>>) target(%dma_start3A_318 : memref<8x8x768xf32, #tpu.memory_space<vmem>>) target_semaphore(%arg17 : memref<!tpu.dma_semaphore, #tpu.memory_space<semaphore_mem>>)
    %add3A_322 = arith.constant 6 : i32
    %add3A_323 = arith.addi %min3A_244, %add3A_322 : i32
    %min3A_324 = arith.constant 7806 : i32
    %min3A_325 = arith.minsi %add3A_323, %min3A_324 : i32
    %mul3A_326 = arith.constant 128 : i32
    %mul3A_327 = arith.muli %min3A_325, %mul3A_326 : i32
    %dma_start3A_328 = arith.constant 0 : i32
    %dma_start3A_329 = arith.constant 0 : i32
    %dma_start3A_330 = arith.constant 768 : i32
    %dma_start3A_331 = tpu.memref_slice %arg14[%dma_start3A_328, %dma_start3A_329, %dma_start3A_330] : memref<8x8x1536xf32, #tpu.memory_space<vmem>> -> memref<8x8x768xf32, #tpu.memory_space<vmem>>
    %dma_start3A_332 = arith.constant 0 : i32
    %dma_start3A_333 = arith.constant 0 : i32
    %dma_start3A_334 = tpu.memref_slice %arg7[%dma_start3A_332, %dma_start3A_333, %mul3A_327] : memref<8x8x1000000xf32, #tpu.memory_space<hbm>> -> memref<8x8x768xf32, #tpu.memory_space<hbm>>
    %dma_start3A_335 = arith.constant 0 : i32
    %dma_start3A_336 = arith.constant 0 : i32
    %dma_start3A_337 = arith.constant 768 : i32
    %dma_start3A_338 = tpu.memref_slice %arg14[%dma_start3A_335, %dma_start3A_336, %dma_start3A_337] : memref<8x8x1536xf32, #tpu.memory_space<vmem>> -> memref<8x8x768xf32, #tpu.memory_space<vmem>>
    %dma_start3A_339 = arith.constant 0 : i32
    %dma_start3A_340 = arith.constant 0 : i32
    %dma_start3A_341 = tpu.memref_slice %arg7[%dma_start3A_339, %dma_start3A_340, %mul3A_327] : memref<8x8x1000000xf32, #tpu.memory_space<hbm>> -> memref<8x8x768xf32, #tpu.memory_space<hbm>>
    tpu.enqueue_dma source(%dma_start3A_341 : memref<8x8x768xf32, #tpu.memory_space<hbm>>) target(%dma_start3A_338 : memref<8x8x768xf32, #tpu.memory_space<vmem>>) target_semaphore(%arg18 : memref<!tpu.dma_semaphore, #tpu.memory_space<semaphore_mem>>)
    %while3A_342 = arith.constant 0 : i32
    %while3A_343 = arith.constant 0 : i32
    %while3A_344 = arith.subi %select_n3A_303, %while3A_342 : i32
    %while3A_345 = arith.addi %while3A_342, %while3A_344 : i32
    %while3A_346 = arith.constant 1 : i32
    %while3A_347 = arith.divsi %while3A_344, %while3A_346 : i32
    %while3A_348 = arith.muli %while3A_347, %while3A_346 : i32
    %while3A_349 = arith.addi %while3A_342, %while3A_348 : i32
    %while3A_350 = arith.constant 1 : i32
    %while3A_351:2 = scf.for %while3A_386 = %while3A_342 to %while3A_349 step %while3A_350 iter_args(%while3A_387 = %while3A_343, %while3A_388 = %squeeze3A_236) -> (i32, i32)  : i32 {
      %dma_wait3A_389 = arith.constant 0 : i32
      %dma_wait3A_390 = arith.constant 0 : i32
      %dma_wait3A_391 = arith.constant 0 : i32
      %dma_wait3A_392 = tpu.memref_slice %arg14[%dma_wait3A_389, %dma_wait3A_390, %dma_wait3A_391] : memref<8x8x1536xf32, #tpu.memory_space<vmem>> -> memref<8x8x768xf32, #tpu.memory_space<vmem>>
      %dma_wait3A_393 = arith.constant 0 : i32
      %dma_wait3A_394 = arith.constant 0 : i32
      %dma_wait3A_395 = arith.constant 0 : i32
      %dma_wait3A_396 = tpu.memref_slice %arg7[%dma_wait3A_393, %dma_wait3A_394, %dma_wait3A_395] : memref<8x8x1000000xf32, #tpu.memory_space<hbm>> -> memref<8x8x768xf32, #tpu.memory_space<hbm>>
      %dma_wait3A_397 = arith.constant 0 : i32
      %dma_wait3A_398 = arith.constant 0 : i32
      %dma_wait3A_399 = arith.constant 0 : i32
      %dma_wait3A_400 = tpu.memref_slice %arg14[%dma_wait3A_397, %dma_wait3A_398, %dma_wait3A_399] : memref<8x8x1536xf32, #tpu.memory_space<vmem>> -> memref<8x8x768xf32, #tpu.memory_space<vmem>>
      %dma_wait3A_401 = arith.constant 0 : i32
      %dma_wait3A_402 = arith.constant 0 : i32
      %dma_wait3A_403 = arith.constant 0 : i32
      %dma_wait3A_404 = tpu.memref_slice %arg7[%dma_wait3A_401, %dma_wait3A_402, %dma_wait3A_403] : memref<8x8x1000000xf32, #tpu.memory_space<hbm>> -> memref<8x8x768xf32, #tpu.memory_space<hbm>>
      tpu.wait_dma2 semaphore(%arg17 : memref<!tpu.dma_semaphore, #tpu.memory_space<semaphore_mem>>) src(%dma_wait3A_404 : memref<8x8x768xf32, #tpu.memory_space<hbm>>) dst(%dma_wait3A_400 : memref<8x8x768xf32, #tpu.memory_space<vmem>>)
      %mul3A_405 = arith.constant 2 : i32
      %mul3A_406 = arith.muli %mul3A_405, %while3A_386 : i32
      %mul3A_407 = arith.constant 6 : i32
      %mul3A_408 = arith.muli %mul3A_406, %mul3A_407 : i32
      %add3A_409 = arith.addi %min3A_244, %mul3A_408 : i32
      %min3A_410 = arith.constant 7806 : i32
      %min3A_411 = arith.minsi %add3A_409, %min3A_410 : i32
      %mul3A_412 = arith.constant 128 : i32
      %mul3A_413 = arith.muli %min3A_411, %mul3A_412 : i32
      %add3A_414 = arith.constant 768 : i32
      %add3A_415 = arith.addi %mul3A_413, %add3A_414 : i32
      %while3A_416:2 = scf.while (%while3A_497 = %while3A_387, %while3A_498 = %while3A_388) : (i32, i32) -> (i32, i32) {
        %lt3A = arith.constant 512 : i32
        %lt3A_499 = arith.cmpi slt, %while3A_497, %lt3A : i32
        %lt3A_500 = arith.cmpi slt, %while3A_498, %add3A_415 : i32
        %ge3A = arith.constant 999936 : i32
        %ge3A_501 = arith.cmpi sge, %while3A_498, %ge3A : i32
        %or3A = arith.ori %lt3A_500, %ge3A_501 : i1
        %and3A_502 = arith.andi %lt3A_499, %or3A : i1
        scf.condition(%and3A_502) %while3A_497, %while3A_498 : i32, i32
      } do {
      ^bb0(%while3A_497: i32, %while3A_498: i32):
        %and3A_499 = arith.constant 127 : i32
        %and3A_500 = arith.andi %while3A_497, %and3A_499 : i32
        %lt3A = arith.constant 999936 : i32
        %lt3A_501 = arith.cmpi slt, %while3A_498, %lt3A : i32
        %convert_element_type3A = arith.extui %lt3A_501 : i1 to i32
        %cond3A = arith.constant 0 : i32
        %cond3A_502 = arith.cmpi ne, %convert_element_type3A, %cond3A : i32
        scf.if %cond3A_502 {
          %sub3A_519 = arith.subi %while3A_498, %mul3A_413 : i32
          %add3A_520 = arith.constant 0 : i32
          %add3A_521 = arith.addi %add3A_520, %sub3A_519 : i32
          %broadcast_in_dim3A = vector.broadcast %add3A_521 : i32 to vector<16xi32>
          %gather3A = tpu.vector_load_idx %arg14[%shift_right_arithmetic3A_23, %and3A_50, %broadcast_in_dim3A] : memref<8x8x1536xf32, #tpu.memory_space<vmem>>[vector<16xi32>, vector<16xi32>, vector<16xi32>], vector<16xf32>,
          %swap3A = arith.index_cast %and3A_500 : i32 to index
          %swap3A_522 = arith.constant 0 : index
          %swap3A_523 = tpu.vector_load %arg16[%swap3A, %swap3A_522] {strides = array<i32>} : memref<128x128xf32, #tpu.memory_space<vmem>>, vector<16xf32>,
          tpu.vector_store %arg16[%swap3A, %swap3A_522], %gather3A {strides = array<i32>} : memref<128x128xf32, #tpu.memory_space<vmem>>, vector<16xf32>,
          %gather3A_524 = tpu.vector_load_idx %arg14[%shift_right_arithmetic3A_30, %and3A_57, %broadcast_in_dim3A] : memref<8x8x1536xf32, #tpu.memory_space<vmem>>[vector<16xi32>, vector<16xi32>, vector<16xi32>], vector<16xf32>,
          %swap3A_525 = arith.index_cast %and3A_500 : i32 to index
          %swap3A_526 = arith.constant 16 : index
          %swap3A_527 = tpu.vector_load %arg16[%swap3A_525, %swap3A_526] {strides = array<i32>} : memref<128x128xf32, #tpu.memory_space<vmem>>, vector<16xf32>,
          tpu.vector_store %arg16[%swap3A_525, %swap3A_526], %gather3A_524 {strides = array<i32>} : memref<128x128xf32, #tpu.memory_space<vmem>>, vector<16xf32>,
          %gather3A_528 = tpu.vector_load_idx %arg14[%shift_right_arithmetic3A_37, %and3A_64, %broadcast_in_dim3A] : memref<8x8x1536xf32, #tpu.memory_space<vmem>>[vector<16xi32>, vector<16xi32>, vector<16xi32>], vector<16xf32>,
          %swap3A_529 = arith.index_cast %and3A_500 : i32 to index
          %swap3A_530 = arith.constant 32 : index
          %swap3A_531 = tpu.vector_load %arg16[%swap3A_529, %swap3A_530] {strides = array<i32>} : memref<128x128xf32, #tpu.memory_space<vmem>>, vector<16xf32>,
          tpu.vector_store %arg16[%swap3A_529, %swap3A_530], %gather3A_528 {strides = array<i32>} : memref<128x128xf32, #tpu.memory_space<vmem>>, vector<16xf32>,
          %gather3A_532 = tpu.vector_load_idx %arg14[%shift_right_arithmetic3A_44, %and3A_71, %broadcast_in_dim3A] : memref<8x8x1536xf32, #tpu.memory_space<vmem>>[vector<16xi32>, vector<16xi32>, vector<16xi32>], vector<16xf32>,
          %swap3A_533 = arith.index_cast %and3A_500 : i32 to index
          %swap3A_534 = arith.constant 48 : index
          %swap3A_535 = tpu.vector_load %arg16[%swap3A_533, %swap3A_534] {strides = array<i32>} : memref<128x128xf32, #tpu.memory_space<vmem>>, vector<16xf32>,
          tpu.vector_store %arg16[%swap3A_533, %swap3A_534], %gather3A_532 {strides = array<i32>} : memref<128x128xf32, #tpu.memory_space<vmem>>, vector<16xf32>,
        } else {
        }
        %ge3A = arith.constant 999936 : i32
        %ge3A_503 = arith.cmpi sge, %while3A_498, %ge3A : i32
        %convert_element_type3A_504 = arith.extui %ge3A_503 : i1 to i32
        %cond3A_505 = arith.constant 0 : i32
        %cond3A_506 = arith.cmpi ne, %convert_element_type3A_504, %cond3A_505 : i32
        scf.if %cond3A_506 {
          %sub3A_519 = arith.constant 999936 : i32
          %sub3A_520 = arith.subi %while3A_498, %sub3A_519 : i32
          %broadcast_in_dim3A = vector.broadcast %sub3A_520 : i32 to vector<16xi32>
          %gather3A = tpu.vector_load_idx %arg15[%add3A_5, %broadcast_in_dim3A] : memref<64x128xf32, #tpu.memory_space<vmem>>[vector<16xi32>, vector<16xi32>], vector<16xf32>,
          %swap3A = arith.index_cast %and3A_500 : i32 to index
          %swap3A_521 = arith.constant 0 : index
          %swap3A_522 = tpu.vector_load %arg16[%swap3A, %swap3A_521] {strides = array<i32>} : memref<128x128xf32, #tpu.memory_space<vmem>>, vector<16xf32>,
          tpu.vector_store %arg16[%swap3A, %swap3A_521], %gather3A {strides = array<i32>} : memref<128x128xf32, #tpu.memory_space<vmem>>, vector<16xf32>,
          %gather3A_523 = tpu.vector_load_idx %arg15[%add3A_9, %broadcast_in_dim3A] : memref<64x128xf32, #tpu.memory_space<vmem>>[vector<16xi32>, vector<16xi32>], vector<16xf32>,
          %swap3A_524 = arith.index_cast %and3A_500 : i32 to index
          %swap3A_525 = arith.constant 16 : index
          %swap3A_526 = tpu.vector_load %arg16[%swap3A_524, %swap3A_525] {strides = array<i32>} : memref<128x128xf32, #tpu.memory_space<vmem>>, vector<16xf32>,
          tpu.vector_store %arg16[%swap3A_524, %swap3A_525], %gather3A_523 {strides = array<i32>} : memref<128x128xf32, #tpu.memory_space<vmem>>, vector<16xf32>,
          %gather3A_527 = tpu.vector_load_idx %arg15[%add3A_13, %broadcast_in_dim3A] : memref<64x128xf32, #tpu.memory_space<vmem>>[vector<16xi32>, vector<16xi32>], vector<16xf32>,
          %swap3A_528 = arith.index_cast %and3A_500 : i32 to index
          %swap3A_529 = arith.constant 32 : index
          %swap3A_530 = tpu.vector_load %arg16[%swap3A_528, %swap3A_529] {strides = array<i32>} : memref<128x128xf32, #tpu.memory_space<vmem>>, vector<16xf32>,
          tpu.vector_store %arg16[%swap3A_528, %swap3A_529], %gather3A_527 {strides = array<i32>} : memref<128x128xf32, #tpu.memory_space<vmem>>, vector<16xf32>,
          %gather3A_531 = tpu.vector_load_idx %arg15[%add3A_17, %broadcast_in_dim3A] : memref<64x128xf32, #tpu.memory_space<vmem>>[vector<16xi32>, vector<16xi32>], vector<16xf32>,
          %swap3A_532 = arith.index_cast %and3A_500 : i32 to index
          %swap3A_533 = arith.constant 48 : index
          %swap3A_534 = tpu.vector_load %arg16[%swap3A_532, %swap3A_533] {strides = array<i32>} : memref<128x128xf32, #tpu.memory_space<vmem>>, vector<16xf32>,
          tpu.vector_store %arg16[%swap3A_532, %swap3A_533], %gather3A_531 {strides = array<i32>} : memref<128x128xf32, #tpu.memory_space<vmem>>, vector<16xf32>,
        } else {
        }
        %eq3A = arith.constant 127 : i32
        %eq3A_507 = arith.cmpi eq, %and3A_500, %eq3A : i32
        %convert_element_type3A_508 = arith.extui %eq3A_507 : i1 to i32
        %cond3A_509 = arith.constant 0 : i32
        %cond3A_510 = arith.cmpi ne, %convert_element_type3A_508, %cond3A_509 : i32
        scf.if %cond3A_510 {
          %shift_right_arithmetic3A_519 = arith.constant 7 : i32
          %shift_right_arithmetic3A_520 = arith.shrsi %while3A_497, %shift_right_arithmetic3A_519 : i32
          %dma_start3A_521 = arith.constant 0 : i32
          %dma_start3A_522 = tpu.memref_slice %arg13[%shift_right_arithmetic3A_520, %dma_start3A_521] : memref<4x128xi32, #tpu.memory_space<vmem>> -> memref<1x128xi32, #tpu.memory_space<vmem>>
          %dma_start3A_523 = tpu.memref_squeeze %dma_start3A_522 : memref<1x128xi32, #tpu.memory_space<vmem>> -> memref<128xi32, #tpu.memory_space<vmem>>
          %dma_start3A_524 = arith.constant 0 : i32
          %dma_start3A_525 = arith.constant 0 : i32
          %dma_start3A_526 = tpu.memref_slice %arg11[%dma_start3A_524, %dma_start3A_525] : memref<16384x128xf32, #tpu.memory_space<hbm>> -> memref<16384x128xf32, #tpu.memory_space<hbm>>
          tpu.enqueue_indirect_dma source(%arg16 : memref<128x128xf32, #tpu.memory_space<vmem>>) target(%dma_start3A_526 : memref<16384x128xf32, #tpu.memory_space<hbm>>) offsets(%dma_start3A_523 : memref<128xi32, #tpu.memory_space<vmem>>) semaphore(%arg19 : memref<!tpu.dma_semaphore, #tpu.memory_space<semaphore_mem>>)
          %dma_wait3A_527 = arith.constant 0 : i32
          %dma_wait3A_528 = tpu.memref_slice %arg13[%shift_right_arithmetic3A_520, %dma_wait3A_527] : memref<4x128xi32, #tpu.memory_space<vmem>> -> memref<1x128xi32, #tpu.memory_space<vmem>>
          %dma_wait3A_529 = tpu.memref_squeeze %dma_wait3A_528 : memref<1x128xi32, #tpu.memory_space<vmem>> -> memref<128xi32, #tpu.memory_space<vmem>>
          %dma_wait3A_530 = arith.constant 0 : i32
          %dma_wait3A_531 = arith.constant 0 : i32
          %dma_wait3A_532 = tpu.memref_slice %arg11[%dma_wait3A_530, %dma_wait3A_531] : memref<16384x128xf32, #tpu.memory_space<hbm>> -> memref<16384x128xf32, #tpu.memory_space<hbm>>
          tpu.wait_indirect_dma semaphore(%arg19 : memref<!tpu.dma_semaphore, #tpu.memory_space<semaphore_mem>>) src(%arg16 : memref<128x128xf32, #tpu.memory_space<vmem>>) dst(%dma_wait3A_532 : memref<16384x128xf32, #tpu.memory_space<hbm>>)
        } else {
        }
        %add3A_511 = arith.constant 1 : i32
        %add3A_512 = arith.addi %while3A_497, %add3A_511 : i32
        %get3A_513 = arith.index_cast %add3A_512 : i32 to index
        %get3A_514 = tpu.vector_load %arg12[%get3A_513] {strides = array<i32>} : memref<528xi32, #tpu.memory_space<vmem>>, vector<16xi32>,
        %add3A_515 = arith.constant 1 : i32
        %add3A_516 = arith.addi %while3A_497, %add3A_515 : i32
        %slice3A_517 = vector.extract_strided_slice %get3A_514 {offsets = [0], sizes = [1], strides = [1]} : vector<16xi32> to vector<1xi32>
        %squeeze3A_518 = vector.extract %slice3A_517[0] : i32 from vector<1xi32>
        scf.yield %add3A_516, %squeeze3A_518 : i32, i32
      }
      %mul3A_417 = arith.constant 2 : i32
      %mul3A_418 = arith.muli %mul3A_417, %while3A_386 : i32
      %add3A_419 = arith.constant 2 : i32
      %add3A_420 = arith.addi %mul3A_418, %add3A_419 : i32
      %mul3A_421 = arith.constant 6 : i32
      %mul3A_422 = arith.muli %add3A_420, %mul3A_421 : i32
      %add3A_423 = arith.addi %min3A_244, %mul3A_422 : i32
      %min3A_424 = arith.constant 7806 : i32
      %min3A_425 = arith.minsi %add3A_423, %min3A_424 : i32
      %mul3A_426 = arith.constant 128 : i32
      %mul3A_427 = arith.muli %min3A_425, %mul3A_426 : i32
      %dma_start3A_428 = arith.constant 0 : i32
      %dma_start3A_429 = arith.constant 0 : i32
      %dma_start3A_430 = arith.constant 0 : i32
      %dma_start3A_431 = tpu.memref_slice %arg14[%dma_start3A_428, %dma_start3A_429, %dma_start3A_430] : memref<8x8x1536xf32, #tpu.memory_space<vmem>> -> memref<8x8x768xf32, #tpu.memory_space<vmem>>
      %dma_start3A_432 = arith.constant 0 : i32
      %dma_start3A_433 = arith.constant 0 : i32
      %dma_start3A_434 = tpu.memref_slice %arg7[%dma_start3A_432, %dma_start3A_433, %mul3A_427] : memref<8x8x1000000xf32, #tpu.memory_space<hbm>> -> memref<8x8x768xf32, #tpu.memory_space<hbm>>
      %dma_start3A_435 = arith.constant 0 : i32
      %dma_start3A_436 = arith.constant 0 : i32
      %dma_start3A_437 = arith.constant 0 : i32
      %dma_start3A_438 = tpu.memref_slice %arg14[%dma_start3A_435, %dma_start3A_436, %dma_start3A_437] : memref<8x8x1536xf32, #tpu.memory_space<vmem>> -> memref<8x8x768xf32, #tpu.memory_space<vmem>>
      %dma_start3A_439 = arith.constant 0 : i32
      %dma_start3A_440 = arith.constant 0 : i32
      %dma_start3A_441 = tpu.memref_slice %arg7[%dma_start3A_439, %dma_start3A_440, %mul3A_427] : memref<8x8x1000000xf32, #tpu.memory_space<hbm>> -> memref<8x8x768xf32, #tpu.memory_space<hbm>>
      tpu.enqueue_dma source(%dma_start3A_441 : memref<8x8x768xf32, #tpu.memory_space<hbm>>) target(%dma_start3A_438 : memref<8x8x768xf32, #tpu.memory_space<vmem>>) target_semaphore(%arg17 : memref<!tpu.dma_semaphore, #tpu.memory_space<semaphore_mem>>)
      %dma_wait3A_442 = arith.constant 0 : i32
      %dma_wait3A_443 = arith.constant 0 : i32
      %dma_wait3A_444 = arith.constant 0 : i32
      %dma_wait3A_445 = tpu.memref_slice %arg14[%dma_wait3A_442, %dma_wait3A_443, %dma_wait3A_444] : memref<8x8x1536xf32, #tpu.memory_space<vmem>> -> memref<8x8x768xf32, #tpu.memory_space<vmem>>
      %dma_wait3A_446 = arith.constant 0 : i32
      %dma_wait3A_447 = arith.constant 0 : i32
      %dma_wait3A_448 = arith.constant 0 : i32
      %dma_wait3A_449 = tpu.memref_slice %arg7[%dma_wait3A_446, %dma_wait3A_447, %dma_wait3A_448] : memref<8x8x1000000xf32, #tpu.memory_space<hbm>> -> memref<8x8x768xf32, #tpu.memory_space<hbm>>
      %dma_wait3A_450 = arith.constant 0 : i32
      %dma_wait3A_451 = arith.constant 0 : i32
      %dma_wait3A_452 = arith.constant 0 : i32
      %dma_wait3A_453 = tpu.memref_slice %arg14[%dma_wait3A_450, %dma_wait3A_451, %dma_wait3A_452] : memref<8x8x1536xf32, #tpu.memory_space<vmem>> -> memref<8x8x768xf32, #tpu.memory_space<vmem>>
      %dma_wait3A_454 = arith.constant 0 : i32
      %dma_wait3A_455 = arith.constant 0 : i32
      %dma_wait3A_456 = arith.constant 0 : i32
      %dma_wait3A_457 = tpu.memref_slice %arg7[%dma_wait3A_454, %dma_wait3A_455, %dma_wait3A_456] : memref<8x8x1000000xf32, #tpu.memory_space<hbm>> -> memref<8x8x768xf32, #tpu.memory_space<hbm>>
      tpu.wait_dma2 semaphore(%arg18 : memref<!tpu.dma_semaphore, #tpu.memory_space<semaphore_mem>>) src(%dma_wait3A_457 : memref<8x8x768xf32, #tpu.memory_space<hbm>>) dst(%dma_wait3A_453 : memref<8x8x768xf32, #tpu.memory_space<vmem>>)
      %mul3A_458 = arith.constant 2 : i32
      %mul3A_459 = arith.muli %mul3A_458, %while3A_386 : i32
      %add3A_460 = arith.constant 1 : i32
      %add3A_461 = arith.addi %mul3A_459, %add3A_460 : i32
      %mul3A_462 = arith.constant 6 : i32
      %mul3A_463 = arith.muli %add3A_461, %mul3A_462 : i32
      %add3A_464 = arith.addi %min3A_244, %mul3A_463 : i32
      %min3A_465 = arith.constant 7806 : i32
      %min3A_466 = arith.minsi %add3A_464, %min3A_465 : i32
      %mul3A_467 = arith.constant 128 : i32
      %mul3A_468 = arith.muli %min3A_466, %mul3A_467 : i32
      %add3A_469 = arith.constant 768 : i32
      %add3A_470 = arith.addi %mul3A_468, %add3A_469 : i32
      %while3A_471:2 = scf.while (%while3A_497 = %while3A_416#0, %while3A_498 = %while3A_416#1) : (i32, i32) -> (i32, i32) {
        %lt3A = arith.constant 512 : i32
        %lt3A_499 = arith.cmpi slt, %while3A_497, %lt3A : i32
        %lt3A_500 = arith.cmpi slt, %while3A_498, %add3A_470 : i32
        %ge3A = arith.constant 999936 : i32
        %ge3A_501 = arith.cmpi sge, %while3A_498, %ge3A : i32
        %or3A = arith.ori %lt3A_500, %ge3A_501 : i1
        %and3A_502 = arith.andi %lt3A_499, %or3A : i1
        scf.condition(%and3A_502) %while3A_497, %while3A_498 : i32, i32
      } do {
      ^bb0(%while3A_497: i32, %while3A_498: i32):
        %and3A_499 = arith.constant 127 : i32
        %and3A_500 = arith.andi %while3A_497, %and3A_499 : i32
        %lt3A = arith.constant 999936 : i32
        %lt3A_501 = arith.cmpi slt, %while3A_498, %lt3A : i32
        %convert_element_type3A = arith.extui %lt3A_501 : i1 to i32
        %cond3A = arith.constant 0 : i32
        %cond3A_502 = arith.cmpi ne, %convert_element_type3A, %cond3A : i32
        scf.if %cond3A_502 {
          %sub3A_519 = arith.subi %while3A_498, %mul3A_468 : i32
          %add3A_520 = arith.constant 768 : i32
          %add3A_521 = arith.addi %add3A_520, %sub3A_519 : i32
          %broadcast_in_dim3A = vector.broadcast %add3A_521 : i32 to vector<16xi32>
          %gather3A = tpu.vector_load_idx %arg14[%shift_right_arithmetic3A_23, %and3A_50, %broadcast_in_dim3A] : memref<8x8x1536xf32, #tpu.memory_space<vmem>>[vector<16xi32>, vector<16xi32>, vector<16xi32>], vector<16xf32>,
          %swap3A = arith.index_cast %and3A_500 : i32 to index
          %swap3A_522 = arith.constant 0 : index
          %swap3A_523 = tpu.vector_load %arg16[%swap3A, %swap3A_522] {strides = array<i32>} : memref<128x128xf32, #tpu.memory_space<vmem>>, vector<16xf32>,
          tpu.vector_store %arg16[%swap3A, %swap3A_522], %gather3A {strides = array<i32>} : memref<128x128xf32, #tpu.memory_space<vmem>>, vector<16xf32>,
          %gather3A_524 = tpu.vector_load_idx %arg14[%shift_right_arithmetic3A_30, %and3A_57, %broadcast_in_dim3A] : memref<8x8x1536xf32, #tpu.memory_space<vmem>>[vector<16xi32>, vector<16xi32>, vector<16xi32>], vector<16xf32>,
          %swap3A_525 = arith.index_cast %and3A_500 : i32 to index
          %swap3A_526 = arith.constant 16 : index
          %swap3A_527 = tpu.vector_load %arg16[%swap3A_525, %swap3A_526] {strides = array<i32>} : memref<128x128xf32, #tpu.memory_space<vmem>>, vector<16xf32>,
          tpu.vector_store %arg16[%swap3A_525, %swap3A_526], %gather3A_524 {strides = array<i32>} : memref<128x128xf32, #tpu.memory_space<vmem>>, vector<16xf32>,
          %gather3A_528 = tpu.vector_load_idx %arg14[%shift_right_arithmetic3A_37, %and3A_64, %broadcast_in_dim3A] : memref<8x8x1536xf32, #tpu.memory_space<vmem>>[vector<16xi32>, vector<16xi32>, vector<16xi32>], vector<16xf32>,
          %swap3A_529 = arith.index_cast %and3A_500 : i32 to index
          %swap3A_530 = arith.constant 32 : index
          %swap3A_531 = tpu.vector_load %arg16[%swap3A_529, %swap3A_530] {strides = array<i32>} : memref<128x128xf32, #tpu.memory_space<vmem>>, vector<16xf32>,
          tpu.vector_store %arg16[%swap3A_529, %swap3A_530], %gather3A_528 {strides = array<i32>} : memref<128x128xf32, #tpu.memory_space<vmem>>, vector<16xf32>,
          %gather3A_532 = tpu.vector_load_idx %arg14[%shift_right_arithmetic3A_44, %and3A_71, %broadcast_in_dim3A] : memref<8x8x1536xf32, #tpu.memory_space<vmem>>[vector<16xi32>, vector<16xi32>, vector<16xi32>], vector<16xf32>,
          %swap3A_533 = arith.index_cast %and3A_500 : i32 to index
          %swap3A_534 = arith.constant 48 : index
          %swap3A_535 = tpu.vector_load %arg16[%swap3A_533, %swap3A_534] {strides = array<i32>} : memref<128x128xf32, #tpu.memory_space<vmem>>, vector<16xf32>,
          tpu.vector_store %arg16[%swap3A_533, %swap3A_534], %gather3A_532 {strides = array<i32>} : memref<128x128xf32, #tpu.memory_space<vmem>>, vector<16xf32>,
        } else {
        }
        %ge3A = arith.constant 999936 : i32
        %ge3A_503 = arith.cmpi sge, %while3A_498, %ge3A : i32
        %convert_element_type3A_504 = arith.extui %ge3A_503 : i1 to i32
        %cond3A_505 = arith.constant 0 : i32
        %cond3A_506 = arith.cmpi ne, %convert_element_type3A_504, %cond3A_505 : i32
        scf.if %cond3A_506 {
          %sub3A_519 = arith.constant 999936 : i32
          %sub3A_520 = arith.subi %while3A_498, %sub3A_519 : i32
          %broadcast_in_dim3A = vector.broadcast %sub3A_520 : i32 to vector<16xi32>
          %gather3A = tpu.vector_load_idx %arg15[%add3A_5, %broadcast_in_dim3A] : memref<64x128xf32, #tpu.memory_space<vmem>>[vector<16xi32>, vector<16xi32>], vector<16xf32>,
          %swap3A = arith.index_cast %and3A_500 : i32 to index
          %swap3A_521 = arith.constant 0 : index
          %swap3A_522 = tpu.vector_load %arg16[%swap3A, %swap3A_521] {strides = array<i32>} : memref<128x128xf32, #tpu.memory_space<vmem>>, vector<16xf32>,
          tpu.vector_store %arg16[%swap3A, %swap3A_521], %gather3A {strides = array<i32>} : memref<128x128xf32, #tpu.memory_space<vmem>>, vector<16xf32>,
          %gather3A_523 = tpu.vector_load_idx %arg15[%add3A_9, %broadcast_in_dim3A] : memref<64x128xf32, #tpu.memory_space<vmem>>[vector<16xi32>, vector<16xi32>], vector<16xf32>,
          %swap3A_524 = arith.index_cast %and3A_500 : i32 to index
          %swap3A_525 = arith.constant 16 : index
          %swap3A_526 = tpu.vector_load %arg16[%swap3A_524, %swap3A_525] {strides = array<i32>} : memref<128x128xf32, #tpu.memory_space<vmem>>, vector<16xf32>,
          tpu.vector_store %arg16[%swap3A_524, %swap3A_525], %gather3A_523 {strides = array<i32>} : memref<128x128xf32, #tpu.memory_space<vmem>>, vector<16xf32>,
          %gather3A_527 = tpu.vector_load_idx %arg15[%add3A_13, %broadcast_in_dim3A] : memref<64x128xf32, #tpu.memory_space<vmem>>[vector<16xi32>, vector<16xi32>], vector<16xf32>,
          %swap3A_528 = arith.index_cast %and3A_500 : i32 to index
          %swap3A_529 = arith.constant 32 : index
          %swap3A_530 = tpu.vector_load %arg16[%swap3A_528, %swap3A_529] {strides = array<i32>} : memref<128x128xf32, #tpu.memory_space<vmem>>, vector<16xf32>,
          tpu.vector_store %arg16[%swap3A_528, %swap3A_529], %gather3A_527 {strides = array<i32>} : memref<128x128xf32, #tpu.memory_space<vmem>>, vector<16xf32>,
          %gather3A_531 = tpu.vector_load_idx %arg15[%add3A_17, %broadcast_in_dim3A] : memref<64x128xf32, #tpu.memory_space<vmem>>[vector<16xi32>, vector<16xi32>], vector<16xf32>,
          %swap3A_532 = arith.index_cast %and3A_500 : i32 to index
          %swap3A_533 = arith.constant 48 : index
          %swap3A_534 = tpu.vector_load %arg16[%swap3A_532, %swap3A_533] {strides = array<i32>} : memref<128x128xf32, #tpu.memory_space<vmem>>, vector<16xf32>,
          tpu.vector_store %arg16[%swap3A_532, %swap3A_533], %gather3A_531 {strides = array<i32>} : memref<128x128xf32, #tpu.memory_space<vmem>>, vector<16xf32>,
        } else {
        }
        %eq3A = arith.constant 127 : i32
        %eq3A_507 = arith.cmpi eq, %and3A_500, %eq3A : i32
        %convert_element_type3A_508 = arith.extui %eq3A_507 : i1 to i32
        %cond3A_509 = arith.constant 0 : i32
        %cond3A_510 = arith.cmpi ne, %convert_element_type3A_508, %cond3A_509 : i32
        scf.if %cond3A_510 {
          %shift_right_arithmetic3A_519 = arith.constant 7 : i32
          %shift_right_arithmetic3A_520 = arith.shrsi %while3A_497, %shift_right_arithmetic3A_519 : i32
          %dma_start3A_521 = arith.constant 0 : i32
          %dma_start3A_522 = tpu.memref_slice %arg13[%shift_right_arithmetic3A_520, %dma_start3A_521] : memref<4x128xi32, #tpu.memory_space<vmem>> -> memref<1x128xi32, #tpu.memory_space<vmem>>
          %dma_start3A_523 = tpu.memref_squeeze %dma_start3A_522 : memref<1x128xi32, #tpu.memory_space<vmem>> -> memref<128xi32, #tpu.memory_space<vmem>>
          %dma_start3A_524 = arith.constant 0 : i32
          %dma_start3A_525 = arith.constant 0 : i32
          %dma_start3A_526 = tpu.memref_slice %arg11[%dma_start3A_524, %dma_start3A_525] : memref<16384x128xf32, #tpu.memory_space<hbm>> -> memref<16384x128xf32, #tpu.memory_space<hbm>>
          tpu.enqueue_indirect_dma source(%arg16 : memref<128x128xf32, #tpu.memory_space<vmem>>) target(%dma_start3A_526 : memref<16384x128xf32, #tpu.memory_space<hbm>>) offsets(%dma_start3A_523 : memref<128xi32, #tpu.memory_space<vmem>>) semaphore(%arg19 : memref<!tpu.dma_semaphore, #tpu.memory_space<semaphore_mem>>)
          %dma_wait3A_527 = arith.constant 0 : i32
          %dma_wait3A_528 = tpu.memref_slice %arg13[%shift_right_arithmetic3A_520, %dma_wait3A_527] : memref<4x128xi32, #tpu.memory_space<vmem>> -> memref<1x128xi32, #tpu.memory_space<vmem>>
          %dma_wait3A_529 = tpu.memref_squeeze %dma_wait3A_528 : memref<1x128xi32, #tpu.memory_space<vmem>> -> memref<128xi32, #tpu.memory_space<vmem>>
          %dma_wait3A_530 = arith.constant 0 : i32
          %dma_wait3A_531 = arith.constant 0 : i32
          %dma_wait3A_532 = tpu.memref_slice %arg11[%dma_wait3A_530, %dma_wait3A_531] : memref<16384x128xf32, #tpu.memory_space<hbm>> -> memref<16384x128xf32, #tpu.memory_space<hbm>>
          tpu.wait_indirect_dma semaphore(%arg19 : memref<!tpu.dma_semaphore, #tpu.memory_space<semaphore_mem>>) src(%arg16 : memref<128x128xf32, #tpu.memory_space<vmem>>) dst(%dma_wait3A_532 : memref<16384x128xf32, #tpu.memory_space<hbm>>)
        } else {
        }
        %add3A_511 = arith.constant 1 : i32
        %add3A_512 = arith.addi %while3A_497, %add3A_511 : i32
        %get3A_513 = arith.index_cast %add3A_512 : i32 to index
        %get3A_514 = tpu.vector_load %arg12[%get3A_513] {strides = array<i32>} : memref<528xi32, #tpu.memory_space<vmem>>, vector<16xi32>,
        %add3A_515 = arith.constant 1 : i32
        %add3A_516 = arith.addi %while3A_497, %add3A_515 : i32
        %slice3A_517 = vector.extract_strided_slice %get3A_514 {offsets = [0], sizes = [1], strides = [1]} : vector<16xi32> to vector<1xi32>
        %squeeze3A_518 = vector.extract %slice3A_517[0] : i32 from vector<1xi32>
        scf.yield %add3A_516, %squeeze3A_518 : i32, i32
      }
      %mul3A_472 = arith.constant 2 : i32
      %mul3A_473 = arith.muli %mul3A_472, %while3A_386 : i32
      %add3A_474 = arith.constant 3 : i32
      %add3A_475 = arith.addi %mul3A_473, %add3A_474 : i32
      %mul3A_476 = arith.constant 6 : i32
      %mul3A_477 = arith.muli %add3A_475, %mul3A_476 : i32
      %add3A_478 = arith.addi %min3A_244, %mul3A_477 : i32
      %min3A_479 = arith.constant 7806 : i32
      %min3A_480 = arith.minsi %add3A_478, %min3A_479 : i32
      %mul3A_481 = arith.constant 128 : i32
      %mul3A_482 = arith.muli %min3A_480, %mul3A_481 : i32
      %dma_start3A_483 = arith.constant 0 : i32
      %dma_start3A_484 = arith.constant 0 : i32
      %dma_start3A_485 = arith.constant 768 : i32
      %dma_start3A_486 = tpu.memref_slice %arg14[%dma_start3A_483, %dma_start3A_484, %dma_start3A_485] : memref<8x8x1536xf32, #tpu.memory_space<vmem>> -> memref<8x8x768xf32, #tpu.memory_space<vmem>>
      %dma_start3A_487 = arith.constant 0 : i32
      %dma_start3A_488 = arith.constant 0 : i32
      %dma_start3A_489 = tpu.memref_slice %arg7[%dma_start3A_487, %dma_start3A_488, %mul3A_482] : memref<8x8x1000000xf32, #tpu.memory_space<hbm>> -> memref<8x8x768xf32, #tpu.memory_space<hbm>>
      %dma_start3A_490 = arith.constant 0 : i32
      %dma_start3A_491 = arith.constant 0 : i32
      %dma_start3A_492 = arith.constant 768 : i32
      %dma_start3A_493 = tpu.memref_slice %arg14[%dma_start3A_490, %dma_start3A_491, %dma_start3A_492] : memref<8x8x1536xf32, #tpu.memory_space<vmem>> -> memref<8x8x768xf32, #tpu.memory_space<vmem>>
      %dma_start3A_494 = arith.constant 0 : i32
      %dma_start3A_495 = arith.constant 0 : i32
      %dma_start3A_496 = tpu.memref_slice %arg7[%dma_start3A_494, %dma_start3A_495, %mul3A_482] : memref<8x8x1000000xf32, #tpu.memory_space<hbm>> -> memref<8x8x768xf32, #tpu.memory_space<hbm>>
      tpu.enqueue_dma source(%dma_start3A_496 : memref<8x8x768xf32, #tpu.memory_space<hbm>>) target(%dma_start3A_493 : memref<8x8x768xf32, #tpu.memory_space<vmem>>) target_semaphore(%arg18 : memref<!tpu.dma_semaphore, #tpu.memory_space<semaphore_mem>>)
      scf.yield %while3A_471#0, %while3A_471#1 : i32, i32
    }
    %while3A_352 = arith.constant 1 : i32
    %while3A_353:2 = scf.for %while3A_386 = %while3A_349 to %while3A_345 step %while3A_352 iter_args(%while3A_387 = %while3A_351#0, %while3A_388 = %while3A_351#1) -> (i32, i32)  : i32 {
      %dma_wait3A_389 = arith.constant 0 : i32
      %dma_wait3A_390 = arith.constant 0 : i32
      %dma_wait3A_391 = arith.constant 0 : i32
      %dma_wait3A_392 = tpu.memref_slice %arg14[%dma_wait3A_389, %dma_wait3A_390, %dma_wait3A_391] : memref<8x8x1536xf32, #tpu.memory_space<vmem>> -> memref<8x8x768xf32, #tpu.memory_space<vmem>>
      %dma_wait3A_393 = arith.constant 0 : i32
      %dma_wait3A_394 = arith.constant 0 : i32
      %dma_wait3A_395 = arith.constant 0 : i32
      %dma_wait3A_396 = tpu.memref_slice %arg7[%dma_wait3A_393, %dma_wait3A_394, %dma_wait3A_395] : memref<8x8x1000000xf32, #tpu.memory_space<hbm>> -> memref<8x8x768xf32, #tpu.memory_space<hbm>>
      %dma_wait3A_397 = arith.constant 0 : i32
      %dma_wait3A_398 = arith.constant 0 : i32
      %dma_wait3A_399 = arith.constant 0 : i32
      %dma_wait3A_400 = tpu.memref_slice %arg14[%dma_wait3A_397, %dma_wait3A_398, %dma_wait3A_399] : memref<8x8x1536xf32, #tpu.memory_space<vmem>> -> memref<8x8x768xf32, #tpu.memory_space<vmem>>
      %dma_wait3A_401 = arith.constant 0 : i32
      %dma_wait3A_402 = arith.constant 0 : i32
      %dma_wait3A_403 = arith.constant 0 : i32
      %dma_wait3A_404 = tpu.memref_slice %arg7[%dma_wait3A_401, %dma_wait3A_402, %dma_wait3A_403] : memref<8x8x1000000xf32, #tpu.memory_space<hbm>> -> memref<8x8x768xf32, #tpu.memory_space<hbm>>
      tpu.wait_dma2 semaphore(%arg17 : memref<!tpu.dma_semaphore, #tpu.memory_space<semaphore_mem>>) src(%dma_wait3A_404 : memref<8x8x768xf32, #tpu.memory_space<hbm>>) dst(%dma_wait3A_400 : memref<8x8x768xf32, #tpu.memory_space<vmem>>)
      %mul3A_405 = arith.constant 2 : i32
      %mul3A_406 = arith.muli %mul3A_405, %while3A_386 : i32
      %mul3A_407 = arith.constant 6 : i32
      %mul3A_408 = arith.muli %mul3A_406, %mul3A_407 : i32
      %add3A_409 = arith.addi %min3A_244, %mul3A_408 : i32
      %min3A_410 = arith.constant 7806 : i32
      %min3A_411 = arith.minsi %add3A_409, %min3A_410 : i32
      %mul3A_412 = arith.constant 128 : i32
      %mul3A_413 = arith.muli %min3A_411, %mul3A_412 : i32
      %add3A_414 = arith.constant 768 : i32
      %add3A_415 = arith.addi %mul3A_413, %add3A_414 : i32
      %while3A_416:2 = scf.while (%while3A_497 = %while3A_387, %while3A_498 = %while3A_388) : (i32, i32) -> (i32, i32) {
        %lt3A = arith.constant 512 : i32
        %lt3A_499 = arith.cmpi slt, %while3A_497, %lt3A : i32
        %lt3A_500 = arith.cmpi slt, %while3A_498, %add3A_415 : i32
        %ge3A = arith.constant 999936 : i32
        %ge3A_501 = arith.cmpi sge, %while3A_498, %ge3A : i32
        %or3A = arith.ori %lt3A_500, %ge3A_501 : i1
        %and3A_502 = arith.andi %lt3A_499, %or3A : i1
        scf.condition(%and3A_502) %while3A_497, %while3A_498 : i32, i32
      } do {
      ^bb0(%while3A_497: i32, %while3A_498: i32):
        %and3A_499 = arith.constant 127 : i32
        %and3A_500 = arith.andi %while3A_497, %and3A_499 : i32
        %lt3A = arith.constant 999936 : i32
        %lt3A_501 = arith.cmpi slt, %while3A_498, %lt3A : i32
        %convert_element_type3A = arith.extui %lt3A_501 : i1 to i32
        %cond3A = arith.constant 0 : i32
        %cond3A_502 = arith.cmpi ne, %convert_element_type3A, %cond3A : i32
        scf.if %cond3A_502 {
          %sub3A_519 = arith.subi %while3A_498, %mul3A_413 : i32
          %add3A_520 = arith.constant 0 : i32
          %add3A_521 = arith.addi %add3A_520, %sub3A_519 : i32
          %broadcast_in_dim3A = vector.broadcast %add3A_521 : i32 to vector<16xi32>
          %gather3A = tpu.vector_load_idx %arg14[%shift_right_arithmetic3A_23, %and3A_50, %broadcast_in_dim3A] : memref<8x8x1536xf32, #tpu.memory_space<vmem>>[vector<16xi32>, vector<16xi32>, vector<16xi32>], vector<16xf32>,
          %swap3A = arith.index_cast %and3A_500 : i32 to index
          %swap3A_522 = arith.constant 0 : index
          %swap3A_523 = tpu.vector_load %arg16[%swap3A, %swap3A_522] {strides = array<i32>} : memref<128x128xf32, #tpu.memory_space<vmem>>, vector<16xf32>,
          tpu.vector_store %arg16[%swap3A, %swap3A_522], %gather3A {strides = array<i32>} : memref<128x128xf32, #tpu.memory_space<vmem>>, vector<16xf32>,
          %gather3A_524 = tpu.vector_load_idx %arg14[%shift_right_arithmetic3A_30, %and3A_57, %broadcast_in_dim3A] : memref<8x8x1536xf32, #tpu.memory_space<vmem>>[vector<16xi32>, vector<16xi32>, vector<16xi32>], vector<16xf32>,
          %swap3A_525 = arith.index_cast %and3A_500 : i32 to index
          %swap3A_526 = arith.constant 16 : index
          %swap3A_527 = tpu.vector_load %arg16[%swap3A_525, %swap3A_526] {strides = array<i32>} : memref<128x128xf32, #tpu.memory_space<vmem>>, vector<16xf32>,
          tpu.vector_store %arg16[%swap3A_525, %swap3A_526], %gather3A_524 {strides = array<i32>} : memref<128x128xf32, #tpu.memory_space<vmem>>, vector<16xf32>,
          %gather3A_528 = tpu.vector_load_idx %arg14[%shift_right_arithmetic3A_37, %and3A_64, %broadcast_in_dim3A] : memref<8x8x1536xf32, #tpu.memory_space<vmem>>[vector<16xi32>, vector<16xi32>, vector<16xi32>], vector<16xf32>,
          %swap3A_529 = arith.index_cast %and3A_500 : i32 to index
          %swap3A_530 = arith.constant 32 : index
          %swap3A_531 = tpu.vector_load %arg16[%swap3A_529, %swap3A_530] {strides = array<i32>} : memref<128x128xf32, #tpu.memory_space<vmem>>, vector<16xf32>,
          tpu.vector_store %arg16[%swap3A_529, %swap3A_530], %gather3A_528 {strides = array<i32>} : memref<128x128xf32, #tpu.memory_space<vmem>>, vector<16xf32>,
          %gather3A_532 = tpu.vector_load_idx %arg14[%shift_right_arithmetic3A_44, %and3A_71, %broadcast_in_dim3A] : memref<8x8x1536xf32, #tpu.memory_space<vmem>>[vector<16xi32>, vector<16xi32>, vector<16xi32>], vector<16xf32>,
          %swap3A_533 = arith.index_cast %and3A_500 : i32 to index
          %swap3A_534 = arith.constant 48 : index
          %swap3A_535 = tpu.vector_load %arg16[%swap3A_533, %swap3A_534] {strides = array<i32>} : memref<128x128xf32, #tpu.memory_space<vmem>>, vector<16xf32>,
          tpu.vector_store %arg16[%swap3A_533, %swap3A_534], %gather3A_532 {strides = array<i32>} : memref<128x128xf32, #tpu.memory_space<vmem>>, vector<16xf32>,
        } else {
        }
        %ge3A = arith.constant 999936 : i32
        %ge3A_503 = arith.cmpi sge, %while3A_498, %ge3A : i32
        %convert_element_type3A_504 = arith.extui %ge3A_503 : i1 to i32
        %cond3A_505 = arith.constant 0 : i32
        %cond3A_506 = arith.cmpi ne, %convert_element_type3A_504, %cond3A_505 : i32
        scf.if %cond3A_506 {
          %sub3A_519 = arith.constant 999936 : i32
          %sub3A_520 = arith.subi %while3A_498, %sub3A_519 : i32
          %broadcast_in_dim3A = vector.broadcast %sub3A_520 : i32 to vector<16xi32>
          %gather3A = tpu.vector_load_idx %arg15[%add3A_5, %broadcast_in_dim3A] : memref<64x128xf32, #tpu.memory_space<vmem>>[vector<16xi32>, vector<16xi32>], vector<16xf32>,
          %swap3A = arith.index_cast %and3A_500 : i32 to index
          %swap3A_521 = arith.constant 0 : index
          %swap3A_522 = tpu.vector_load %arg16[%swap3A, %swap3A_521] {strides = array<i32>} : memref<128x128xf32, #tpu.memory_space<vmem>>, vector<16xf32>,
          tpu.vector_store %arg16[%swap3A, %swap3A_521], %gather3A {strides = array<i32>} : memref<128x128xf32, #tpu.memory_space<vmem>>, vector<16xf32>,
          %gather3A_523 = tpu.vector_load_idx %arg15[%add3A_9, %broadcast_in_dim3A] : memref<64x128xf32, #tpu.memory_space<vmem>>[vector<16xi32>, vector<16xi32>], vector<16xf32>,
          %swap3A_524 = arith.index_cast %and3A_500 : i32 to index
          %swap3A_525 = arith.constant 16 : index
          %swap3A_526 = tpu.vector_load %arg16[%swap3A_524, %swap3A_525] {strides = array<i32>} : memref<128x128xf32, #tpu.memory_space<vmem>>, vector<16xf32>,
          tpu.vector_store %arg16[%swap3A_524, %swap3A_525], %gather3A_523 {strides = array<i32>} : memref<128x128xf32, #tpu.memory_space<vmem>>, vector<16xf32>,
          %gather3A_527 = tpu.vector_load_idx %arg15[%add3A_13, %broadcast_in_dim3A] : memref<64x128xf32, #tpu.memory_space<vmem>>[vector<16xi32>, vector<16xi32>], vector<16xf32>,
          %swap3A_528 = arith.index_cast %and3A_500 : i32 to index
          %swap3A_529 = arith.constant 32 : index
          %swap3A_530 = tpu.vector_load %arg16[%swap3A_528, %swap3A_529] {strides = array<i32>} : memref<128x128xf32, #tpu.memory_space<vmem>>, vector<16xf32>,
          tpu.vector_store %arg16[%swap3A_528, %swap3A_529], %gather3A_527 {strides = array<i32>} : memref<128x128xf32, #tpu.memory_space<vmem>>, vector<16xf32>,
          %gather3A_531 = tpu.vector_load_idx %arg15[%add3A_17, %broadcast_in_dim3A] : memref<64x128xf32, #tpu.memory_space<vmem>>[vector<16xi32>, vector<16xi32>], vector<16xf32>,
          %swap3A_532 = arith.index_cast %and3A_500 : i32 to index
          %swap3A_533 = arith.constant 48 : index
          %swap3A_534 = tpu.vector_load %arg16[%swap3A_532, %swap3A_533] {strides = array<i32>} : memref<128x128xf32, #tpu.memory_space<vmem>>, vector<16xf32>,
          tpu.vector_store %arg16[%swap3A_532, %swap3A_533], %gather3A_531 {strides = array<i32>} : memref<128x128xf32, #tpu.memory_space<vmem>>, vector<16xf32>,
        } else {
        }
        %eq3A = arith.constant 127 : i32
        %eq3A_507 = arith.cmpi eq, %and3A_500, %eq3A : i32
        %convert_element_type3A_508 = arith.extui %eq3A_507 : i1 to i32
        %cond3A_509 = arith.constant 0 : i32
        %cond3A_510 = arith.cmpi ne, %convert_element_type3A_508, %cond3A_509 : i32
        scf.if %cond3A_510 {
          %shift_right_arithmetic3A_519 = arith.constant 7 : i32
          %shift_right_arithmetic3A_520 = arith.shrsi %while3A_497, %shift_right_arithmetic3A_519 : i32
          %dma_start3A_521 = arith.constant 0 : i32
          %dma_start3A_522 = tpu.memref_slice %arg13[%shift_right_arithmetic3A_520, %dma_start3A_521] : memref<4x128xi32, #tpu.memory_space<vmem>> -> memref<1x128xi32, #tpu.memory_space<vmem>>
          %dma_start3A_523 = tpu.memref_squeeze %dma_start3A_522 : memref<1x128xi32, #tpu.memory_space<vmem>> -> memref<128xi32, #tpu.memory_space<vmem>>
          %dma_start3A_524 = arith.constant 0 : i32
          %dma_start3A_525 = arith.constant 0 : i32
          %dma_start3A_526 = tpu.memref_slice %arg11[%dma_start3A_524, %dma_start3A_525] : memref<16384x128xf32, #tpu.memory_space<hbm>> -> memref<16384x128xf32, #tpu.memory_space<hbm>>
          tpu.enqueue_indirect_dma source(%arg16 : memref<128x128xf32, #tpu.memory_space<vmem>>) target(%dma_start3A_526 : memref<16384x128xf32, #tpu.memory_space<hbm>>) offsets(%dma_start3A_523 : memref<128xi32, #tpu.memory_space<vmem>>) semaphore(%arg19 : memref<!tpu.dma_semaphore, #tpu.memory_space<semaphore_mem>>)
          %dma_wait3A_527 = arith.constant 0 : i32
          %dma_wait3A_528 = tpu.memref_slice %arg13[%shift_right_arithmetic3A_520, %dma_wait3A_527] : memref<4x128xi32, #tpu.memory_space<vmem>> -> memref<1x128xi32, #tpu.memory_space<vmem>>
          %dma_wait3A_529 = tpu.memref_squeeze %dma_wait3A_528 : memref<1x128xi32, #tpu.memory_space<vmem>> -> memref<128xi32, #tpu.memory_space<vmem>>
          %dma_wait3A_530 = arith.constant 0 : i32
          %dma_wait3A_531 = arith.constant 0 : i32
          %dma_wait3A_532 = tpu.memref_slice %arg11[%dma_wait3A_530, %dma_wait3A_531] : memref<16384x128xf32, #tpu.memory_space<hbm>> -> memref<16384x128xf32, #tpu.memory_space<hbm>>
          tpu.wait_indirect_dma semaphore(%arg19 : memref<!tpu.dma_semaphore, #tpu.memory_space<semaphore_mem>>) src(%arg16 : memref<128x128xf32, #tpu.memory_space<vmem>>) dst(%dma_wait3A_532 : memref<16384x128xf32, #tpu.memory_space<hbm>>)
        } else {
        }
        %add3A_511 = arith.constant 1 : i32
        %add3A_512 = arith.addi %while3A_497, %add3A_511 : i32
        %get3A_513 = arith.index_cast %add3A_512 : i32 to index
        %get3A_514 = tpu.vector_load %arg12[%get3A_513] {strides = array<i32>} : memref<528xi32, #tpu.memory_space<vmem>>, vector<16xi32>,
        %add3A_515 = arith.constant 1 : i32
        %add3A_516 = arith.addi %while3A_497, %add3A_515 : i32
        %slice3A_517 = vector.extract_strided_slice %get3A_514 {offsets = [0], sizes = [1], strides = [1]} : vector<16xi32> to vector<1xi32>
        %squeeze3A_518 = vector.extract %slice3A_517[0] : i32 from vector<1xi32>
        scf.yield %add3A_516, %squeeze3A_518 : i32, i32
      }
      %mul3A_417 = arith.constant 2 : i32
      %mul3A_418 = arith.muli %mul3A_417, %while3A_386 : i32
      %add3A_419 = arith.constant 2 : i32
      %add3A_420 = arith.addi %mul3A_418, %add3A_419 : i32
      %mul3A_421 = arith.constant 6 : i32
      %mul3A_422 = arith.muli %add3A_420, %mul3A_421 : i32
      %add3A_423 = arith.addi %min3A_244, %mul3A_422 : i32
      %min3A_424 = arith.constant 7806 : i32
      %min3A_425 = arith.minsi %add3A_423, %min3A_424 : i32
      %mul3A_426 = arith.constant 128 : i32
      %mul3A_427 = arith.muli %min3A_425, %mul3A_426 : i32
      %dma_start3A_428 = arith.constant 0 : i32
      %dma_start3A_429 = arith.constant 0 : i32
      %dma_start3A_430 = arith.constant 0 : i32
      %dma_start3A_431 = tpu.memref_slice %arg14[%dma_start3A_428, %dma_start3A_429, %dma_start3A_430] : memref<8x8x1536xf32, #tpu.memory_space<vmem>> -> memref<8x8x768xf32, #tpu.memory_space<vmem>>
      %dma_start3A_432 = arith.constant 0 : i32
      %dma_start3A_433 = arith.constant 0 : i32
      %dma_start3A_434 = tpu.memref_slice %arg7[%dma_start3A_432, %dma_start3A_433, %mul3A_427] : memref<8x8x1000000xf32, #tpu.memory_space<hbm>> -> memref<8x8x768xf32, #tpu.memory_space<hbm>>
      %dma_start3A_435 = arith.constant 0 : i32
      %dma_start3A_436 = arith.constant 0 : i32
      %dma_start3A_437 = arith.constant 0 : i32
      %dma_start3A_438 = tpu.memref_slice %arg14[%dma_start3A_435, %dma_start3A_436, %dma_start3A_437] : memref<8x8x1536xf32, #tpu.memory_space<vmem>> -> memref<8x8x768xf32, #tpu.memory_space<vmem>>
      %dma_start3A_439 = arith.constant 0 : i32
      %dma_start3A_440 = arith.constant 0 : i32
      %dma_start3A_441 = tpu.memref_slice %arg7[%dma_start3A_439, %dma_start3A_440, %mul3A_427] : memref<8x8x1000000xf32, #tpu.memory_space<hbm>> -> memref<8x8x768xf32, #tpu.memory_space<hbm>>
      tpu.enqueue_dma source(%dma_start3A_441 : memref<8x8x768xf32, #tpu.memory_space<hbm>>) target(%dma_start3A_438 : memref<8x8x768xf32, #tpu.memory_space<vmem>>) target_semaphore(%arg17 : memref<!tpu.dma_semaphore, #tpu.memory_space<semaphore_mem>>)
      %dma_wait3A_442 = arith.constant 0 : i32
      %dma_wait3A_443 = arith.constant 0 : i32
      %dma_wait3A_444 = arith.constant 0 : i32
      %dma_wait3A_445 = tpu.memref_slice %arg14[%dma_wait3A_442, %dma_wait3A_443, %dma_wait3A_444] : memref<8x8x1536xf32, #tpu.memory_space<vmem>> -> memref<8x8x768xf32, #tpu.memory_space<vmem>>
      %dma_wait3A_446 = arith.constant 0 : i32
      %dma_wait3A_447 = arith.constant 0 : i32
      %dma_wait3A_448 = arith.constant 0 : i32
      %dma_wait3A_449 = tpu.memref_slice %arg7[%dma_wait3A_446, %dma_wait3A_447, %dma_wait3A_448] : memref<8x8x1000000xf32, #tpu.memory_space<hbm>> -> memref<8x8x768xf32, #tpu.memory_space<hbm>>
      %dma_wait3A_450 = arith.constant 0 : i32
      %dma_wait3A_451 = arith.constant 0 : i32
      %dma_wait3A_452 = arith.constant 0 : i32
      %dma_wait3A_453 = tpu.memref_slice %arg14[%dma_wait3A_450, %dma_wait3A_451, %dma_wait3A_452] : memref<8x8x1536xf32, #tpu.memory_space<vmem>> -> memref<8x8x768xf32, #tpu.memory_space<vmem>>
      %dma_wait3A_454 = arith.constant 0 : i32
      %dma_wait3A_455 = arith.constant 0 : i32
      %dma_wait3A_456 = arith.constant 0 : i32
      %dma_wait3A_457 = tpu.memref_slice %arg7[%dma_wait3A_454, %dma_wait3A_455, %dma_wait3A_456] : memref<8x8x1000000xf32, #tpu.memory_space<hbm>> -> memref<8x8x768xf32, #tpu.memory_space<hbm>>
      tpu.wait_dma2 semaphore(%arg18 : memref<!tpu.dma_semaphore, #tpu.memory_space<semaphore_mem>>) src(%dma_wait3A_457 : memref<8x8x768xf32, #tpu.memory_space<hbm>>) dst(%dma_wait3A_453 : memref<8x8x768xf32, #tpu.memory_space<vmem>>)
      %mul3A_458 = arith.constant 2 : i32
      %mul3A_459 = arith.muli %mul3A_458, %while3A_386 : i32
      %add3A_460 = arith.constant 1 : i32
      %add3A_461 = arith.addi %mul3A_459, %add3A_460 : i32
      %mul3A_462 = arith.constant 6 : i32
      %mul3A_463 = arith.muli %add3A_461, %mul3A_462 : i32
      %add3A_464 = arith.addi %min3A_244, %mul3A_463 : i32
      %min3A_465 = arith.constant 7806 : i32
      %min3A_466 = arith.minsi %add3A_464, %min3A_465 : i32
      %mul3A_467 = arith.constant 128 : i32
      %mul3A_468 = arith.muli %min3A_466, %mul3A_467 : i32
      %add3A_469 = arith.constant 768 : i32
      %add3A_470 = arith.addi %mul3A_468, %add3A_469 : i32
      %while3A_471:2 = scf.while (%while3A_497 = %while3A_416#0, %while3A_498 = %while3A_416#1) : (i32, i32) -> (i32, i32) {
        %lt3A = arith.constant 512 : i32
        %lt3A_499 = arith.cmpi slt, %while3A_497, %lt3A : i32
        %lt3A_500 = arith.cmpi slt, %while3A_498, %add3A_470 : i32
        %ge3A = arith.constant 999936 : i32
        %ge3A_501 = arith.cmpi sge, %while3A_498, %ge3A : i32
        %or3A = arith.ori %lt3A_500, %ge3A_501 : i1
        %and3A_502 = arith.andi %lt3A_499, %or3A : i1
        scf.condition(%and3A_502) %while3A_497, %while3A_498 : i32, i32
      } do {
      ^bb0(%while3A_497: i32, %while3A_498: i32):
        %and3A_499 = arith.constant 127 : i32
        %and3A_500 = arith.andi %while3A_497, %and3A_499 : i32
        %lt3A = arith.constant 999936 : i32
        %lt3A_501 = arith.cmpi slt, %while3A_498, %lt3A : i32
        %convert_element_type3A = arith.extui %lt3A_501 : i1 to i32
        %cond3A = arith.constant 0 : i32
        %cond3A_502 = arith.cmpi ne, %convert_element_type3A, %cond3A : i32
        scf.if %cond3A_502 {
          %sub3A_519 = arith.subi %while3A_498, %mul3A_468 : i32
          %add3A_520 = arith.constant 768 : i32
          %add3A_521 = arith.addi %add3A_520, %sub3A_519 : i32
          %broadcast_in_dim3A = vector.broadcast %add3A_521 : i32 to vector<16xi32>
          %gather3A = tpu.vector_load_idx %arg14[%shift_right_arithmetic3A_23, %and3A_50, %broadcast_in_dim3A] : memref<8x8x1536xf32, #tpu.memory_space<vmem>>[vector<16xi32>, vector<16xi32>, vector<16xi32>], vector<16xf32>,
          %swap3A = arith.index_cast %and3A_500 : i32 to index
          %swap3A_522 = arith.constant 0 : index
          %swap3A_523 = tpu.vector_load %arg16[%swap3A, %swap3A_522] {strides = array<i32>} : memref<128x128xf32, #tpu.memory_space<vmem>>, vector<16xf32>,
          tpu.vector_store %arg16[%swap3A, %swap3A_522], %gather3A {strides = array<i32>} : memref<128x128xf32, #tpu.memory_space<vmem>>, vector<16xf32>,
          %gather3A_524 = tpu.vector_load_idx %arg14[%shift_right_arithmetic3A_30, %and3A_57, %broadcast_in_dim3A] : memref<8x8x1536xf32, #tpu.memory_space<vmem>>[vector<16xi32>, vector<16xi32>, vector<16xi32>], vector<16xf32>,
          %swap3A_525 = arith.index_cast %and3A_500 : i32 to index
          %swap3A_526 = arith.constant 16 : index
          %swap3A_527 = tpu.vector_load %arg16[%swap3A_525, %swap3A_526] {strides = array<i32>} : memref<128x128xf32, #tpu.memory_space<vmem>>, vector<16xf32>,
          tpu.vector_store %arg16[%swap3A_525, %swap3A_526], %gather3A_524 {strides = array<i32>} : memref<128x128xf32, #tpu.memory_space<vmem>>, vector<16xf32>,
          %gather3A_528 = tpu.vector_load_idx %arg14[%shift_right_arithmetic3A_37, %and3A_64, %broadcast_in_dim3A] : memref<8x8x1536xf32, #tpu.memory_space<vmem>>[vector<16xi32>, vector<16xi32>, vector<16xi32>], vector<16xf32>,
          %swap3A_529 = arith.index_cast %and3A_500 : i32 to index
          %swap3A_530 = arith.constant 32 : index
          %swap3A_531 = tpu.vector_load %arg16[%swap3A_529, %swap3A_530] {strides = array<i32>} : memref<128x128xf32, #tpu.memory_space<vmem>>, vector<16xf32>,
          tpu.vector_store %arg16[%swap3A_529, %swap3A_530], %gather3A_528 {strides = array<i32>} : memref<128x128xf32, #tpu.memory_space<vmem>>, vector<16xf32>,
          %gather3A_532 = tpu.vector_load_idx %arg14[%shift_right_arithmetic3A_44, %and3A_71, %broadcast_in_dim3A] : memref<8x8x1536xf32, #tpu.memory_space<vmem>>[vector<16xi32>, vector<16xi32>, vector<16xi32>], vector<16xf32>,
          %swap3A_533 = arith.index_cast %and3A_500 : i32 to index
          %swap3A_534 = arith.constant 48 : index
          %swap3A_535 = tpu.vector_load %arg16[%swap3A_533, %swap3A_534] {strides = array<i32>} : memref<128x128xf32, #tpu.memory_space<vmem>>, vector<16xf32>,
          tpu.vector_store %arg16[%swap3A_533, %swap3A_534], %gather3A_532 {strides = array<i32>} : memref<128x128xf32, #tpu.memory_space<vmem>>, vector<16xf32>,
        } else {
        }
        %ge3A = arith.constant 999936 : i32
        %ge3A_503 = arith.cmpi sge, %while3A_498, %ge3A : i32
        %convert_element_type3A_504 = arith.extui %ge3A_503 : i1 to i32
        %cond3A_505 = arith.constant 0 : i32
        %cond3A_506 = arith.cmpi ne, %convert_element_type3A_504, %cond3A_505 : i32
        scf.if %cond3A_506 {
          %sub3A_519 = arith.constant 999936 : i32
          %sub3A_520 = arith.subi %while3A_498, %sub3A_519 : i32
          %broadcast_in_dim3A = vector.broadcast %sub3A_520 : i32 to vector<16xi32>
          %gather3A = tpu.vector_load_idx %arg15[%add3A_5, %broadcast_in_dim3A] : memref<64x128xf32, #tpu.memory_space<vmem>>[vector<16xi32>, vector<16xi32>], vector<16xf32>,
          %swap3A = arith.index_cast %and3A_500 : i32 to index
          %swap3A_521 = arith.constant 0 : index
          %swap3A_522 = tpu.vector_load %arg16[%swap3A, %swap3A_521] {strides = array<i32>} : memref<128x128xf32, #tpu.memory_space<vmem>>, vector<16xf32>,
          tpu.vector_store %arg16[%swap3A, %swap3A_521], %gather3A {strides = array<i32>} : memref<128x128xf32, #tpu.memory_space<vmem>>, vector<16xf32>,
          %gather3A_523 = tpu.vector_load_idx %arg15[%add3A_9, %broadcast_in_dim3A] : memref<64x128xf32, #tpu.memory_space<vmem>>[vector<16xi32>, vector<16xi32>], vector<16xf32>,
          %swap3A_524 = arith.index_cast %and3A_500 : i32 to index
          %swap3A_525 = arith.constant 16 : index
          %swap3A_526 = tpu.vector_load %arg16[%swap3A_524, %swap3A_525] {strides = array<i32>} : memref<128x128xf32, #tpu.memory_space<vmem>>, vector<16xf32>,
          tpu.vector_store %arg16[%swap3A_524, %swap3A_525], %gather3A_523 {strides = array<i32>} : memref<128x128xf32, #tpu.memory_space<vmem>>, vector<16xf32>,
          %gather3A_527 = tpu.vector_load_idx %arg15[%add3A_13, %broadcast_in_dim3A] : memref<64x128xf32, #tpu.memory_space<vmem>>[vector<16xi32>, vector<16xi32>], vector<16xf32>,
          %swap3A_528 = arith.index_cast %and3A_500 : i32 to index
          %swap3A_529 = arith.constant 32 : index
          %swap3A_530 = tpu.vector_load %arg16[%swap3A_528, %swap3A_529] {strides = array<i32>} : memref<128x128xf32, #tpu.memory_space<vmem>>, vector<16xf32>,
          tpu.vector_store %arg16[%swap3A_528, %swap3A_529], %gather3A_527 {strides = array<i32>} : memref<128x128xf32, #tpu.memory_space<vmem>>, vector<16xf32>,
          %gather3A_531 = tpu.vector_load_idx %arg15[%add3A_17, %broadcast_in_dim3A] : memref<64x128xf32, #tpu.memory_space<vmem>>[vector<16xi32>, vector<16xi32>], vector<16xf32>,
          %swap3A_532 = arith.index_cast %and3A_500 : i32 to index
          %swap3A_533 = arith.constant 48 : index
          %swap3A_534 = tpu.vector_load %arg16[%swap3A_532, %swap3A_533] {strides = array<i32>} : memref<128x128xf32, #tpu.memory_space<vmem>>, vector<16xf32>,
          tpu.vector_store %arg16[%swap3A_532, %swap3A_533], %gather3A_531 {strides = array<i32>} : memref<128x128xf32, #tpu.memory_space<vmem>>, vector<16xf32>,
        } else {
        }
        %eq3A = arith.constant 127 : i32
        %eq3A_507 = arith.cmpi eq, %and3A_500, %eq3A : i32
        %convert_element_type3A_508 = arith.extui %eq3A_507 : i1 to i32
        %cond3A_509 = arith.constant 0 : i32
        %cond3A_510 = arith.cmpi ne, %convert_element_type3A_508, %cond3A_509 : i32
        scf.if %cond3A_510 {
          %shift_right_arithmetic3A_519 = arith.constant 7 : i32
          %shift_right_arithmetic3A_520 = arith.shrsi %while3A_497, %shift_right_arithmetic3A_519 : i32
          %dma_start3A_521 = arith.constant 0 : i32
          %dma_start3A_522 = tpu.memref_slice %arg13[%shift_right_arithmetic3A_520, %dma_start3A_521] : memref<4x128xi32, #tpu.memory_space<vmem>> -> memref<1x128xi32, #tpu.memory_space<vmem>>
          %dma_start3A_523 = tpu.memref_squeeze %dma_start3A_522 : memref<1x128xi32, #tpu.memory_space<vmem>> -> memref<128xi32, #tpu.memory_space<vmem>>
          %dma_start3A_524 = arith.constant 0 : i32
          %dma_start3A_525 = arith.constant 0 : i32
          %dma_start3A_526 = tpu.memref_slice %arg11[%dma_start3A_524, %dma_start3A_525] : memref<16384x128xf32, #tpu.memory_space<hbm>> -> memref<16384x128xf32, #tpu.memory_space<hbm>>
          tpu.enqueue_indirect_dma source(%arg16 : memref<128x128xf32, #tpu.memory_space<vmem>>) target(%dma_start3A_526 : memref<16384x128xf32, #tpu.memory_space<hbm>>) offsets(%dma_start3A_523 : memref<128xi32, #tpu.memory_space<vmem>>) semaphore(%arg19 : memref<!tpu.dma_semaphore, #tpu.memory_space<semaphore_mem>>)
          %dma_wait3A_527 = arith.constant 0 : i32
          %dma_wait3A_528 = tpu.memref_slice %arg13[%shift_right_arithmetic3A_520, %dma_wait3A_527] : memref<4x128xi32, #tpu.memory_space<vmem>> -> memref<1x128xi32, #tpu.memory_space<vmem>>
          %dma_wait3A_529 = tpu.memref_squeeze %dma_wait3A_528 : memref<1x128xi32, #tpu.memory_space<vmem>> -> memref<128xi32, #tpu.memory_space<vmem>>
          %dma_wait3A_530 = arith.constant 0 : i32
          %dma_wait3A_531 = arith.constant 0 : i32
          %dma_wait3A_532 = tpu.memref_slice %arg11[%dma_wait3A_530, %dma_wait3A_531] : memref<16384x128xf32, #tpu.memory_space<hbm>> -> memref<16384x128xf32, #tpu.memory_space<hbm>>
          tpu.wait_indirect_dma semaphore(%arg19 : memref<!tpu.dma_semaphore, #tpu.memory_space<semaphore_mem>>) src(%arg16 : memref<128x128xf32, #tpu.memory_space<vmem>>) dst(%dma_wait3A_532 : memref<16384x128xf32, #tpu.memory_space<hbm>>)
        } else {
        }
        %add3A_511 = arith.constant 1 : i32
        %add3A_512 = arith.addi %while3A_497, %add3A_511 : i32
        %get3A_513 = arith.index_cast %add3A_512 : i32 to index
        %get3A_514 = tpu.vector_load %arg12[%get3A_513] {strides = array<i32>} : memref<528xi32, #tpu.memory_space<vmem>>, vector<16xi32>,
        %add3A_515 = arith.constant 1 : i32
        %add3A_516 = arith.addi %while3A_497, %add3A_515 : i32
        %slice3A_517 = vector.extract_strided_slice %get3A_514 {offsets = [0], sizes = [1], strides = [1]} : vector<16xi32> to vector<1xi32>
        %squeeze3A_518 = vector.extract %slice3A_517[0] : i32 from vector<1xi32>
        scf.yield %add3A_516, %squeeze3A_518 : i32, i32
      }
      %mul3A_472 = arith.constant 2 : i32
      %mul3A_473 = arith.muli %mul3A_472, %while3A_386 : i32
      %add3A_474 = arith.constant 3 : i32
      %add3A_475 = arith.addi %mul3A_473, %add3A_474 : i32
      %mul3A_476 = arith.constant 6 : i32
      %mul3A_477 = arith.muli %add3A_475, %mul3A_476 : i32
      %add3A_478 = arith.addi %min3A_244, %mul3A_477 : i32
      %min3A_479 = arith.constant 7806 : i32
      %min3A_480 = arith.minsi %add3A_478, %min3A_479 : i32
      %mul3A_481 = arith.constant 128 : i32
      %mul3A_482 = arith.muli %min3A_480, %mul3A_481 : i32
      %dma_start3A_483 = arith.constant 0 : i32
      %dma_start3A_484 = arith.constant 0 : i32
      %dma_start3A_485 = arith.constant 768 : i32
      %dma_start3A_486 = tpu.memref_slice %arg14[%dma_start3A_483, %dma_start3A_484, %dma_start3A_485] : memref<8x8x1536xf32, #tpu.memory_space<vmem>> -> memref<8x8x768xf32, #tpu.memory_space<vmem>>
      %dma_start3A_487 = arith.constant 0 : i32
      %dma_start3A_488 = arith.constant 0 : i32
      %dma_start3A_489 = tpu.memref_slice %arg7[%dma_start3A_487, %dma_start3A_488, %mul3A_482] : memref<8x8x1000000xf32, #tpu.memory_space<hbm>> -> memref<8x8x768xf32, #tpu.memory_space<hbm>>
      %dma_start3A_490 = arith.constant 0 : i32
      %dma_start3A_491 = arith.constant 0 : i32
      %dma_start3A_492 = arith.constant 768 : i32
      %dma_start3A_493 = tpu.memref_slice %arg14[%dma_start3A_490, %dma_start3A_491, %dma_start3A_492] : memref<8x8x1536xf32, #tpu.memory_space<vmem>> -> memref<8x8x768xf32, #tpu.memory_space<vmem>>
      %dma_start3A_494 = arith.constant 0 : i32
      %dma_start3A_495 = arith.constant 0 : i32
      %dma_start3A_496 = tpu.memref_slice %arg7[%dma_start3A_494, %dma_start3A_495, %mul3A_482] : memref<8x8x1000000xf32, #tpu.memory_space<hbm>> -> memref<8x8x768xf32, #tpu.memory_space<hbm>>
      tpu.enqueue_dma source(%dma_start3A_496 : memref<8x8x768xf32, #tpu.memory_space<hbm>>) target(%dma_start3A_493 : memref<8x8x768xf32, #tpu.memory_space<vmem>>) target_semaphore(%arg18 : memref<!tpu.dma_semaphore, #tpu.memory_space<semaphore_mem>>)
      scf.yield %while3A_471#0, %while3A_471#1 : i32, i32
    }
    %dma_wait3A_354 = arith.constant 0 : i32
    %dma_wait3A_355 = arith.constant 0 : i32
    %dma_wait3A_356 = arith.constant 0 : i32
    %dma_wait3A_357 = tpu.memref_slice %arg14[%dma_wait3A_354, %dma_wait3A_355, %dma_wait3A_356] : memref<8x8x1536xf32, #tpu.memory_space<vmem>> -> memref<8x8x768xf32, #tpu.memory_space<vmem>>
    %dma_wait3A_358 = arith.constant 0 : i32
    %dma_wait3A_359 = arith.constant 0 : i32
    %dma_wait3A_360 = arith.constant 0 : i32
    %dma_wait3A_361 = tpu.memref_slice %arg7[%dma_wait3A_358, %dma_wait3A_359, %dma_wait3A_360] : memref<8x8x1000000xf32, #tpu.memory_space<hbm>> -> memref<8x8x768xf32, #tpu.memory_space<hbm>>
    %dma_wait3A_362 = arith.constant 0 : i32
    %dma_wait3A_363 = arith.constant 0 : i32
    %dma_wait3A_364 = arith.constant 0 : i32
    %dma_wait3A_365 = tpu.memref_slice %arg14[%dma_wait3A_362, %dma_wait3A_363, %dma_wait3A_364] : memref<8x8x1536xf32, #tpu.memory_space<vmem>> -> memref<8x8x768xf32, #tpu.memory_space<vmem>>
    %dma_wait3A_366 = arith.constant 0 : i32
    %dma_wait3A_367 = arith.constant 0 : i32
    %dma_wait3A_368 = arith.constant 0 : i32
    %dma_wait3A_369 = tpu.memref_slice %arg7[%dma_wait3A_366, %dma_wait3A_367, %dma_wait3A_368] : memref<8x8x1000000xf32, #tpu.memory_space<hbm>> -> memref<8x8x768xf32, #tpu.memory_space<hbm>>
    tpu.wait_dma2 semaphore(%arg17 : memref<!tpu.dma_semaphore, #tpu.memory_space<semaphore_mem>>) src(%dma_wait3A_369 : memref<8x8x768xf32, #tpu.memory_space<hbm>>) dst(%dma_wait3A_365 : memref<8x8x768xf32, #tpu.memory_space<vmem>>)
    %dma_wait3A_370 = arith.constant 0 : i32
    %dma_wait3A_371 = arith.constant 0 : i32
    %dma_wait3A_372 = arith.constant 0 : i32
    %dma_wait3A_373 = tpu.memref_slice %arg14[%dma_wait3A_370, %dma_wait3A_371, %dma_wait3A_372] : memref<8x8x1536xf32, #tpu.memory_space<vmem>> -> memref<8x8x768xf32, #tpu.memory_space<vmem>>
    %dma_wait3A_374 = arith.constant 0 : i32
    %dma_wait3A_375 = arith.constant 0 : i32
    %dma_wait3A_376 = arith.constant 0 : i32
    %dma_wait3A_377 = tpu.memref_slice %arg7[%dma_wait3A_374, %dma_wait3A_375, %dma_wait3A_376] : memref<8x8x1000000xf32, #tpu.memory_space<hbm>> -> memref<8x8x768xf32, #tpu.memory_space<hbm>>
    %dma_wait3A_378 = arith.constant 0 : i32
    %dma_wait3A_379 = arith.constant 0 : i32
    %dma_wait3A_380 = arith.constant 0 : i32
    %dma_wait3A_381 = tpu.memref_slice %arg14[%dma_wait3A_378, %dma_wait3A_379, %dma_wait3A_380] : memref<8x8x1536xf32, #tpu.memory_space<vmem>> -> memref<8x8x768xf32, #tpu.memory_space<vmem>>
    %dma_wait3A_382 = arith.constant 0 : i32
    %dma_wait3A_383 = arith.constant 0 : i32
    %dma_wait3A_384 = arith.constant 0 : i32
    %dma_wait3A_385 = tpu.memref_slice %arg7[%dma_wait3A_382, %dma_wait3A_383, %dma_wait3A_384] : memref<8x8x1000000xf32, #tpu.memory_space<hbm>> -> memref<8x8x768xf32, #tpu.memory_space<hbm>>
    tpu.wait_dma2 semaphore(%arg18 : memref<!tpu.dma_semaphore, #tpu.memory_space<semaphore_mem>>) src(%dma_wait3A_385 : memref<8x8x768xf32, #tpu.memory_space<hbm>>) dst(%dma_wait3A_381 : memref<8x8x768xf32, #tpu.memory_space<vmem>>)
    return
  }
}

module attributes {stable_mosaic.version = 14 : i64} {
  func.func @_dot_body(%arg0: i32, %arg1: memref<2048x128xf32, #tpu.memory_space<vmem>>, %arg2: memref<2048x128xf32, #tpu.memory_space<vmem>>, %arg3: memref<2048xf32, #tpu.memory_space<vmem>>) attributes {dimension_semantics = [#tpu.dimension_semantics<arbitrary>], iteration_bounds = array<i64: 8>, scalar_prefetch = 0 : i64, scratch_operands = 0 : i64, tpu.core_type = #tpu.core_type<tc>, window_params = [{transform_indices = @transform_0, window_bounds = array<i64: 2048, 128>}, {transform_indices = @transform_1, window_bounds = array<i64: 2048, 128>}, {transform_indices = @transform_2, window_bounds = array<i64: 2048>}]} {
    %get3A = arith.constant 0 : index
    %get3A_0 = arith.constant 0 : index
    %get3A_1 = vector.load %arg1[%get3A, %get3A_0] : memref<2048x128xf32, #tpu.memory_space<vmem>>, vector<2048x128xf32>
    %get3A_2 = arith.constant 0 : index
    %get3A_3 = arith.constant 0 : index
    %get3A_4 = vector.load %arg2[%get3A_2, %get3A_3] : memref<2048x128xf32, #tpu.memory_space<vmem>>, vector<2048x128xf32>
    %mul3A = arith.mulf %get3A_1, %get3A_4 : vector<2048x128xf32>
    %iota3A = tpu.iota {dimensions = array<i32: 1>} : vector<2048x128xi32>
    %lt3A = arith.constant 64 : i32
    %lt3A_5 = vector.broadcast %lt3A : i32 to vector<2048x128xi32>
    %lt3A_6 = arith.cmpi slt, %iota3A, %lt3A_5 : vector<2048x128xi32>
    %jit3A = arith.constant 0.000000e+00 : f32
    %broadcast_in_dim3A = vector.broadcast %jit3A : f32 to vector<2048x128xf32>
    %select_n3A = arith.select %lt3A_6, %mul3A, %broadcast_in_dim3A : vector<2048x128xi1>, vector<2048x128xf32>
    %reduce_sum3A = arith.constant dense<0.000000e+00> : vector<2048xf32>
    %reduce_sum3A_7 = vector.multi_reduction <add>, %select_n3A, %reduce_sum3A [1] : vector<2048x128xf32> to vector<2048xf32>
    %swap3A = arith.constant 0 : index
    %swap3A_8 = vector.load %arg3[%swap3A] : memref<2048xf32, #tpu.memory_space<vmem>>, vector<2048xf32>
    tpu.vector_store %arg3[%swap3A], %reduce_sum3A_7 {strides = array<i32>} : memref<2048xf32, #tpu.memory_space<vmem>>, vector<2048xf32>,
    return
  }
  func.func @transform_0(%arg0: i32) -> (i32, i32) {
    %c0_i32 = arith.constant 0 : i32
    %c0_i32_0 = arith.constant 0 : i32
    return %arg0, %c0_i32 : i32, i32
  }
  func.func @transform_1(%arg0: i32) -> (i32, i32) {
    %c0_i32 = arith.constant 0 : i32
    %c0_i32_0 = arith.constant 0 : i32
    return %arg0, %c0_i32 : i32, i32
  }
  func.func @transform_2(%arg0: i32) -> i32 {
    %c0_i32 = arith.constant 0 : i32
    return %arg0 : i32
  }
}

</mosaic_0001>

<sc_bundles>
// kernel: kernel.4.cloned.1.call-start
scs
__scs_entry_jumppad:
0x0: {  	(pc) =	sbr.rel $0x88, $3  }
0x1: {  	(tag) =	ssettag $0x0;
	lr =	simm.s32 $0x1  }
0x2: {  	[smem:$0x3F9D] =	sst lr;
	_ =	strace $0xD0000000  }
0x3: {  	_ = 	snop  }
0x4: {  	_ = 	snop  }
0x5: {  	_ = 	snop  }
0x6: {  	_ = 	snop  }
0x7: {  	_ = 	snop  }
__scs_overlays_trampoline_lowered:
0x8: {  	[smem:$0x3FAC] =	sst s0  }
0x9: {  	[smem:$0x3FAD] =	sst s1  }
0xa: {  	[smem:$0x3FAE] =	sst s2  }
0xb: {  	[smem:$0x3FAF] =	sst s3  }
0xc: {  	[smem:$0x3FB0] =	sst s4  }
0xd: {  	[smem:$0x3FB1] =	sst s5  }
0xe: {  	[smem:$0x3FB2] =	sst s6  }
0xf: {  	[smem:$0x3FB3] =	sst s7  }
0x10: {  	[smem:$0x3FB4] =	sst s8  }
0x11: {  	[smem:$0x3FB5] =	sst s9;
	s0 =	simm.s32 @!p0 $0x0  }
0x12: {  	s1 =	sld [smem:$0x3F9B];
	s0 =	simm.s32 @p0 $0x1  }
0x13: {  	[smem:$0x3FB6] =	sst s0;
	s0 =	simm.s32 @!p1 $0x0  }
0x14: {  	s2 =	sld [smem:$0x3F9A];
	s0 =	simm.s32 @p1 $0x1  }
0x15: {  	[smem:$0x3FB7] =	sst s0;
	s0 =	simm.s32 @!p2 $0x0  }
0x16: {  	s3 =	sld [smem:$0x3FDB];
	s0 =	simm.s32 @p2 $0x1  }
0x17: {  	s4 =	simm.s32 $0x1BF5;
	[smem:$0x3FB9] =	sst s0  }
0x18: {  	s0 =	sld [smem:$0x3F9C];
	_ =	swait.ge [sflag:s4], $0x0  }
0x19: {  	s7 =	sld [smem:$0x3F9D]  }
0x1a: {  	s8 =	sadd.s32 $0xFFFFE003, lr  }
0x1b: {  	s9 =	sadd.s32 $0xFFFFFEF7, lr;
	s5 =	simm.s32 $0xFFFFFFFF;
	p2 =	slt.u32 s8, $0xFFFFF086  }
0x1c: {  	p1 =	slt.u32 s9, $0xF7A;
	s5 =	simm.s32 @!p2 $0x0  }
0x1d: {  	s5 =	simm.s32 @p1 $0x1;
	p0 =	seq.s32 s7, s2  }
0x1e: {  	s7 =	smul.u32 @!p0 $0xF7A, s2;
	p2 =	seq.s32 @!p0 s5, $0x0  }
0x1f: {  	s9 =	smul.u32 $0xF7A, s1;
	s8 =	simm.s32 @!p0 $0x1BF5;
	p2 =	por !p2, p0  }
0x20: {  	[sflag:s8] =	ssyncset.s32 @!p0 $0xFFFFF086;
	s6 =	sadd.s32 @!p0 s3, s7;
	s7 =	simm.s32 @!p0 $0x108  }
0x21: {  	s3 =	sadd.s32 s3, s9;
	s6 =	sadd.s32 @!p0 $0x88, s6;
	s7 =	simm.s32 @p2 $0x1082  }
0x22: {  	[simem:s7], [sflag:s8] =	dma.local @!p0 [hbm:s6], $0xF7A  }
0x23: {  	s9 =	sor.u32 $0xD0000000, s2;
	s6 =	simm.s32 $0x108;
	_ =	swait.ge @!p0 [sflag:s8], $0x0  }
0x24: {  	s3 =	sadd.s32 $0x88, s3;
	s6 =	simm.s32 @!p1 $0x1082;
	[sflag:s4] =	ssyncset.s32 $0xFFFFF086  }
0x25: {  	[simem:s6], [sflag:s4] =	dma.local [hbm:s3], $0xF7A  }
0x26: {  	[smem:$0x3F9D] =	sst s1;
	(tag) =	ssettag s2;
	_ =	strace s9  }
0x27: {  	s1 =	sld [smem:$0x3FAD]  }
0x28: {  	s2 =	sld [smem:$0x3FAE]  }
0x29: {  	s4 =	sld [smem:$0x3FB0]  }
0x2a: {  	p0 =	seq.s32 s5, $0x0;
	s5 =	sld [smem:$0x3FB1]  }
0x2b: {  	s6 =	sld [smem:$0x3FB2]  }
0x2c: {  	s7 =	sld [smem:$0x3FB3]  }
0x2d: {  	s3 =	simm.s32 $0x108;
	s8 =	sld [smem:$0x3FB4]  }
0x2e: {  	s3 =	simm.s32 @!p0 $0x1082;
	s9 =	sld [smem:$0x3FB5]  }
0x2f: {  	lr =	sadd.s32 s0, s3;
	s0 =	sld [smem:$0x3FAC]  }
0x30: {  	s3 =	sld [smem:$0x3FAF]  }
0x31: {  	[smem:$0x3FB8] =	sst s10  }
0x32: {  	s10 =	sld [smem:$0x3FB6];
	_ =	sdelay $0x3  }
0x33: {  	p0 =	seq.s32 s10, $0x1;
	s10 =	sld [smem:$0x3FB8];
	_ =	sdelay $0x3  }
0x34: {  	[smem:$0x3FB8] =	sst s10  }
0x35: {  	s10 =	sld [smem:$0x3FB7];
	_ =	sdelay $0x3  }
0x36: {  	p1 =	seq.s32 s10, $0x1;
	s10 =	sld [smem:$0x3FB8];
	_ =	sdelay $0x3  }
0x37: {  	[smem:$0x3FB8] =	sst s10  }
0x38: {  	s10 =	sld [smem:$0x3FB9]  }
0x39: {  	_ = 	snop;
	(pc) =	sbr.ind lr, $3  }
0x3a: {  	_ = 	snop  }
0x3b: {  	_ = 	snop  }
0x3c: {  	p2 =	seq.s32 s10, $0x1;
	s10 =	sld [smem:$0x3FB8]  }
0x3d: {  	_ =	shalt  }
0x3e: {  	_ =	shalt  }
0x3f: {  	_ =	shalt  }
0x40: {  	_ =	shalt  }
0x41: {  	_ =	shalt  }
0x42: {  	_ =	shalt  }
0x43: {  	_ =	shalt  }
0x44: {  	_ =	shalt  }
0x45: {  	_ =	shalt  }
0x46: {  	_ =	shalt  }
0x47: {  	_ =	shalt  }
0x48: {  	_ =	shalt  }
0x49: {  	_ =	shalt  }
0x4a: {  	_ =	shalt  }
0x4b: {  	_ =	shalt  }
0x4c: {  	_ =	shalt  }
0x4d: {  	_ =	shalt  }
0x4e: {  	_ =	shalt  }
0x4f: {  	_ =	shalt  }
0x50: {  	_ =	shalt  }
0x51: {  	_ =	shalt  }
0x52: {  	_ =	shalt  }
0x53: {  	_ =	shalt  }
0x54: {  	_ =	shalt  }
0x55: {  	_ =	shalt  }
0x56: {  	_ =	shalt  }
0x57: {  	_ =	shalt  }
0x58: {  	_ =	shalt  }
0x59: {  	_ =	shalt  }
0x5a: {  	_ =	shalt  }
0x5b: {  	_ =	shalt  }
0x5c: {  	_ =	shalt  }
0x5d: {  	_ =	shalt  }
0x5e: {  	_ =	shalt  }
0x5f: {  	_ =	shalt  }
0x60: {  	_ =	shalt  }
0x61: {  	_ =	shalt  }
0x62: {  	_ =	shalt  }
0x63: {  	_ =	shalt  }
0x64: {  	_ =	shalt  }
0x65: {  	_ =	shalt  }
0x66: {  	_ =	shalt  }
0x67: {  	_ =	shalt  }
0x68: {  	_ =	shalt  }
0x69: {  	_ =	shalt  }
0x6a: {  	_ =	shalt  }
0x6b: {  	_ =	shalt  }
0x6c: {  	_ =	shalt  }
0x6d: {  	_ =	shalt  }
0x6e: {  	_ =	shalt  }
0x6f: {  	_ =	shalt  }
0x70: {  	_ =	shalt  }
0x71: {  	_ =	shalt  }
0x72: {  	_ =	shalt  }
0x73: {  	_ =	shalt  }
0x74: {  	_ =	shalt  }
0x75: {  	_ =	shalt  }
0x76: {  	_ =	shalt  }
0x77: {  	_ =	shalt  }
0x78: {  	_ =	shalt  }
0x79: {  	_ =	shalt  }
0x7a: {  	_ =	shalt  }
0x7b: {  	_ =	shalt  }
0x7c: {  	_ =	shalt  }
0x7d: {  	_ =	shalt  }
0x7e: {  	_ =	shalt  }
0x7f: {  	_ =	shalt  }
0x80: {  	_ =	shalt  }
0x81: {  	_ =	shalt  }
0x82: {  	_ =	shalt  }
0x83: {  	_ =	shalt  }
0x84: {  	_ =	shalt  }
0x85: {  	_ =	shalt  }
0x86: {  	_ =	shalt  }
0x87: {  	_ =	shalt  }
.Lfunc_end0:
.L_simem_size_0:
called_computation_lowered:
.L_overlay_start_0:
0x88: {  	s2 =	sld [smem:$0x3FD9]  }
0x89: {  	s3 =	sld [smem:$0x3FFE];
	_ =	sdelay $0x1  }
0x8a: {  	s1 =	srdreg.scid  }
0x8b: {  	s0 =	sand.u32 $0x1, s1  }
0x8c: {  	s17 =	sshll.u32 s0, $0xA;
	s2 =	sadd.s32 s3, s2  }
0x8d: {  	s2 =	sadd.s32 s2, s17  }
0x8e: {  	[smem:$0x3FC4] =	sst s2  }
0x8f: {  	_ = 	snop  }
0x90: {  	s2 =	sld [smem:$0x3FC7]  }
0x91: {  	s18 =	sld [smem:$0x3FC6]  }
0x92: {  	s4 =	sld [smem:$0x3FD0];
	(tm) =	ssettm $0x1  }
0x93: {  	s5 =	sld [smem:$0x3FFB];
	_ =	sdelay $0x3  }
0x94: {  	_ =	strace s5  }
0x95: {  	s5 =	sld [smem:$0x3FFC];
	_ =	sdelay $0x3  }
0x96: {  	_ =	strace s5  }
0x97: {  	s5 =	sld [smem:$0x3FFD];
	_ =	sdelay $0x3  }
0x98: {  	_ =	strace s5  }
0x99: {  	_ =	strace $0x8FFFFFFF  }
0x9a: {  	s19 =	sld [smem:$0x3FDB];
	_ =	sdelay $0x1  }
0x9b: {  	s6 =	simm.s32 $_scs_section_size  }
0x9c: {  	s7 =	simm.s32 $_size__tile_overlayer_lowered;
	s8 =	simm.s32 $_tile_overlayer_lowered  }
0x9d: {  	s22 =	simm.s32 $0x1BFF;
	s21 =	sshll.u32 s8, $0x1;
	s5 =	sadd.s32 s6, s19  }
0x9e: {  	s9 =	simm.s32 $0x0;
	s20 =	sshll.u32 s7, $0x1;
	s7 =	sadd.s32 s21, s5  }
0x9f: {  	[timem:s9], [sflag:s22] =	dma.local [hbm:s7], s20  }
0xa0: {  	_ =	swait.ge [sflag:s22], s20  }
0xa1: {  	s6 =	ssub.s32 $0x0, s20;
	[sflag:s22] =	ssyncset.done $0x0  }
0xa2: {  	[sflag:s22] =	ssyncadd.s32 s6;
	_ =	sdelay $0x1  }
0xa3: {  	s23 =	simm.s32 $0x1B8B  }
0xa4: {  	_ =	swait.ge [sflag:s23], $0x1  }
0xa5: {  	[sflag:s23] =	ssyncset.done $0x0  }
0xa6: {  	s25 =	simm.s32 $0x1B8E;
	s24 =	sld [smem:$0x3FFE];
	[sflag:s23] =	ssyncadd.s32 $0xFFFFFFFF  }
0xa7: {  	s26 =	simm.s32 $execute0_lowered;
	[smem:$0x3FD2] =	sst s25  }
0xa8: {  	s7 =	sshll.u32 s26, $0x1;
	_ =	strace $0x80000046;
	[dreg:$0x1] =	wrdreg $0xFFFFFFFF  }
0xa9: {  	s28 =	simm.s32 $_size_execute0_lowered;
	s5 =	sadd.s32 s5, s7;
	[dreg:$0x0] =	wrdreg $0x0  }
0xaa: {  	s7 =	sshll.u32 s28, $0x1;
	[dreg:$0x2] =	wrdreg s5  }
0xab: {  	[dreg:$0x3] =	wrdreg s7  }
0xac: {  	[dreg:$0x4] =	wrdreg $0xC0  }
0xad: {  	_ =	task [dreg:s9], $0x5FFFF  }
0xae: {  	[dreg:$0x1] =	wrdreg $0xFFFFFFFF  }
0xaf: {  	[dreg:$0x0] =	wrdreg $0x60  }
0xb0: {  	[dreg:$0x2] =	wrdreg s4  }
0xb1: {  	[dreg:$0x3] =	wrdreg s24  }
0xb2: {  	[dreg:$0x4] =	wrdreg s2  }
0xb3: {  	[dreg:$0x5] =	wrdreg s18  }
0xb4: {  	[dreg:$0x6] =	wrdreg $0x9  }
0xb5: {  	_ =	task.clear_ibuf [dreg:s9], $0x7FFFF;
	_ =	strace $0x90000046  }
0xb6: {  	s29 =	simm.s32 $0x9;
	_ =	strace $0x80000048  }
0xb7: {  	_ =	swait.ge [sflag:s29], $0x1  }
0xb8: {  	[sflag:s29] =	ssyncadd.s32 $0xFFFFFFFF  }
0xb9: {  	_ =	strace $0x90000048  }
0xba: {  	_ =	sfence  }
0xbb: {  	s30 =	sld [smem:$0x0];
	_ =	sdelay $0x2  }
0xbc: {  	s31 =	sshll.u32 s1, $0xD;
	s1 =	sshrl.u32 s1, $0x2  }
0xbd: {  	s3 =	sand.u32 $0x4000, s31;
	s1 =	sadd.s32 s1, s30  }
0xbe: {  	s0 =	sor.u32 s3, s0;
	s1 =	sshll.u32 s1, $0x11  }
0xbf: {  	s0 =	sor.u32 s1, s0  }
0xc0: {  	s0 =	sadd.s32 $0x8F2B, s0  }
0xc1: {  	[sflag:s0] =	ssyncadd.remote.s32 $0x1  }
0xc2: {  	_ =	sfence.sel $0xFFFF  }
0xc3: {  	[dreg:$0x0] =	wrdreg $0xFFFFFFFF;
	(pc) =	sbr.abs _section_cstart, $3  }
0xc4: {  	[dreg:$0x1] =	wrdreg $0xFFFFFFFF  }
0xc5: {  	_ =	task.clear_ibuf [dreg:s9], $0x2FFFF;
	_ =	strace $0x9FFFFFFF  }
0xc6: {  	(tm) =	ssettm $0x7FFFFFFF  }
0xc7: {  	_ =	shalt  }
tec
execute0_lowered:
.L_overlay_start_1:
0x0: {  	(tag) =	ssettag $0x1  }
0x1: {  	v0 =	vimm.s32 $0x3380;
	vm14 =	vcmask $0x300;
	vm13 =	vcmask $0x704  }
0x2: {  	vm12 =	vcmask $0xB08;
	vm11 =	vcmask $0xF0C;
	vm10 =	vcmask $0x1310  }
0x3: {  	vm9 =	vcmask $0x1714;
	vm8 =	vcmask $0x1B18;
	vm7 =	vcmask $0x1F1C  }
0x4: {  	vm6 =	vcmask $0x2320;
	vm5 =	vcmask $0x2724;
	vm4 =	vcmask $0x2B28  }
0x5: {  	vm3 =	vcmask $0x2F2C;
	vm2 =	vcmask $0x3330;
	vm1 =	vcmask $0x3734  }
0x6: {  	vm0 =	vcmask $0x3B38;
	v1 =	vimm.s32 $0x9380;
	v2 =	vimm.s32 $0xF380  }
0x7: {  	v3 =	vimm.s32 $0x15380;
	v0 =	vsel vm14, $0x0, v0;
	v1 =	vsel vm14, $0x6000, v1  }
0x8: {  	s0 =	rddreg [dreg:$0x0];
	v2 =	vsel vm14, $0xC000, v2;
	v3 =	vsel vm14, $0x12000, v3;
	v0 =	vsel vm13, $0x80, v0  }
0x9: {  	s8 =	rddreg [dreg:$0x1];
	s1 =	srdreg.scid;
	s5 =	simm.s32 $0x0;
	v1 =	vsel vm13, $0x6080, v1;
	v2 =	vsel vm13, $0xC080, v2;
	v3 =	vsel vm13, $0x12080, v3  }
0xa: {  	s2 =	stileid.u32;
	s12 =	simm.s32 $0xDC80;
	s13 =	simm.s32 $0x10C80;
	v0 =	vsel vm12, $0x100, v0;
	v1 =	vsel vm12, $0x6100, v1;
	v2 =	vsel vm12, $0xC100, v2  }
0xb: {  	s14 =	simm.s32 $0x13C80;
	s15 =	simm.s32 $0x16C80;
	s21 =	simm.s32 $0x1;
	v3 =	vsel vm12, $0x12100, v3;
	v0 =	vsel vm11, $0x180, v0;
	v1 =	vsel vm11, $0x6180, v1  }
0xc: {  	s16 =	simm.s32 $0x2;
	s1 =	sand.u32 $0x1, s1;
	[smem:$0x7FF] =	sst s5;
	v2 =	vsel vm11, $0xC180, v2;
	v3 =	vsel vm11, $0x12180, v3;
	v0 =	vsel vm10, $0x200, v0  }
0xd: {  	s2 =	sshll.u32 s2, $0x7;
	s22 =	sadd.s32 $0x1800, s8;
	s6 =	sadd.s32 $0x1000, s8;
	v1 =	vsel vm10, $0x6200, v1;
	v2 =	vsel vm10, $0xC200, v2;
	v3 =	vsel vm10, $0x12200, v3  }
0xe: {  	s7 =	sadd.s32 $0x400, s8;
	s3 =	sshll.u32 s1, $0x6;
	_ =	strace $0x80000047;
	v0 =	vsel vm9, $0x280, v0;
	v1 =	vsel vm9, $0x6280, v1;
	v2 =	vsel vm9, $0xC280, v2  }
0xf: {  	s1 =	ssub.s32 $0x2, s1;
	[dreg:$0x5] =	wrdreg s7;
	s2 =	sor.u32 s3, s2;
	v3 =	vsel vm9, $0x12280, v3;
	v0 =	vsel vm8, $0x300, v0;
	v1 =	vsel vm8, $0x6300, v1  }
0x10: {  	s4 =	sadd.s32 s2, s8;
	s0 =	sadd.s32 s0, s2;
	s23 =	sadd.s32 s22, s2;
	v2 =	vsel vm8, $0xC300, v2;
	v3 =	vsel vm8, $0x12300, v3;
	v0 =	vsel vm7, $0x380, v0  }
0x11: {  	s24 =	sor.u32 $0x10, s2;
	s26 =	sor.u32 $0x20, s2;
	[dreg:$0x6] =	wrdreg s0;
	v1 =	vsel vm7, $0x6380, v1;
	v2 =	vsel vm7, $0xC380, v2;
	v3 =	vsel vm7, $0x12380, v3  }
0x12: {  	s10 =	sor.u32 $0x30, s2;
	s2 =	sadd.s32 s6, s2;
	[dreg:$0x7] =	wrdreg s23;
	v0 =	vsel vm6, $0x3000, v0;
	v1 =	vsel vm6, $0x9000, v1;
	v2 =	vsel vm6, $0xF000, v2  }
0x13: {  	s7 =	sadd.s32 $0x2000, s8;
	s25 =	sadd.s32 s22, s24;
	[dreg:$0xc] =	wrdreg s2;
	v3 =	vsel vm6, $0x15000, v3;
	v0 =	vsel vm5, $0x3080, v0;
	v1 =	vsel vm5, $0x9080, v1  }
0x14: {  	s9 =	sshrl.u32 s1, $0x1;
	s11 =	sadd.s32 s22, s26;
	[dreg:$0x8] =	wrdreg s25;
	v2 =	vsel vm5, $0xF080, v2;
	v0 =	vsel vm4, $0x3100, v0;
	v1 =	vsel vm4, $0x9100, v1  }
0x15: {  	s8 =	sadd.s32 $0x42000, s8;
	s3 =	sadd.s32 s22, s10;
	[dreg:$0x9] =	wrdreg s11;
	v3 =	vsel vm5, $0x15080, v3;
	v0 =	vsel vm3, $0x3180, v0;
	v1 =	vsel vm3, $0x9180, v1  }
0x16: {  	s1 =	ssub.s32 s1, s9;
	s28 =	sadd.s32 $0x800, s4;
	[dreg:$0xa] =	wrdreg s3;
	v2 =	vsel vm4, $0xF100, v2;
	v0 =	vsel vm2, $0x3200, v0;
	v1 =	vsel vm2, $0x9200, v1  }
0x17: {  	s9 =	simm.s32 $0x4C80;
	s0 =	sadd.s32 s6, s24;
	[dreg:$0xb] =	wrdreg s28;
	v3 =	vsel vm4, $0x15100, v3;
	v0 =	vsel vm1, $0x3280, v0;
	v4 =	vsel vm1, $0x9280, v1  }
.Ltmp0:
0x18: {  	s29 =	sadd.s32 s6, s26;
	[dreg:$0xd] =	wrdreg s0;
	v1 =	vsel vm3, $0xF180, v2;
	v2 =	vsel vm3, $0x15180, v3;
	v3 =	vlaneseq.u32;
	(pc) =	sbr.rel .LBB2_1-.Ltmp0, $4  }
0x19: {  	s30 =	sadd.s32 s6, s10;
	s31 =	smax.u32 s1, $0x1;
	[dreg:$0xe] =	wrdreg s29;
	v0 =	vsel vm0, $0x3300, v0;
	v1 =	vsel vm2, $0xF200, v1;
	v2 =	vsel vm2, $0x15200, v2  }
0x1a: {  	s26 =	simm.s32 $0x480;
	s6 =	simm.s32 $0x1C80;
	[dreg:$0xf] =	wrdreg s30;
	v5 =	vsel vm1, $0xF280, v1;
	v6 =	vsel vm1, $0x15280, v2;
	v1 =	vmul.u32 $0x80, v3  }
0x1b: {  	s10 =	simm.s32 $0x7C80;
	s2 =	simm.s32 $0x0;
	[dreg:$0x10] =	wrdreg s31;
	v2 =	vsel vm0, $0x9300, v4;
	v3 =	vsel vm0, $0xF300, v5;
	v4 =	vsel vm0, $0x15300, v6  }
0x1c: {  	s25 =	simm.s32 $0x18480;
	s0 =	simm.s32 $0x15480;
	s11 =	simm.s32 $0xAC80;
	v5 =	vor.u32 $0x800, v1;
	v6 =	vor.u32 $0x1000, v1;
	v7 =	vor.u32 $0x1800, v1  }
.LBB2_25:
0x1d: {  	_ =	swait.ge [sflag:s21], $0xC000  }
0x1e: {  	[sflag:s21] =	ssyncset.done $0x0  }
0x1f: {  	[sflag:s21] =	ssyncadd.s32 $0xFFFF4000  }
0x20: {  	_ =	swait.ge [sflag:s16], $0xC000  }
0x21: {  	s2 =	rddreg [dreg:$0x11]  }
0x22: {  	s1 =	rddreg [dreg:$0x10];
	s2 =	sadd.s32 $0x1, s2  }
0x23: {  	p0 =	sne.s32 s2, s1  }
.Ltmp1:
0x24: {  	_ = 	snop;
	(pc) =	sbr.rel @!p0 .LBB2_26-.Ltmp1, $3  }
0x25: {  	_ =	sdelay $0x1  }
0x26: {  	[sflag:s16] =	ssyncset.done $0x0  }
0x27: {  	[sflag:s16] =	ssyncadd.s32 $0xFFFF4000  }
.LBB2_1:
0x28: {  	[dreg:$0x11] =	wrdreg s2  }
0x29: {  	s1 =	rddreg [dreg:$0x6];
	s17 =	simm.s32 $0x4  }
0x2a: {  	[tilespmem:s5], [sflag:$0x4] =	stream.linear.gather [hbm4b:s1+s5], $0x200, $0x38;
	[tilespmem:$0x1E480] =	vst v63  }
0x2b: {  	_ =	swait.ge [sflag:s17], $0x200  }
0x2c: {  	[sflag:s17] =	ssyncset.done $0x0  }
0x2d: {  	s3 =	simm.s32 $0x280;
	s18 =	rddreg [dreg:$0x7];
	[sflag:s17] =	ssyncadd.s32 $0xFFFFFE00  }
0x2e: {  	[tilespmem:s3], [sflag:$0x4] =	stream.linear.gather [hbm4b:s18+s5], $0x80, $0x38;
	[tilespmem:$0x1E480] =	vst v63  }
0x2f: {  	_ =	swait.ge [sflag:s17], $0x80  }
0x30: {  	[sflag:s17] =	ssyncset.done $0x0  }
0x31: {  	s20 =	simm.s32 $0x300;
	s19 =	rddreg [dreg:$0x8];
	[sflag:s17] =	ssyncadd.s32 $0xFFFFFF80  }
0x32: {  	[tilespmem:s20], [sflag:$0x4] =	stream.linear.gather [hbm4b:s19+s5], $0x80, $0x38;
	[tilespmem:$0x1E480] =	vst v63  }
0x33: {  	_ =	swait.ge [sflag:s17], $0x80  }
0x34: {  	[sflag:s17] =	ssyncset.done $0x0  }
0x35: {  	s23 =	simm.s32 $0x380;
	s22 =	rddreg [dreg:$0x9];
	[sflag:s17] =	ssyncadd.s32 $0xFFFFFF80  }
0x36: {  	[tilespmem:s23], [sflag:$0x4] =	stream.linear.gather [hbm4b:s22+s5], $0x80, $0x38;
	[tilespmem:$0x1E480] =	vst v63  }
0x37: {  	_ =	swait.ge [sflag:s17], $0x80  }
0x38: {  	[sflag:s17] =	ssyncset.done $0x0  }
0x39: {  	s28 =	simm.s32 $0x400;
	s24 =	rddreg [dreg:$0xa];
	[sflag:s17] =	ssyncadd.s32 $0xFFFFFF80  }
0x3a: {  	[tilespmem:s28], [sflag:$0x4] =	stream.linear.gather [hbm4b:s24+s5], $0x80, $0x38;
	[tilespmem:$0x1E480] =	vst v63  }
0x3b: {  	_ =	swait.ge [sflag:s17], $0x80  }
0x3c: {  	[sflag:s17] =	ssyncset.done $0x0  }
0x3d: {  	[sflag:s17] =	ssyncadd.s32 $0xFFFFFF80  }
0x3e: {  	s29 =	rddreg [dreg:$0x1]  }
0x3f: {  	[tilespmem:s25], [sflag:$0x4] =	stream.linear.gather [hbm4b:s29+s5], $0x2000, $0x38;
	[tilespmem:$0x1E480] =	vst v63  }
0x40: {  	_ =	swait.ge [sflag:s17], $0x2000  }
0x41: {  	[sflag:s17] =	ssyncset.done $0x0  }
0x42: {  	[sflag:s17] =	ssyncadd.s32 $0xFFFFE000  }
0x43: {  	v8 =	vld [tilespmem:$0x0];
	_ =	sdelay $0x4  }
0x44: {  	(v2sf) =	vpush v8, $0x0;
	_ =	sdelay $0xe  }
0x45: {  	v8 =	vld [tilespmem:$0x1F0];
	s2 =	spop (v2sf)  }
0x46: {  	s3 =	sshra.s32 s2, $0x7  }
0x47: {  	p0 =	slt.s32 s3, $0x1E7E;
	s17 =	smov.u32 s3  }
0x48: {  	s17 =	simm.s32 @!p0 $0x1E7E  }
0x49: {  	s18 =	sshll.u32 s17, $0x7  }
0x4a: {  	s1 =	rddreg [dreg:$0x2];
	(v2sf) =	vpush v8, $0xF;
	s18 =	sand.u32 $0x1FFFFF80, s18  }
0x4b: {  	s18 =	sadd.s32 s1, s18  }
0x4c: {  	[tilespmem:s26], [sflag:$0x1] =	stream.linear.gather [hbm4b:s18+s5], $0x1800, $0x38;
	[tilespmem:$0x1E480] =	vst v63  }
0x4d: {  	s4 =	simm.s32 $0x3480;
	s19 =	sadd.s32 $0xF4280, s18  }
0x4e: {  	[tilespmem:s4], [sflag:$0x1] =	stream.linear.gather [hbm4b:s19+s5], $0x1800, $0x38;
	[tilespmem:$0x1E480] =	vst v63  }
0x4f: {  	s31 =	simm.s32 $0x6480;
	s30 =	sadd.s32 $0x1E8500, s18  }
0x50: {  	[tilespmem:s31], [sflag:$0x1] =	stream.linear.gather [hbm4b:s30+s5], $0x1800, $0x38;
	[tilespmem:$0x1E480] =	vst v63  }
0x51: {  	s22 =	simm.s32 $0x9480;
	s20 =	sadd.s32 $0x2DC780, s18  }
0x52: {  	[tilespmem:s22], [sflag:$0x1] =	stream.linear.gather [hbm4b:s20+s5], $0x1800, $0x38;
	[tilespmem:$0x1E480] =	vst v63  }
0x53: {  	s24 =	simm.s32 $0xC480;
	p0 =	slt.s32 s3, $0x1E78;
	s23 =	sadd.s32 $0x3D0A00, s18  }
0x54: {  	[tilespmem:s24], [sflag:$0x1] =	stream.linear.gather [hbm4b:s23+s5], $0x1800, $0x38;
	[tilespmem:$0x1E480] =	vst v63  }
0x55: {  	s29 =	simm.s32 $0xF480;
	s3 =	simm.s32 @!p0 $0x1E78;
	s28 =	sadd.s32 $0x4C4C80, s18  }
0x56: {  	[tilespmem:s29], [sflag:$0x1] =	stream.linear.gather [hbm4b:s28+s5], $0x1800, $0x38;
	[tilespmem:$0x1E480] =	vst v63  }
0x57: {  	s3 =	sshll.u32 s3, $0xA;
	s30 =	sadd.s32 $0x5B8F00, s18;
	s31 =	simm.s32 $0x12480  }
0x58: {  	[tilespmem:s31], [sflag:$0x1] =	stream.linear.gather [hbm4b:s30+s5], $0x1800, $0x38;
	[tilespmem:$0x1E480] =	vst v63  }
0x59: {  	s3 =	sadd.s32 $0x1800, s3;
	s18 =	sadd.s32 $0x6AD180, s18;
	s28 =	spop (v2sf)  }
0x5a: {  	[tilespmem:s0], [sflag:$0x1] =	stream.linear.gather [hbm4b:s18+s5], $0x1800, $0x38;
	[tilespmem:$0x1E480] =	vst v63  }
0x5b: {  	s3 =	sshrl.u32 s3, $0x3;
	s18 =	sshra.s32 s28, $0x7  }
0x5c: {  	s3 =	sadd.s32 s1, s3;
	p0 =	slt.s32 s18, $0x1E83  }
0x5d: {  	[tilespmem:s6], [sflag:$0x2] =	stream.linear.gather [hbm4b:s3+s5], $0x1800, $0x38;
	[tilespmem:$0x1E480] =	vst v63  }
0x5e: {  	s18 =	simm.s32 @!p0 $0x1E83  }
0x5f: {  	s4 =	sadd.s32 $0xF4280, s3;
	s18 =	ssub.s32 s18, s17  }
0x60: {  	[tilespmem:s9], [sflag:$0x2] =	stream.linear.gather [hbm4b:s4+s5], $0x1800, $0x38;
	[tilespmem:$0x1E480] =	vst v63  }
0x61: {  	s19 =	sadd.s32 $0x1E8500, s3;
	s29 =	sadd.s32 $0x6, s18  }
0x62: {  	[tilespmem:s10], [sflag:$0x2] =	stream.linear.gather [hbm4b:s19+s5], $0x1800, $0x38;
	[tilespmem:$0x1E480] =	vst v63  }
0x63: {  	s20 =	sadd.s32 $0x2DC780, s3;
	s19 =	sshra.s32 s29, $0x1F  }
0x64: {  	[tilespmem:s11], [sflag:$0x2] =	stream.linear.gather [hbm4b:s20+s5], $0x1800, $0x38;
	[tilespmem:$0x1E480] =	vst v63  }
0x65: {  	s22 =	sadd.s32 $0x3D0A00, s3;
	s19 =	smul.u32 $0x2AAAAAAB, s19  }
0x66: {  	[tilespmem:s12], [sflag:$0x2] =	stream.linear.gather [hbm4b:s22+s5], $0x1800, $0x38;
	[tilespmem:$0x1E480] =	vst v63  }
0x67: {  	s23 =	sadd.s32 $0x4C4C80, s3;
	s20 =	smulhi.u32 $0x2AAAAAAB, s29  }
0x68: {  	[tilespmem:s13], [sflag:$0x2] =	stream.linear.gather [hbm4b:s23+s5], $0x1800, $0x38;
	[tilespmem:$0x1E480] =	vst v63  }
0x69: {  	s24 =	sadd.s32 $0x5B8F00, s3;
	s30 =	sadd.s32 s19, s20  }
0x6a: {  	[tilespmem:s14], [sflag:$0x2] =	stream.linear.gather [hbm4b:s24+s5], $0x1800, $0x38;
	[tilespmem:$0x1E480] =	vst v63  }
0x6b: {  	s3 =	sadd.s32 $0x6AD180, s3;
	s19 =	sshrl.u32 s30, $0x1F  }
0x6c: {  	[tilespmem:s15], [sflag:$0x2] =	stream.linear.gather [hbm4b:s3+s5], $0x1800, $0x38;
	[tilespmem:$0x1E480] =	vst v63  }
0x6d: {  	s3 =	sadd.s32 s19, s30  }
0x6e: {  	s19 =	smul.u32 $0xFFFFFFFA, s3  }
0x6f: {  	s31 =	ssub.s32 $0xFFFFFFFA, s18  }
0x70: {  	p6 =	slt.s32 s18, $0xFFFFFFFB;
	p1 =	sne.s32 s19, s31  }
0x71: {  	p0 =	por !p6, !p1  }
0x72: {  	s18 =	simm.s32 $0x1;
	p0 =	por !p0, !p0  }
0x73: {  	s18 =	simm.s32 @!p0 $0x0  }
.Ltmp2:
0x74: {  	s3 =	ssub.s32 s3, s18;
	(pc) =	sbr.rel .LBB2_2-.Ltmp2, $4  }
0x75: {  	p0 =	sgt.s32 s3, $0x1  }
0x76: {  	s20 =	simm.s32 $0x0;
	s3 =	simm.s32 @!p0 $0x1  }
0x77: {  	s22 =	simm.s32 $0x0;
	s24 =	sadd.s32 $0x6, s17;
	s3 =	sadd.s32 $0x1, s3  }
0x78: {  	s19 =	sadd.s32 $0x12, s17;
	s18 =	sadd.s32 $0xC, s17;
	s23 =	sshrl.u32 s3, $0x1  }
.LBB2_8:
0x79: {  	s20 =	smov.u32 @p0 s20;
	s2 =	smov.u32 @p0 s2  }
.LBB2_12:
0x7a: {  	s1 =	sadd.s32 s3, s19  }
0x7b: {  	p0 =	slt.s32 s1, $0x1E7E  }
0x7c: {  	s1 =	simm.s32 @!p0 $0x1E7E  }
0x7d: {  	s1 =	sshll.u32 s1, $0x7  }
0x7e: {  	s31 =	rddreg [dreg:$0x2];
	s1 =	sand.u32 $0x1FFFFF80, s1  }
0x7f: {  	s1 =	sadd.s32 s31, s1  }
0x80: {  	[tilespmem:s6], [sflag:$0x2] =	stream.linear.gather [hbm4b:s1+s5], $0x1800, $0x38;
	[tilespmem:$0x1E480] =	vst v63  }
0x81: {  	s3 =	sadd.s32 $0xF4280, s1  }
0x82: {  	[tilespmem:s9], [sflag:$0x2] =	stream.linear.gather [hbm4b:s3+s5], $0x1800, $0x38;
	[tilespmem:$0x1E480] =	vst v63  }
0x83: {  	s4 =	sadd.s32 $0x1E8500, s1  }
0x84: {  	[tilespmem:s10], [sflag:$0x2] =	stream.linear.gather [hbm4b:s4+s5], $0x1800, $0x38;
	[tilespmem:$0x1E480] =	vst v63  }
0x85: {  	s28 =	sadd.s32 $0x2DC780, s1  }
0x86: {  	[tilespmem:s11], [sflag:$0x2] =	stream.linear.gather [hbm4b:s28+s5], $0x1800, $0x38;
	[tilespmem:$0x1E480] =	vst v63  }
0x87: {  	s22 =	sadd.s32 $0x1, s22;
	s29 =	sadd.s32 $0x3D0A00, s1  }
0x88: {  	[tilespmem:s12], [sflag:$0x2] =	stream.linear.gather [hbm4b:s29+s5], $0x1800, $0x38;
	[tilespmem:$0x1E480] =	vst v63  }
0x89: {  	p0 =	sne.s32 s22, s23;
	s30 =	sadd.s32 $0x4C4C80, s1  }
0x8a: {  	[tilespmem:s13], [sflag:$0x2] =	stream.linear.gather [hbm4b:s30+s5], $0x1800, $0x38;
	[tilespmem:$0x1E480] =	vst v63  }
.Ltmp3:
0x8b: {  	_ = 	snop;
	(pc) =	sbr.rel @!p0 .LBB2_13-.Ltmp3, $4  }
0x8c: {  	s31 =	sadd.s32 $0x5B8F00, s1  }
0x8d: {  	[tilespmem:s14], [sflag:$0x2] =	stream.linear.gather [hbm4b:s31+s5], $0x1800, $0x38;
	[tilespmem:$0x1E480] =	vst v63  }
0x8e: {  	s1 =	sadd.s32 $0x6AD180, s1  }
0x8f: {  	[tilespmem:s15], [sflag:$0x2] =	stream.linear.gather [hbm4b:s1+s5], $0x1800, $0x38;
	[tilespmem:$0x1E480] =	vst v63  }
.LBB2_2:
0x90: {  	s3 =	smul.u32 $0xC, s22;
	_ =	sdelay $0x1  }
0x91: {  	s28 =	sadd.s32 s17, s3  }
0x92: {  	p0 =	slt.s32 s28, $0x1E7E  }
0x93: {  	s28 =	simm.s32 @!p0 $0x1E7E  }
0x94: {  	s28 =	sshll.u32 s28, $0x7  }
0x95: {  	s29 =	sadd.s32 $0x300, s28  }
0x96: {  	p2 =	sgt.s32 s2, $0xF41FF;
	p1 =	slt.s32 s2, s29  }
0x97: {  	p0 =	sgt.s32 s20, $0x1FF;
	p1 =	por p1, p2  }
0x98: {  	p1 =	por p0, !p1  }
.Ltmp4:
0x99: {  	_ = 	snop;
	(pc) =	sbr.rel @p1 .LBB2_3-.Ltmp4, $4  }
0x9a: {  	_ = 	snop  }
0x9b: {  	_ =	swait.ge [sflag:s21], $0xC000  }
0x9c: {  	[sflag:s21] =	ssyncset.done $0x0  }
0x9d: {  	[sflag:s21] =	ssyncadd.s32 $0xFFFF4000  }
0x9e: {  	s30 =	sshll.u32 s20, $0x2  }
0x9f: {  	s30 =	sshra.s32 s30, $0x2  }
0xa0: {  	s30 =	sadd.s32 $0x1, s30  }
.LBB2_5:
0xa1: {  	p0 =	sgt.s32 s2, $0xF41FF  }
0xa2: {  	s1 =	sadd.s32 @p0 $0xFFF0BE00, s2  }
0xa3: {  	v8 =	vadd.s32 @p0 s1, v1;
	_ =	sdelay $0x4  }
0xa4: {  	v8 =	vld.idx.msk @p0 [tilespmem:v8+s25+$0x0], $0xffff  }
0xa5: {  	v9 =	vadd.s32 @p0 s1, v5  }
0xa6: {  	s31 =	sand.u32 $0x7F, s20  }
0xa7: {  	s2 =	sshll.u32 @p0 s31, $0x9  }
0xa8: {  	s4 =	sshrl.u32 @p0 s2, $0x2  }
0xa9: {  	[tilespmem:s4+$0x1A480] =	vst @p0 v8  }
0xaa: {  	v8 =	vld.idx.msk @p0 [tilespmem:v9+s25+$0x0], $0xffff  }
0xab: {  	v9 =	vadd.s32 @p0 s1, v6;
	_ =	sdelay $0x3  }
0xac: {  	[tilespmem:s4+$0x1A490] =	vst @p0 v8  }
0xad: {  	v8 =	vld.idx.msk @p0 [tilespmem:v9+s25+$0x0], $0xffff  }
0xae: {  	v9 =	vadd.s32 @p0 s1, v7;
	_ =	sdelay $0x3  }
0xaf: {  	[tilespmem:s4+$0x1A4A0] =	vst @p0 v8  }
0xb0: {  	v8 =	vld.idx.msk @p0 [tilespmem:v9+s25+$0x0], $0xffff;
	_ =	sdelay $0x3  }
0xb1: {  	s2 =	ssub.s32 @!p0 s2, s28  }
0xb2: {  	v8 =	vmov @!p0 s2  }
0xb3: {  	v9 =	vshll.u32 @!p0 v8, $0x3  }
0xb4: {  	v8 =	vand.u32 @!p0 $0x7F, v8;
	v9 =	vand.u32 @!p0 $0xFFFFFC00, v9  }
0xb5: {  	v8 =	vor.u32 @!p0 v8, v9  }
0xb6: {  	v9 =	vadd.s32 @!p0 v0, v8;
	_ =	sdelay $0x4  }
0xb7: {  	v9 =	vld.idx.msk @!p0 [tilespmem:v9+s26+$0x0], $0xffff  }
0xb8: {  	v10 =	vadd.s32 @!p0 v2, v8;
	_ =	sdelay $0x1  }
0xb9: {  	s2 =	sshll.u32 @!p0 s31, $0x9  }
0xba: {  	s1 =	sshrl.u32 @!p0 s2, $0x2  }
0xbb: {  	[tilespmem:s1+$0x1A480] =	vst @!p0 v9  }
0xbc: {  	v9 =	vld.idx.msk @!p0 [tilespmem:v10+s26+$0x0], $0xffff  }
0xbd: {  	v10 =	vadd.s32 @!p0 v3, v8;
	_ =	sdelay $0x3  }
0xbe: {  	[tilespmem:s1+$0x1A490] =	vst @!p0 v9  }
0xbf: {  	v9 =	vld.idx.msk @!p0 [tilespmem:v10+s26+$0x0], $0xffff  }
0xc0: {  	v8 =	vadd.s32 @!p0 v4, v8;
	_ =	sdelay $0x3  }
0xc1: {  	[tilespmem:s1+$0x1A4A0] =	vst @!p0 v9  }
0xc2: {  	v8 =	vld.idx.msk @!p0 [tilespmem:v8+s26+$0x0], $0xffff;
	_ =	sdelay $0x2  }
0xc3: {  	p0 =	sne.s32 s31, $0x7F  }
0xc4: {  	s4 =	sshrl.u32 s2, $0x2;
	s2 =	sand.u32 @!p0 $0xFFFFFF80, s20  }
0xc5: {  	s1 =	sadd.s32 @!p0 $0x280, s2;
	s2 =	simm.s32 @!p0 $0x80;
	[tilespmem:s4+$0x1A4B0] =	vst v8;
	s4 =	simm.s32 @!p0 $0x1A480  }
0xc6: {  	[hbm4b:s7+s2] =	stream.indirect.scatter @!p0 [tilespmem:s4], [sflag:$0x3], $0x80, s1, s2, $0xb8;
	[tilespmem:$0x1E480] =	vst v63  }
0xc7: {  	s1 =	simm.s32 @!p0 $0x3  }
0xc8: {  	_ =	swait.ge @!p0 [sflag:s1], $0x4000  }
0xc9: {  	[sflag:s1] =	ssyncset.done @!p0 $0x0  }
0xca: {  	[sflag:s1] =	ssyncadd.s32 @!p0 $0xFFFFC000  }
0xcb: {  	v8 =	vld [tilespmem:s30+$0x0];
	_ =	sdelay $0x4  }
0xcc: {  	(v2sf) =	vpush v8, $0x0;
	_ =	sdelay $0xe  }
0xcd: {  	s2 =	spop (v2sf)  }
0xce: {  	p1 =	slt.s32 s2, s29;
	p2 =	sgt.s32 s2, $0xF41FF  }
0xcf: {  	p0 =	sgt.s32 s20, $0x1FE;
	p1 =	por p1, p2  }
0xd0: {  	p1 =	por p0, !p1  }
.Ltmp5:
0xd1: {  	_ = 	snop;
	(pc) =	sbr.rel @!p1 .LBB2_5-.Ltmp5, $3  }
0xd2: {  	_ =	sdelay $0x1  }
0xd3: {  	s31 =	sadd.s32 $0x1, s20  }
0xd4: {  	s20 =	smov.u32 s31;
	s30 =	sadd.s32 $0x1, s30  }
.Ltmp6:
0xd5: {  	(pc) =	sbr.rel .LBB2_7-.Ltmp6, $3  }
0xd6: {  	_ =	sdelay $0x1  }
0xd7: {  	s31 =	smov.u32 @p0 s31  }
0xd8: {  	s2 =	smov.u32 @p0 s2;
	s20 =	smov.u32 s31  }
.LBB2_3:
0xd9: {  	s20 =	smov.u32 @p0 s20;
	s2 =	smov.u32 @p0 s2  }
.LBB2_7:
0xda: {  	s1 =	sadd.s32 s3, s18  }
0xdb: {  	p0 =	slt.s32 s1, $0x1E7E  }
0xdc: {  	s1 =	simm.s32 @!p0 $0x1E7E  }
0xdd: {  	s1 =	sshll.u32 s1, $0x7  }
0xde: {  	s4 =	rddreg [dreg:$0x2];
	s1 =	sand.u32 $0x1FFFFF80, s1  }
0xdf: {  	s1 =	sadd.s32 s4, s1  }
0xe0: {  	[tilespmem:s26], [sflag:$0x1] =	stream.linear.gather [hbm4b:s1+s5], $0x1800, $0x38;
	[tilespmem:$0x1E480] =	vst v63  }
0xe1: {  	s28 =	simm.s32 $0x3480;
	s4 =	sadd.s32 $0xF4280, s1  }
0xe2: {  	[tilespmem:s28], [sflag:$0x1] =	stream.linear.gather [hbm4b:s4+s5], $0x1800, $0x38;
	[tilespmem:$0x1E480] =	vst v63  }
0xe3: {  	s31 =	sadd.s32 $0x1E8500, s1;
	s28 =	simm.s32 $0x6480  }
0xe4: {  	[tilespmem:s28], [sflag:$0x1] =	stream.linear.gather [hbm4b:s31+s5], $0x1800, $0x38;
	[tilespmem:$0x1E480] =	vst v63  }
0xe5: {  	s30 =	sadd.s32 $0x2DC780, s1;
	s28 =	simm.s32 $0x9480  }
0xe6: {  	[tilespmem:s28], [sflag:$0x1] =	stream.linear.gather [hbm4b:s30+s5], $0x1800, $0x38;
	[tilespmem:$0x1E480] =	vst v63  }
0xe7: {  	s31 =	sadd.s32 $0x3D0A00, s1;
	s28 =	simm.s32 $0xC480  }
0xe8: {  	[tilespmem:s28], [sflag:$0x1] =	stream.linear.gather [hbm4b:s31+s5], $0x1800, $0x38;
	[tilespmem:$0x1E480] =	vst v63  }
0xe9: {  	s30 =	sadd.s32 $0x4C4C80, s1;
	s28 =	simm.s32 $0xF480  }
0xea: {  	[tilespmem:s28], [sflag:$0x1] =	stream.linear.gather [hbm4b:s30+s5], $0x1800, $0x38;
	[tilespmem:$0x1E480] =	vst v63  }
0xeb: {  	s31 =	sadd.s32 $0x5B8F00, s1;
	s28 =	simm.s32 $0x12480  }
0xec: {  	[tilespmem:s28], [sflag:$0x1] =	stream.linear.gather [hbm4b:s31+s5], $0x1800, $0x38;
	[tilespmem:$0x1E480] =	vst v63  }
0xed: {  	s1 =	sadd.s32 $0x6AD180, s1  }
0xee: {  	[tilespmem:s0], [sflag:$0x1] =	stream.linear.gather [hbm4b:s1+s5], $0x1800, $0x38;
	[tilespmem:$0x1E480] =	vst v63  }
0xef: {  	s1 =	sadd.s32 s3, s24  }
0xf0: {  	p0 =	slt.s32 s1, $0x1E7E  }
0xf1: {  	s1 =	simm.s32 @!p0 $0x1E7E  }
0xf2: {  	s28 =	sshll.u32 s1, $0x7  }
0xf3: {  	s29 =	sadd.s32 $0x300, s28  }
0xf4: {  	p2 =	sgt.s32 s2, $0xF41FF;
	p1 =	slt.s32 s2, s29  }
0xf5: {  	p0 =	sgt.s32 s20, $0x1FF;
	p1 =	por p1, p2  }
0xf6: {  	p1 =	por p0, !p1  }
.Ltmp7:
0xf7: {  	_ = 	snop;
	(pc) =	sbr.rel @p1 .LBB2_8-.Ltmp7, $4  }
0xf8: {  	_ = 	snop  }
0xf9: {  	_ =	swait.ge [sflag:s16], $0xC000  }
0xfa: {  	[sflag:s16] =	ssyncset.done $0x0  }
0xfb: {  	[sflag:s16] =	ssyncadd.s32 $0xFFFF4000  }
0xfc: {  	s1 =	sshll.u32 s20, $0x2  }
0xfd: {  	s1 =	sshra.s32 s1, $0x2  }
0xfe: {  	s30 =	sadd.s32 $0x1, s1  }
.LBB2_10:
0xff: {  	p0 =	sgt.s32 s2, $0xF41FF  }
0x100: {  	s1 =	sadd.s32 @p0 $0xFFF0BE00, s2  }
0x101: {  	v8 =	vadd.s32 @p0 s1, v1;
	_ =	sdelay $0x4  }
0x102: {  	v8 =	vld.idx.msk @p0 [tilespmem:v8+s25+$0x0], $0xffff  }
0x103: {  	v9 =	vadd.s32 @p0 s1, v5  }
0x104: {  	s31 =	sand.u32 $0x7F, s20  }
0x105: {  	s2 =	sshll.u32 @p0 s31, $0x9  }
0x106: {  	s4 =	sshrl.u32 @p0 s2, $0x2  }
0x107: {  	[tilespmem:s4+$0x1A480] =	vst @p0 v8  }
0x108: {  	v8 =	vld.idx.msk @p0 [tilespmem:v9+s25+$0x0], $0xffff  }
0x109: {  	v9 =	vadd.s32 @p0 s1, v6;
	_ =	sdelay $0x3  }
0x10a: {  	[tilespmem:s4+$0x1A490] =	vst @p0 v8  }
0x10b: {  	v8 =	vld.idx.msk @p0 [tilespmem:v9+s25+$0x0], $0xffff  }
0x10c: {  	v9 =	vadd.s32 @p0 s1, v7;
	_ =	sdelay $0x3  }
0x10d: {  	[tilespmem:s4+$0x1A4A0] =	vst @p0 v8  }
0x10e: {  	v8 =	vld.idx.msk @p0 [tilespmem:v9+s25+$0x0], $0xffff;
	_ =	sdelay $0x2  }
0x10f: {  	s1 =	ssub.s32 @!p0 s2, s28  }
0x110: {  	s1 =	sadd.s32 @!p0 $0x300, s1  }
0x111: {  	v8 =	vmov @!p0 s1  }
0x112: {  	v9 =	vshll.u32 @!p0 v8, $0x3  }
0x113: {  	v8 =	vand.u32 @!p0 $0x7F, v8;
	v9 =	vand.u32 @!p0 $0xFFFFFC00, v9  }
0x114: {  	v8 =	vor.u32 @!p0 v8, v9  }
0x115: {  	v9 =	vadd.s32 @!p0 v0, v8;
	_ =	sdelay $0x4  }
0x116: {  	v9 =	vld.idx.msk @!p0 [tilespmem:v9+s26+$0x0], $0xffff  }
0x117: {  	v10 =	vadd.s32 @!p0 v2, v8;
	_ =	sdelay $0x1  }
0x118: {  	s2 =	sshll.u32 @!p0 s31, $0x9  }
0x119: {  	s1 =	sshrl.u32 @!p0 s2, $0x2  }
0x11a: {  	[tilespmem:s1+$0x1A480] =	vst @!p0 v9  }
0x11b: {  	v9 =	vld.idx.msk @!p0 [tilespmem:v10+s26+$0x0], $0xffff  }
0x11c: {  	v10 =	vadd.s32 @!p0 v3, v8;
	_ =	sdelay $0x3  }
0x11d: {  	[tilespmem:s1+$0x1A490] =	vst @!p0 v9  }
0x11e: {  	v9 =	vld.idx.msk @!p0 [tilespmem:v10+s26+$0x0], $0xffff  }
0x11f: {  	v8 =	vadd.s32 @!p0 v4, v8;
	_ =	sdelay $0x3  }
0x120: {  	[tilespmem:s1+$0x1A4A0] =	vst @!p0 v9  }
0x121: {  	v8 =	vld.idx.msk @!p0 [tilespmem:v8+s26+$0x0], $0xffff;
	_ =	sdelay $0x2  }
0x122: {  	p0 =	sne.s32 s31, $0x7F  }
0x123: {  	s4 =	sshrl.u32 s2, $0x2;
	s2 =	sand.u32 @!p0 $0xFFFFFF80, s20  }
0x124: {  	s1 =	sadd.s32 @!p0 $0x280, s2;
	s2 =	simm.s32 @!p0 $0x80;
	[tilespmem:s4+$0x1A4B0] =	vst v8;
	s4 =	simm.s32 @!p0 $0x1A480  }
0x125: {  	[hbm4b:s7+s2] =	stream.indirect.scatter @!p0 [tilespmem:s4], [sflag:$0x3], $0x80, s1, s2, $0xb8;
	[tilespmem:$0x1E480] =	vst v63  }
0x126: {  	s1 =	simm.s32 @!p0 $0x3  }
0x127: {  	_ =	swait.ge @!p0 [sflag:s1], $0x4000  }
0x128: {  	[sflag:s1] =	ssyncset.done @!p0 $0x0  }
0x129: {  	[sflag:s1] =	ssyncadd.s32 @!p0 $0xFFFFC000  }
0x12a: {  	v8 =	vld [tilespmem:s30+$0x0];
	_ =	sdelay $0x4  }
0x12b: {  	(v2sf) =	vpush v8, $0x0;
	_ =	sdelay $0xe  }
0x12c: {  	s2 =	spop (v2sf)  }
0x12d: {  	p1 =	slt.s32 s2, s29;
	p2 =	sgt.s32 s2, $0xF41FF  }
0x12e: {  	p0 =	sgt.s32 s20, $0x1FE;
	p1 =	por p1, p2  }
0x12f: {  	p1 =	por p0, !p1  }
.Ltmp8:
0x130: {  	_ = 	snop;
	(pc) =	sbr.rel @!p1 .LBB2_10-.Ltmp8, $3  }
0x131: {  	_ =	sdelay $0x1  }
0x132: {  	s31 =	sadd.s32 $0x1, s20  }
0x133: {  	s20 =	smov.u32 s31;
	s30 =	sadd.s32 $0x1, s30  }
.Ltmp9:
0x134: {  	(pc) =	sbr.rel .LBB2_12-.Ltmp9, $3  }
0x135: {  	_ =	sdelay $0x1  }
0x136: {  	s31 =	smov.u32 @p0 s31  }
0x137: {  	s2 =	smov.u32 @p0 s2;
	s20 =	smov.u32 s31  }
.LBB2_13:
0x138: {  	_ =	swait.ge [sflag:s21], $0xC000  }
0x139: {  	[sflag:s21] =	ssyncset.done $0x0  }
0x13a: {  	[sflag:s21] =	ssyncadd.s32 $0xFFFF4000  }
0x13b: {  	_ =	swait.ge [sflag:s16], $0xC000  }
0x13c: {  	s17 =	simm.s32 $0x0;
	[sflag:s16] =	ssyncset.done $0x0  }
0x13d: {  	s2 =	simm.s32 $0x4;
	s1 =	rddreg [dreg:$0xb];
	[sflag:s16] =	ssyncadd.s32 $0xFFFF4000  }
0x13e: {  	[tilespmem:s17], [sflag:$0x4] =	stream.linear.gather [hbm4b:s1+s17], $0x200, $0x38;
	[tilespmem:$0x1E480] =	vst v63  }
0x13f: {  	_ =	swait.ge [sflag:s2], $0x200  }
0x140: {  	[sflag:s2] =	ssyncset.done $0x0  }
0x141: {  	s3 =	simm.s32 $0x280;
	s31 =	rddreg [dreg:$0xc];
	[sflag:s2] =	ssyncadd.s32 $0xFFFFFE00  }
0x142: {  	[tilespmem:s3], [sflag:$0x4] =	stream.linear.gather [hbm4b:s31+s17], $0x80, $0x38;
	[tilespmem:$0x1E480] =	vst v63  }
0x143: {  	_ =	swait.ge [sflag:s2], $0x80  }
0x144: {  	[sflag:s2] =	ssyncset.done $0x0  }
0x145: {  	s4 =	simm.s32 $0x300;
	s3 =	rddreg [dreg:$0xd];
	[sflag:s2] =	ssyncadd.s32 $0xFFFFFF80  }
0x146: {  	[tilespmem:s4], [sflag:$0x4] =	stream.linear.gather [hbm4b:s3+s17], $0x80, $0x38;
	[tilespmem:$0x1E480] =	vst v63  }
0x147: {  	_ =	swait.ge [sflag:s2], $0x80  }
0x148: {  	[sflag:s2] =	ssyncset.done $0x0  }
0x149: {  	s19 =	simm.s32 $0x380;
	s18 =	rddreg [dreg:$0xe];
	[sflag:s2] =	ssyncadd.s32 $0xFFFFFF80  }
0x14a: {  	[tilespmem:s19], [sflag:$0x4] =	stream.linear.gather [hbm4b:s18+s17], $0x80, $0x38;
	[tilespmem:$0x1E480] =	vst v63  }
0x14b: {  	_ =	swait.ge [sflag:s2], $0x80  }
0x14c: {  	[sflag:s2] =	ssyncset.done $0x0  }
0x14d: {  	s22 =	simm.s32 $0x400;
	s20 =	rddreg [dreg:$0xf];
	[sflag:s2] =	ssyncadd.s32 $0xFFFFFF80  }
0x14e: {  	[tilespmem:s22], [sflag:$0x4] =	stream.linear.gather [hbm4b:s20+s17], $0x80, $0x38;
	[tilespmem:$0x1E480] =	vst v63  }
0x14f: {  	_ =	swait.ge [sflag:s2], $0x80  }
0x150: {  	[sflag:s2] =	ssyncset.done $0x0  }
0x151: {  	s23 =	rddreg [dreg:$0x5];
	[sflag:s2] =	ssyncadd.s32 $0xFFFFFF80  }
0x152: {  	[tilespmem:s25], [sflag:$0x4] =	stream.linear.gather [hbm4b:s23+s17], $0x2000, $0x38;
	[tilespmem:$0x1E480] =	vst v63  }
0x153: {  	_ =	swait.ge [sflag:s2], $0x2000  }
0x154: {  	[sflag:s2] =	ssyncset.done $0x0  }
0x155: {  	[sflag:s2] =	ssyncadd.s32 $0xFFFFE000  }
0x156: {  	v8 =	vld [tilespmem:$0x0];
	_ =	sdelay $0x4  }
0x157: {  	(v2sf) =	vpush v8, $0x0;
	_ =	sdelay $0xe  }
0x158: {  	v8 =	vld [tilespmem:$0x1F0];
	s2 =	spop (v2sf)  }
0x159: {  	s1 =	sshra.s32 s2, $0x7  }
0x15a: {  	p0 =	slt.s32 s1, $0x1E7E;
	s23 =	smov.u32 s1  }
0x15b: {  	s23 =	simm.s32 @!p0 $0x1E7E  }
0x15c: {  	s24 =	sshll.u32 s23, $0x7  }
0x15d: {  	s18 =	rddreg [dreg:$0x3];
	(v2sf) =	vpush v8, $0xF;
	s3 =	sand.u32 $0x1FFFFF80, s24  }
0x15e: {  	s3 =	sadd.s32 s18, s3  }
0x15f: {  	[tilespmem:s26], [sflag:$0x1] =	stream.linear.gather [hbm4b:s3+s17], $0x1800, $0x38;
	[tilespmem:$0x1E480] =	vst v63  }
0x160: {  	s19 =	simm.s32 $0x3480;
	s4 =	sadd.s32 $0xF4280, s3  }
0x161: {  	[tilespmem:s19], [sflag:$0x1] =	stream.linear.gather [hbm4b:s4+s17], $0x1800, $0x38;
	[tilespmem:$0x1E480] =	vst v63  }
0x162: {  	s29 =	simm.s32 $0x6480;
	s28 =	sadd.s32 $0x1E8500, s3  }
0x163: {  	[tilespmem:s29], [sflag:$0x1] =	stream.linear.gather [hbm4b:s28+s17], $0x1800, $0x38;
	[tilespmem:$0x1E480] =	vst v63  }
0x164: {  	s31 =	simm.s32 $0x9480;
	s30 =	sadd.s32 $0x2DC780, s3  }
0x165: {  	[tilespmem:s31], [sflag:$0x1] =	stream.linear.gather [hbm4b:s30+s17], $0x1800, $0x38;
	[tilespmem:$0x1E480] =	vst v63  }
0x166: {  	s22 =	simm.s32 $0xC480;
	p0 =	slt.s32 s1, $0x1E78;
	s20 =	sadd.s32 $0x3D0A00, s3  }
0x167: {  	[tilespmem:s22], [sflag:$0x1] =	stream.linear.gather [hbm4b:s20+s17], $0x1800, $0x38;
	[tilespmem:$0x1E480] =	vst v63  }
0x168: {  	s1 =	simm.s32 @!p0 $0x1E78;
	s24 =	sadd.s32 $0x4C4C80, s3;
	s28 =	simm.s32 $0xF480  }
0x169: {  	[tilespmem:s28], [sflag:$0x1] =	stream.linear.gather [hbm4b:s24+s17], $0x1800, $0x38;
	[tilespmem:$0x1E480] =	vst v63  }
0x16a: {  	s1 =	sshll.u32 s1, $0xA;
	s29 =	sadd.s32 $0x5B8F00, s3;
	s30 =	simm.s32 $0x12480  }
0x16b: {  	[tilespmem:s30], [sflag:$0x1] =	stream.linear.gather [hbm4b:s29+s17], $0x1800, $0x38;
	[tilespmem:$0x1E480] =	vst v63  }
0x16c: {  	s1 =	sadd.s32 $0x1800, s1;
	s3 =	sadd.s32 $0x6AD180, s3;
	s24 =	spop (v2sf)  }
0x16d: {  	[tilespmem:s0], [sflag:$0x1] =	stream.linear.gather [hbm4b:s3+s17], $0x1800, $0x38;
	[tilespmem:$0x1E480] =	vst v63  }
0x16e: {  	s1 =	sshrl.u32 s1, $0x3;
	s3 =	sshra.s32 s24, $0x7  }
0x16f: {  	s1 =	sadd.s32 s18, s1;
	p0 =	slt.s32 s3, $0x1E83  }
0x170: {  	[tilespmem:s6], [sflag:$0x2] =	stream.linear.gather [hbm4b:s1+s17], $0x1800, $0x38;
	[tilespmem:$0x1E480] =	vst v63  }
0x171: {  	s31 =	sadd.s32 $0xF4280, s1;
	s3 =	simm.s32 @!p0 $0x1E83  }
0x172: {  	[tilespmem:s9], [sflag:$0x2] =	stream.linear.gather [hbm4b:s31+s17], $0x1800, $0x38;
	[tilespmem:$0x1E480] =	vst v63  }
0x173: {  	s4 =	sadd.s32 $0x1E8500, s1;
	s3 =	ssub.s32 s3, s23  }
0x174: {  	[tilespmem:s10], [sflag:$0x2] =	stream.linear.gather [hbm4b:s4+s17], $0x1800, $0x38;
	[tilespmem:$0x1E480] =	vst v63  }
0x175: {  	s18 =	sadd.s32 $0x2DC780, s1;
	s19 =	sadd.s32 $0x3D0A00, s1;
	s28 =	sadd.s32 $0x6, s3  }
0x176: {  	[tilespmem:s11], [sflag:$0x2] =	stream.linear.gather [hbm4b:s18+s17], $0x1800, $0x38;
	[tilespmem:$0x1E480] =	vst v63  }
0x177: {  	s29 =	smulhi.u32 $0x2AAAAAAB, s28;
	s4 =	sshra.s32 s28, $0x1F  }
0x178: {  	[tilespmem:s12], [sflag:$0x2] =	stream.linear.gather [hbm4b:s19+s17], $0x1800, $0x38;
	[tilespmem:$0x1E480] =	vst v63  }
0x179: {  	s20 =	sadd.s32 $0x4C4C80, s1;
	s4 =	smul.u32 $0x2AAAAAAB, s4  }
0x17a: {  	[tilespmem:s13], [sflag:$0x2] =	stream.linear.gather [hbm4b:s20+s17], $0x1800, $0x38;
	[tilespmem:$0x1E480] =	vst v63  }
0x17b: {  	s22 =	sadd.s32 $0x5B8F00, s1;
	s30 =	sadd.s32 s4, s29  }
0x17c: {  	[tilespmem:s14], [sflag:$0x2] =	stream.linear.gather [hbm4b:s22+s17], $0x1800, $0x38;
	[tilespmem:$0x1E480] =	vst v63  }
0x17d: {  	s1 =	sadd.s32 $0x6AD180, s1;
	s4 =	sshrl.u32 s30, $0x1F  }
0x17e: {  	[tilespmem:s15], [sflag:$0x2] =	stream.linear.gather [hbm4b:s1+s17], $0x1800, $0x38;
	[tilespmem:$0x1E480] =	vst v63  }
0x17f: {  	s1 =	sadd.s32 s4, s30  }
0x180: {  	s4 =	smul.u32 $0xFFFFFFFA, s1  }
0x181: {  	s31 =	ssub.s32 $0xFFFFFFFA, s3  }
0x182: {  	p6 =	slt.s32 s3, $0xFFFFFFFB;
	p1 =	sne.s32 s4, s31  }
0x183: {  	p0 =	por !p6, !p1  }
0x184: {  	s3 =	simm.s32 $0x1;
	p0 =	por !p0, !p0  }
0x185: {  	s3 =	simm.s32 @!p0 $0x0  }
.Ltmp10:
0x186: {  	s1 =	ssub.s32 s1, s3;
	(pc) =	sbr.rel .LBB2_14-.Ltmp10, $4  }
0x187: {  	p0 =	sgt.s32 s1, $0x1  }
0x188: {  	s1 =	simm.s32 @!p0 $0x1  }
0x189: {  	s24 =	sadd.s32 $0xC, s23;
	s19 =	sadd.s32 $0x6, s23;
	s1 =	sadd.s32 $0x1, s1  }
0x18a: {  	s20 =	simm.s32 $0x0;
	s22 =	sadd.s32 $0x12, s23;
	s18 =	sshrl.u32 s1, $0x1  }
.LBB2_20:
0x18b: {  	s17 =	smov.u32 @p0 s17;
	s2 =	smov.u32 @p0 s2  }
.LBB2_24:
0x18c: {  	s1 =	sadd.s32 s3, s22  }
0x18d: {  	p0 =	slt.s32 s1, $0x1E7E  }
0x18e: {  	s1 =	simm.s32 @!p0 $0x1E7E  }
0x18f: {  	s1 =	sshll.u32 s1, $0x7  }
0x190: {  	s31 =	rddreg [dreg:$0x3];
	s1 =	sand.u32 $0x1FFFFF80, s1  }
0x191: {  	s1 =	sadd.s32 s31, s1  }
0x192: {  	[tilespmem:s6], [sflag:$0x2] =	stream.linear.gather [hbm4b:s1+s5], $0x1800, $0x38;
	[tilespmem:$0x1E480] =	vst v63  }
0x193: {  	s3 =	sadd.s32 $0xF4280, s1  }
0x194: {  	[tilespmem:s9], [sflag:$0x2] =	stream.linear.gather [hbm4b:s3+s5], $0x1800, $0x38;
	[tilespmem:$0x1E480] =	vst v63  }
0x195: {  	s4 =	sadd.s32 $0x1E8500, s1  }
0x196: {  	[tilespmem:s10], [sflag:$0x2] =	stream.linear.gather [hbm4b:s4+s5], $0x1800, $0x38;
	[tilespmem:$0x1E480] =	vst v63  }
0x197: {  	s28 =	sadd.s32 $0x2DC780, s1  }
0x198: {  	[tilespmem:s11], [sflag:$0x2] =	stream.linear.gather [hbm4b:s28+s5], $0x1800, $0x38;
	[tilespmem:$0x1E480] =	vst v63  }
0x199: {  	s20 =	sadd.s32 $0x1, s20;
	s29 =	sadd.s32 $0x3D0A00, s1  }
0x19a: {  	[tilespmem:s12], [sflag:$0x2] =	stream.linear.gather [hbm4b:s29+s5], $0x1800, $0x38;
	[tilespmem:$0x1E480] =	vst v63  }
0x19b: {  	p0 =	sne.s32 s20, s18;
	s30 =	sadd.s32 $0x4C4C80, s1  }
0x19c: {  	[tilespmem:s13], [sflag:$0x2] =	stream.linear.gather [hbm4b:s30+s5], $0x1800, $0x38;
	[tilespmem:$0x1E480] =	vst v63  }
.Ltmp11:
0x19d: {  	_ = 	snop;
	(pc) =	sbr.rel @!p0 .LBB2_25-.Ltmp11, $4  }
0x19e: {  	s31 =	sadd.s32 $0x5B8F00, s1  }
0x19f: {  	[tilespmem:s14], [sflag:$0x2] =	stream.linear.gather [hbm4b:s31+s5], $0x1800, $0x38;
	[tilespmem:$0x1E480] =	vst v63  }
0x1a0: {  	s1 =	sadd.s32 $0x6AD180, s1  }
0x1a1: {  	[tilespmem:s15], [sflag:$0x2] =	stream.linear.gather [hbm4b:s1+s5], $0x1800, $0x38;
	[tilespmem:$0x1E480] =	vst v63  }
.LBB2_14:
0x1a2: {  	s3 =	smul.u32 $0xC, s20;
	_ =	sdelay $0x1  }
0x1a3: {  	s1 =	sadd.s32 s23, s3  }
0x1a4: {  	p0 =	slt.s32 s1, $0x1E7E  }
0x1a5: {  	s1 =	simm.s32 @!p0 $0x1E7E  }
0x1a6: {  	s28 =	sshll.u32 s1, $0x7  }
0x1a7: {  	s29 =	sadd.s32 $0x300, s28  }
0x1a8: {  	p2 =	sgt.s32 s2, $0xF41FF;
	p1 =	slt.s32 s2, s29  }
0x1a9: {  	p0 =	sgt.s32 s17, $0x1FF;
	p1 =	por p1, p2  }
0x1aa: {  	p1 =	por p0, !p1  }
.Ltmp12:
0x1ab: {  	_ = 	snop;
	(pc) =	sbr.rel @p1 .LBB2_15-.Ltmp12, $4  }
0x1ac: {  	_ = 	snop  }
0x1ad: {  	_ =	swait.ge [sflag:s21], $0xC000  }
0x1ae: {  	[sflag:s21] =	ssyncset.done $0x0  }
0x1af: {  	[sflag:s21] =	ssyncadd.s32 $0xFFFF4000  }
0x1b0: {  	s1 =	sshll.u32 s17, $0x2  }
0x1b1: {  	s1 =	sshra.s32 s1, $0x2  }
0x1b2: {  	s30 =	sadd.s32 $0x1, s1  }
.LBB2_17:
0x1b3: {  	p0 =	sgt.s32 s2, $0xF41FF  }
0x1b4: {  	s1 =	sadd.s32 @p0 $0xFFF0BE00, s2  }
0x1b5: {  	v8 =	vadd.s32 @p0 s1, v1;
	_ =	sdelay $0x4  }
0x1b6: {  	v8 =	vld.idx.msk @p0 [tilespmem:v8+s25+$0x0], $0xffff  }
0x1b7: {  	v9 =	vadd.s32 @p0 s1, v5  }
0x1b8: {  	s31 =	sand.u32 $0x7F, s17  }
0x1b9: {  	s2 =	sshll.u32 @p0 s31, $0x9  }
0x1ba: {  	s4 =	sshrl.u32 @p0 s2, $0x2  }
0x1bb: {  	[tilespmem:s4+$0x1A480] =	vst @p0 v8  }
0x1bc: {  	v8 =	vld.idx.msk @p0 [tilespmem:v9+s25+$0x0], $0xffff  }
0x1bd: {  	v9 =	vadd.s32 @p0 s1, v6;
	_ =	sdelay $0x3  }
0x1be: {  	[tilespmem:s4+$0x1A490] =	vst @p0 v8  }
0x1bf: {  	v8 =	vld.idx.msk @p0 [tilespmem:v9+s25+$0x0], $0xffff  }
0x1c0: {  	v9 =	vadd.s32 @p0 s1, v7;
	_ =	sdelay $0x3  }
0x1c1: {  	[tilespmem:s4+$0x1A4A0] =	vst @p0 v8  }
0x1c2: {  	v8 =	vld.idx.msk @p0 [tilespmem:v9+s25+$0x0], $0xffff;
	_ =	sdelay $0x3  }
0x1c3: {  	s1 =	ssub.s32 @!p0 s2, s28  }
0x1c4: {  	v8 =	vmov @!p0 s1  }
0x1c5: {  	v9 =	vshll.u32 @!p0 v8, $0x3  }
0x1c6: {  	v8 =	vand.u32 @!p0 $0x7F, v8;
	v9 =	vand.u32 @!p0 $0xFFFFFC00, v9  }
0x1c7: {  	v8 =	vor.u32 @!p0 v8, v9  }
0x1c8: {  	v9 =	vadd.s32 @!p0 v0, v8;
	_ =	sdelay $0x4  }
0x1c9: {  	v9 =	vld.idx.msk @!p0 [tilespmem:v9+s26+$0x0], $0xffff  }
0x1ca: {  	v10 =	vadd.s32 @!p0 v2, v8;
	_ =	sdelay $0x1  }
0x1cb: {  	s2 =	sshll.u32 @!p0 s31, $0x9  }
0x1cc: {  	s1 =	sshrl.u32 @!p0 s2, $0x2  }
0x1cd: {  	[tilespmem:s1+$0x1A480] =	vst @!p0 v9  }
0x1ce: {  	v9 =	vld.idx.msk @!p0 [tilespmem:v10+s26+$0x0], $0xffff  }
0x1cf: {  	v10 =	vadd.s32 @!p0 v3, v8;
	_ =	sdelay $0x3  }
0x1d0: {  	[tilespmem:s1+$0x1A490] =	vst @!p0 v9  }
0x1d1: {  	v9 =	vld.idx.msk @!p0 [tilespmem:v10+s26+$0x0], $0xffff  }
0x1d2: {  	v8 =	vadd.s32 @!p0 v4, v8;
	_ =	sdelay $0x3  }
0x1d3: {  	[tilespmem:s1+$0x1A4A0] =	vst @!p0 v9  }
0x1d4: {  	v8 =	vld.idx.msk @!p0 [tilespmem:v8+s26+$0x0], $0xffff;
	_ =	sdelay $0x2  }
0x1d5: {  	p0 =	sne.s32 s31, $0x7F  }
0x1d6: {  	s4 =	sshrl.u32 s2, $0x2;
	s2 =	sand.u32 @!p0 $0xFFFFFF80, s17  }
0x1d7: {  	s1 =	sadd.s32 @!p0 $0x280, s2;
	s2 =	simm.s32 @!p0 $0x80;
	[tilespmem:s4+$0x1A4B0] =	vst v8;
	s4 =	simm.s32 @!p0 $0x1A480  }
0x1d8: {  	[hbm4b:s8+s2] =	stream.indirect.scatter @!p0 [tilespmem:s4], [sflag:$0x3], $0x80, s1, s2, $0xb8;
	[tilespmem:$0x1E480] =	vst v63  }
0x1d9: {  	s1 =	simm.s32 @!p0 $0x3  }
0x1da: {  	_ =	swait.ge @!p0 [sflag:s1], $0x4000  }
0x1db: {  	[sflag:s1] =	ssyncset.done @!p0 $0x0  }
0x1dc: {  	[sflag:s1] =	ssyncadd.s32 @!p0 $0xFFFFC000  }
0x1dd: {  	v8 =	vld [tilespmem:s30+$0x0];
	_ =	sdelay $0x4  }
0x1de: {  	(v2sf) =	vpush v8, $0x0;
	_ =	sdelay $0xe  }
0x1df: {  	s2 =	spop (v2sf)  }
0x1e0: {  	p1 =	slt.s32 s2, s29;
	p2 =	sgt.s32 s2, $0xF41FF  }
0x1e1: {  	p0 =	sgt.s32 s17, $0x1FE;
	p1 =	por p1, p2  }
0x1e2: {  	p1 =	por p0, !p1  }
.Ltmp13:
0x1e3: {  	_ = 	snop;
	(pc) =	sbr.rel @!p1 .LBB2_17-.Ltmp13, $3  }
0x1e4: {  	_ =	sdelay $0x1  }
0x1e5: {  	s31 =	sadd.s32 $0x1, s17  }
0x1e6: {  	s17 =	smov.u32 s31;
	s30 =	sadd.s32 $0x1, s30  }
.Ltmp14:
0x1e7: {  	(pc) =	sbr.rel .LBB2_19-.Ltmp14, $3  }
0x1e8: {  	_ =	sdelay $0x1  }
0x1e9: {  	s31 =	smov.u32 @p0 s31  }
0x1ea: {  	s2 =	smov.u32 @p0 s2;
	s17 =	smov.u32 s31  }
.LBB2_15:
0x1eb: {  	s17 =	smov.u32 @p0 s17;
	s2 =	smov.u32 @p0 s2  }
.LBB2_19:
0x1ec: {  	s1 =	sadd.s32 s3, s24  }
0x1ed: {  	p0 =	slt.s32 s1, $0x1E7E  }
0x1ee: {  	s1 =	simm.s32 @!p0 $0x1E7E  }
0x1ef: {  	s1 =	sshll.u32 s1, $0x7  }
0x1f0: {  	s4 =	rddreg [dreg:$0x3];
	s1 =	sand.u32 $0x1FFFFF80, s1  }
0x1f1: {  	s1 =	sadd.s32 s4, s1  }
0x1f2: {  	[tilespmem:s26], [sflag:$0x1] =	stream.linear.gather [hbm4b:s1+s5], $0x1800, $0x38;
	[tilespmem:$0x1E480] =	vst v63  }
0x1f3: {  	s28 =	simm.s32 $0x3480;
	s4 =	sadd.s32 $0xF4280, s1  }
0x1f4: {  	[tilespmem:s28], [sflag:$0x1] =	stream.linear.gather [hbm4b:s4+s5], $0x1800, $0x38;
	[tilespmem:$0x1E480] =	vst v63  }
0x1f5: {  	s31 =	sadd.s32 $0x1E8500, s1;
	s28 =	simm.s32 $0x6480  }
0x1f6: {  	[tilespmem:s28], [sflag:$0x1] =	stream.linear.gather [hbm4b:s31+s5], $0x1800, $0x38;
	[tilespmem:$0x1E480] =	vst v63  }
0x1f7: {  	s30 =	sadd.s32 $0x2DC780, s1;
	s28 =	simm.s32 $0x9480  }
0x1f8: {  	[tilespmem:s28], [sflag:$0x1] =	stream.linear.gather [hbm4b:s30+s5], $0x1800, $0x38;
	[tilespmem:$0x1E480] =	vst v63  }
0x1f9: {  	s31 =	sadd.s32 $0x3D0A00, s1;
	s28 =	simm.s32 $0xC480  }
0x1fa: {  	[tilespmem:s28], [sflag:$0x1] =	stream.linear.gather [hbm4b:s31+s5], $0x1800, $0x38;
	[tilespmem:$0x1E480] =	vst v63  }
0x1fb: {  	s30 =	sadd.s32 $0x4C4C80, s1;
	s28 =	simm.s32 $0xF480  }
0x1fc: {  	[tilespmem:s28], [sflag:$0x1] =	stream.linear.gather [hbm4b:s30+s5], $0x1800, $0x38;
	[tilespmem:$0x1E480] =	vst v63  }
0x1fd: {  	s31 =	sadd.s32 $0x5B8F00, s1;
	s28 =	simm.s32 $0x12480  }
0x1fe: {  	[tilespmem:s28], [sflag:$0x1] =	stream.linear.gather [hbm4b:s31+s5], $0x1800, $0x38;
	[tilespmem:$0x1E480] =	vst v63  }
0x1ff: {  	s1 =	sadd.s32 $0x6AD180, s1  }
0x200: {  	[tilespmem:s0], [sflag:$0x1] =	stream.linear.gather [hbm4b:s1+s5], $0x1800, $0x38;
	[tilespmem:$0x1E480] =	vst v63  }
0x201: {  	s1 =	sadd.s32 s3, s19  }
0x202: {  	p0 =	slt.s32 s1, $0x1E7E  }
0x203: {  	s1 =	simm.s32 @!p0 $0x1E7E  }
0x204: {  	s28 =	sshll.u32 s1, $0x7  }
0x205: {  	s29 =	sadd.s32 $0x300, s28  }
0x206: {  	p2 =	sgt.s32 s2, $0xF41FF;
	p1 =	slt.s32 s2, s29  }
0x207: {  	p0 =	sgt.s32 s17, $0x1FF;
	p1 =	por p1, p2  }
0x208: {  	p1 =	por p0, !p1  }
.Ltmp15:
0x209: {  	_ = 	snop;
	(pc) =	sbr.rel @p1 .LBB2_20-.Ltmp15, $4  }
0x20a: {  	_ = 	snop  }
0x20b: {  	_ =	swait.ge [sflag:s16], $0xC000  }
0x20c: {  	[sflag:s16] =	ssyncset.done $0x0  }
0x20d: {  	[sflag:s16] =	ssyncadd.s32 $0xFFFF4000  }
0x20e: {  	s1 =	sshll.u32 s17, $0x2  }
0x20f: {  	s1 =	sshra.s32 s1, $0x2  }
0x210: {  	s30 =	sadd.s32 $0x1, s1  }
.LBB2_22:
0x211: {  	p0 =	sgt.s32 s2, $0xF41FF  }
0x212: {  	s1 =	sadd.s32 @p0 $0xFFF0BE00, s2  }
0x213: {  	v8 =	vadd.s32 @p0 s1, v1;
	_ =	sdelay $0x4  }
0x214: {  	v8 =	vld.idx.msk @p0 [tilespmem:v8+s25+$0x0], $0xffff  }
0x215: {  	v9 =	vadd.s32 @p0 s1, v5  }
0x216: {  	s31 =	sand.u32 $0x7F, s17  }
0x217: {  	s2 =	sshll.u32 @p0 s31, $0x9  }
0x218: {  	s4 =	sshrl.u32 @p0 s2, $0x2  }
0x219: {  	[tilespmem:s4+$0x1A480] =	vst @p0 v8  }
0x21a: {  	v8 =	vld.idx.msk @p0 [tilespmem:v9+s25+$0x0], $0xffff  }
0x21b: {  	v9 =	vadd.s32 @p0 s1, v6;
	_ =	sdelay $0x3  }
0x21c: {  	[tilespmem:s4+$0x1A490] =	vst @p0 v8  }
0x21d: {  	v8 =	vld.idx.msk @p0 [tilespmem:v9+s25+$0x0], $0xffff  }
0x21e: {  	v9 =	vadd.s32 @p0 s1, v7;
	_ =	sdelay $0x3  }
0x21f: {  	[tilespmem:s4+$0x1A4A0] =	vst @p0 v8  }
0x220: {  	v8 =	vld.idx.msk @p0 [tilespmem:v9+s25+$0x0], $0xffff;
	_ =	sdelay $0x2  }
0x221: {  	s1 =	ssub.s32 @!p0 s2, s28  }
0x222: {  	s1 =	sadd.s32 @!p0 $0x300, s1  }
0x223: {  	v8 =	vmov @!p0 s1  }
0x224: {  	v9 =	vshll.u32 @!p0 v8, $0x3  }
0x225: {  	v8 =	vand.u32 @!p0 $0x7F, v8;
	v9 =	vand.u32 @!p0 $0xFFFFFC00, v9  }
0x226: {  	v8 =	vor.u32 @!p0 v8, v9  }
0x227: {  	v9 =	vadd.s32 @!p0 v0, v8;
	_ =	sdelay $0x4  }
0x228: {  	v9 =	vld.idx.msk @!p0 [tilespmem:v9+s26+$0x0], $0xffff  }
0x229: {  	v10 =	vadd.s32 @!p0 v2, v8;
	_ =	sdelay $0x1  }
0x22a: {  	s2 =	sshll.u32 @!p0 s31, $0x9  }
0x22b: {  	s1 =	sshrl.u32 @!p0 s2, $0x2  }
0x22c: {  	[tilespmem:s1+$0x1A480] =	vst @!p0 v9  }
0x22d: {  	v9 =	vld.idx.msk @!p0 [tilespmem:v10+s26+$0x0], $0xffff  }
0x22e: {  	v10 =	vadd.s32 @!p0 v3, v8;
	_ =	sdelay $0x3  }
0x22f: {  	[tilespmem:s1+$0x1A490] =	vst @!p0 v9  }
0x230: {  	v9 =	vld.idx.msk @!p0 [tilespmem:v10+s26+$0x0], $0xffff  }
0x231: {  	v8 =	vadd.s32 @!p0 v4, v8;
	_ =	sdelay $0x3  }
0x232: {  	[tilespmem:s1+$0x1A4A0] =	vst @!p0 v9  }
0x233: {  	v8 =	vld.idx.msk @!p0 [tilespmem:v8+s26+$0x0], $0xffff;
	_ =	sdelay $0x2  }
0x234: {  	p0 =	sne.s32 s31, $0x7F  }
0x235: {  	s4 =	sshrl.u32 s2, $0x2;
	s2 =	sand.u32 @!p0 $0xFFFFFF80, s17  }
0x236: {  	s1 =	sadd.s32 @!p0 $0x280, s2;
	s2 =	simm.s32 @!p0 $0x80;
	[tilespmem:s4+$0x1A4B0] =	vst v8;
	s4 =	simm.s32 @!p0 $0x1A480  }
0x237: {  	[hbm4b:s8+s2] =	stream.indirect.scatter @!p0 [tilespmem:s4], [sflag:$0x3], $0x80, s1, s2, $0xb8;
	[tilespmem:$0x1E480] =	vst v63  }
0x238: {  	s1 =	simm.s32 @!p0 $0x3  }
0x239: {  	_ =	swait.ge @!p0 [sflag:s1], $0x4000  }
0x23a: {  	[sflag:s1] =	ssyncset.done @!p0 $0x0  }
0x23b: {  	[sflag:s1] =	ssyncadd.s32 @!p0 $0xFFFFC000  }
0x23c: {  	v8 =	vld [tilespmem:s30+$0x0];
	_ =	sdelay $0x4  }
0x23d: {  	(v2sf) =	vpush v8, $0x0;
	_ =	sdelay $0xe  }
0x23e: {  	s2 =	spop (v2sf)  }
0x23f: {  	p1 =	slt.s32 s2, s29;
	p2 =	sgt.s32 s2, $0xF41FF  }
0x240: {  	p0 =	sgt.s32 s17, $0x1FE;
	p1 =	por p1, p2  }
0x241: {  	p1 =	por p0, !p1  }
.Ltmp16:
0x242: {  	_ = 	snop;
	(pc) =	sbr.rel @!p1 .LBB2_22-.Ltmp16, $3  }
0x243: {  	_ =	sdelay $0x1  }
0x244: {  	s31 =	sadd.s32 $0x1, s17  }
0x245: {  	s17 =	smov.u32 s31;
	s30 =	sadd.s32 $0x1, s30  }
.Ltmp17:
0x246: {  	(pc) =	sbr.rel .LBB2_24-.Ltmp17, $3  }
0x247: {  	_ =	sdelay $0x1  }
0x248: {  	s31 =	smov.u32 @p0 s31  }
0x249: {  	s2 =	smov.u32 @p0 s2;
	s17 =	smov.u32 s31  }
.LBB2_26:
0x24a: {  	_ =	sfence.sel $0x180000  }
0x24b: {  	[bflag:$0x0] =	sbarrier.arrive $0xFFFF  }
0x24c: {  	_ =	strace $0x90000047  }
0x24d: {  	s0 =	stileid.u32;
	[bflag:$0x2] =	sbarrier.arrive $0xFFFF  }
0x24e: {  	p0 =	sne.s32 s0, $0x0;
	s0 =	rddreg [dreg:$0x4]  }
0x24f: {  	s0 =	sadd.s32 @!p0 $0x100000, s0  }
0x250: {  	[sflag:s0] =	ssyncadd.tile.s32 @!p0 $0x1;
	_ =	shalt  }
.Lfunc_end2:
_tile_overlayer_lowered:
.L_overlay_start_2:
0x251: {  	(tag) =	ssettag $0x2  }
0x252: {  	s0 =	rddreg [dreg:$0x0];
	s2 =	stileid.u32  }
0x253: {  	s1 =	rddreg [dreg:$0x1];
	p0 =	sne.s32 s2, $0x0  }
0x254: {  	s3 =	rddreg [dreg:$0x2];
	[bflag:$0x3] =	sbarrier.arrive $0xFFFF;
	s2 =	simm.s32 @!p0 $0x1C04  }
0x255: {  	[timem:s3], [sflag:s2] =	dma.local @!p0 [hbm:s0], s1  }
0x256: {  	s0 =	simm.s32 @!p0 $0x4  }
0x257: {  	_ =	swait.ge @!p0 [sflag:s0], s1  }
0x258: {  	s1 =	ssub.s32 @!p0 $0x0, s1;
	[sflag:s0] =	ssyncset.done @!p0 $0x0  }
0x259: {  	[sflag:s0] =	ssyncadd.s32 @!p0 s1  }
0x25a: {  	[bflag:$0x3] =	sbarrier.arrive $0xFFFF  }
0x25b: {  	_ =	shalt  }

</sc_bundles>
